<compile_context>
chip_gen: v7x
topology: tpu7x:2x2x1
jax: 0.10.2.dev20260603
libtpu: 0.0.44.dev20260713+nightly
codegen_flags: <defaults>
</compile_context>

<pallas_src>
import functools

import jax
import jax.numpy as jnp
from jax import lax
from jax.experimental import pallas as pl
from jax.experimental.pallas import tpu as pltpu
from jax.experimental.pallas import tpu_sc as plsc

VOC = 1000001
DIM = 64
NC = 2
NS = 16
NW = NC * NS
CH = 128
NRB = 4
NWB = 2
LEAD = 3

PAIR_BLK = 16384
HALF_BLK = PAIR_BLK // 2
PB_SHIFT = PAIR_BLK.bit_length() - 1
assert PAIR_BLK == 1 << PB_SHIFT
N_BLK = (VOC + PAIR_BLK - 1) // PAIR_BLK

def _pair_body(x_ref, o_ref):
    t = x_ref[...].T
    o_ref[:, 0:DIM] = t[0:HALF_BLK, :]
    o_ref[:, DIM : 2 * DIM] = t[HALF_BLK:PAIR_BLK, :]


def _pair_table(emb_t):
    return pl.pallas_call(
        _pair_body,
        grid=(N_BLK,),
        in_specs=[pl.BlockSpec((DIM, PAIR_BLK), lambda i: (0, i))],
        out_specs=pl.BlockSpec((HALF_BLK, 2 * DIM), lambda i: (i, 0)),
        out_shape=jax.ShapeDtypeStruct((N_BLK * HALF_BLK, 2 * DIM),
                                       jnp.float32),
    )(emb_t)


def _make_gather(nbatch: int, hist: int):
    total = nbatch * hist
    assert total % (NW * CH * NRB) == 0
    assert nbatch % CH == 0
    bpw = total // NW
    nch = bpw // CH
    assert nch % NRB == 0 and nch >= 2 * NRB

    mesh = plsc.VectorSubcoreMesh(core_axis_name="c", subcore_axis_name="s")

    @functools.partial(
        pl.kernel,
        mesh=mesh,
        out_type=jax.ShapeDtypeStruct((total, DIM), jnp.float32),
        scratch_types=[
            pltpu.VMEM((nch, CH), jnp.int32),
            pltpu.VMEM((NRB, CH), jnp.int32),
            pltpu.VMEM((NRB, CH), jnp.int32),
            pltpu.VMEM((NRB, CH, 2 * DIM), jnp.float32),
            pltpu.VMEM((NWB, CH, DIM), jnp.float32),
            pltpu.SemaphoreType.DMA,
            pltpu.SemaphoreType.DMA,
        ],
    )
    def emb(table_hbm, idx_hbm, out_hbm, idx_v, pair_v, half_v, rows_v,
            outb_v, gsem, wsem):
        wid = lax.axis_index("s") * NC + lax.axis_index("c")
        base = wid * bpw
        pltpu.sync_copy(idx_hbm.at[wid], idx_v)

        def prep_chunk(j, slot):
            for g in range(CH // 16):
                r = idx_v[j, pl.ds(g * 16, 16)]
                blk = lax.shift_right_logical(r, PB_SHIFT)
                pair_v[slot, pl.ds(g * 16, 16)] = (
                    lax.shift_left(blk, PB_SHIFT - 1)
                    + lax.bitwise_and(r, HALF_BLK - 1))
                half_v[slot, pl.ds(g * 16, 16)] = lax.shift_left(
                    lax.bitwise_and(
                        lax.shift_right_logical(r, PB_SHIFT - 1), 1), 6)

        def start_gather(slot):
            pltpu.async_copy(
                table_hbm.at[pair_v.at[slot]], rows_v.at[slot], gsem)

        def wait_gather(slot):
            pltpu.make_async_copy(
                table_hbm.at[pair_v.at[slot]], rows_v.at[slot], gsem).wait()

        def repack(rs, os):
            @pl.loop(0, CH // 16)
            def grp(g):
                hv = half_v[rs, pl.ds(g * 16, 16)]
                for e in range(16):
                    i = g * 16 + e
                    off = hv[e]
                    for k in range(DIM // 16):
                        outb_v[os, i, pl.ds(k * 16, 16)] = (
                            rows_v[rs, i, pl.ds(off + k * 16, 16)])

        def start_write(j, os):
            pltpu.async_copy(
                outb_v.at[os], out_hbm.at[pl.ds(base + j * CH, CH)], wsem)

        def wait_write(os):
            pltpu.make_async_copy(
                outb_v.at[os], out_hbm.at[pl.ds(base, CH)], wsem).wait()

        for j in range(LEAD):
            prep_chunk(j, j)
            start_gather(j)

        @pl.loop(0, nch)
        def step(j):
            rs = lax.bitwise_and(j, NRB - 1)
            os = lax.bitwise_and(j, NWB - 1)
            wait_gather(rs)

            @pl.when(j >= NWB)
            def _():
                wait_write(os)

            repack(rs, os)
            start_write(j, os)

            @pl.when(j + LEAD < nch)
            def _():
                prep_chunk(j + LEAD, lax.bitwise_and(j + LEAD, NRB - 1))
                start_gather(lax.bitwise_and(j + LEAD, NRB - 1))

        for j in range(nch - NWB, nch):
            wait_write(j % NWB)

    return emb


def kernel(x, embeddings):
    batch, hist = x.shape
    total = batch * hist
    table2 = _pair_table(embeddings.T)
    idx = x.T.reshape(NW, total // (NW * CH), CH)
    out = _make_gather(batch, hist)(table2, idx)
    return out.reshape(hist, batch, DIM).transpose(1, 0, 2)

# --- scband reference (transcript-rebuilt; emitter-appended) ---
"""Pipeline reference for scband-embedding-layer-64166811402633 (READ-ONLY COPY).

The authoritative reference and input builder live on the scoring server;
editing this copy changes nothing except your own understanding.
"""

import jax, jax.numpy as jnp
import numpy as np

VOCAB = 1000000
DIM = 64
PAD_IDX = VOCAB  # use_padding=True appends one extra row; padding_index == original vocab size
BATCH = 16384
HIST = 20


def setup_inputs(seed: int = 0) -> dict:
    key = jax.random.key(seed)
    k1, k2 = jax.random.split(key)
    x = jax.random.randint(k1, (BATCH, HIST), 0, VOCAB, dtype=jnp.int32)
    # Parameter table: torch init is zeros, but use small random values so outputs are nontrivial.
    embeddings = jax.random.normal(k2, (VOCAB + 1, DIM), dtype=jnp.float32) * 0.02
    return {"x": x, "embeddings": embeddings}


def reference(x, embeddings):
    # torch.nn.functional.embedding(x, embeddings, padding_idx=PAD_IDX)
    # Forward is a pure row gather; padding_idx only affects the backward pass.
    return jnp.take(embeddings, x, axis=0)

if __name__ == "__main__":
    import jax
    _d = setup_inputs()
    print(jax.jit(kernel)(*tuple(_d.values())))

</pallas_src>

<mosaic_0001>
#map = affine_map<(d0, d1) -> (0, 0)>
#map1 = affine_map<(d0, d1) -> (0, 0, 0)>
module attributes {stable_mosaic.version = 14 : i64} {
  func.func @emb(%arg0: i32, %arg1: i32, %arg2: memref<507904x128xf32, #tpu.memory_space<hbm>>, %arg3: memref<32x80x128xi32, #tpu.memory_space<hbm>>, %arg4: memref<327680x64xf32, #tpu.memory_space<hbm>>, %arg5: memref<80x128xi32, #tpu.memory_space<vmem>>, %arg6: memref<4x128xi32, #tpu.memory_space<vmem>>, %arg7: memref<4x128xi32, #tpu.memory_space<vmem>>, %arg8: memref<4x128x128xf32, #tpu.memory_space<vmem>>, %arg9: memref<2x128x64xf32, #tpu.memory_space<vmem>>, %arg10: memref<!tpu.dma_semaphore, #tpu.memory_space<semaphore_mem>>, %arg11: memref<!tpu.dma_semaphore, #tpu.memory_space<semaphore_mem>>) attributes {dimension_semantics = [#tpu.dimension_semantics<core_parallel>, #tpu.dimension_semantics<subcore_parallel>], iteration_bounds = array<i64: 2, 16>, scalar_prefetch = 0 : i64, scratch_operands = 7 : i64, tpu.core_type = #tpu.core_type<sc_vector_subcore>, window_params = [{transform_indices = #map}, {transform_indices = #map1}, {transform_indices = #map}]} {
    %mul3A = arith.constant 2 : i32
    %mul3A_0 = arith.muli %arg1, %mul3A : i32
    %add3A = arith.addi %mul3A_0, %arg0 : i32
    %mul3A_1 = arith.constant 10240 : i32
    %mul3A_2 = arith.muli %add3A, %mul3A_1 : i32
    "tpu.region"() ({
      %run_scoped3A = tpu.sem_alloc : memref<!tpu.dma_semaphore, #tpu.memory_space<semaphore_mem>>
      %dma_start3A_926 = arith.constant 0 : i32
      %dma_start3A_927 = arith.constant 0 : i32
      %dma_start3A_928 = tpu.memref_slice %arg3[%add3A, %dma_start3A_926, %dma_start3A_927] : memref<32x80x128xi32, #tpu.memory_space<hbm>> -> memref<1x80x128xi32, #tpu.memory_space<hbm>>
      %dma_start3A_929 = tpu.memref_squeeze %dma_start3A_928 : memref<1x80x128xi32, #tpu.memory_space<hbm>> -> memref<80x128xi32, #tpu.memory_space<hbm>>
      %dma_start3A_930 = arith.constant 0 : i32
      %dma_start3A_931 = arith.constant 0 : i32
      %dma_start3A_932 = tpu.memref_slice %arg3[%add3A, %dma_start3A_930, %dma_start3A_931] : memref<32x80x128xi32, #tpu.memory_space<hbm>> -> memref<1x80x128xi32, #tpu.memory_space<hbm>>
      %dma_start3A_933 = tpu.memref_squeeze %dma_start3A_932 : memref<1x80x128xi32, #tpu.memory_space<hbm>> -> memref<80x128xi32, #tpu.memory_space<hbm>>
      tpu.enqueue_dma source(%dma_start3A_933 : memref<80x128xi32, #tpu.memory_space<hbm>>) target(%arg5 : memref<80x128xi32, #tpu.memory_space<vmem>>) target_semaphore(%run_scoped3A : memref<!tpu.dma_semaphore, #tpu.memory_space<semaphore_mem>>)
      %dma_wait3A_934 = arith.constant 0 : i32
      %dma_wait3A_935 = arith.constant 0 : i32
      %dma_wait3A_936 = tpu.memref_slice %arg3[%add3A, %dma_wait3A_934, %dma_wait3A_935] : memref<32x80x128xi32, #tpu.memory_space<hbm>> -> memref<1x80x128xi32, #tpu.memory_space<hbm>>
      %dma_wait3A_937 = tpu.memref_squeeze %dma_wait3A_936 : memref<1x80x128xi32, #tpu.memory_space<hbm>> -> memref<80x128xi32, #tpu.memory_space<hbm>>
      %dma_wait3A_938 = arith.constant 0 : i32
      %dma_wait3A_939 = arith.constant 0 : i32
      %dma_wait3A_940 = tpu.memref_slice %arg3[%add3A, %dma_wait3A_938, %dma_wait3A_939] : memref<32x80x128xi32, #tpu.memory_space<hbm>> -> memref<1x80x128xi32, #tpu.memory_space<hbm>>
      %dma_wait3A_941 = tpu.memref_squeeze %dma_wait3A_940 : memref<1x80x128xi32, #tpu.memory_space<hbm>> -> memref<80x128xi32, #tpu.memory_space<hbm>>
      tpu.wait_dma2 semaphore(%run_scoped3A : memref<!tpu.dma_semaphore, #tpu.memory_space<semaphore_mem>>) src(%dma_wait3A_941 : memref<80x128xi32, #tpu.memory_space<hbm>>) dst(%arg5 : memref<80x128xi32, #tpu.memory_space<vmem>>)
      tpu.yield
    }) : () -> ()
    %get3A = arith.constant 0 : i32
    %get3A_3 = arith.index_cast %get3A : i32 to index
    %get3A_4 = arith.constant 0 : index
    %get3A_5 = tpu.vector_load %arg5[%get3A_3, %get3A_4] {strides = array<i32>} : memref<80x128xi32, #tpu.memory_space<vmem>>, vector<1x16xi32>,
    %get3A_6 = vector.shape_cast %get3A_5 : vector<1x16xi32> to vector<16xi32>
    %shift_right_logical3A = arith.constant 14 : i32
    %shift_right_logical3A_7 = vector.broadcast %shift_right_logical3A : i32 to vector<16xi32>
    %shift_right_logical3A_8 = arith.shrui %get3A_6, %shift_right_logical3A_7 : vector<16xi32>
    %shift_left3A = arith.constant 13 : i32
    %shift_left3A_9 = vector.broadcast %shift_left3A : i32 to vector<16xi32>
    %shift_left3A_10 = arith.shli %shift_right_logical3A_8, %shift_left3A_9 : vector<16xi32>
    %and3A = arith.constant 8191 : i32
    %and3A_11 = vector.broadcast %and3A : i32 to vector<16xi32>
    %and3A_12 = arith.andi %get3A_6, %and3A_11 : vector<16xi32>
    %add3A_13 = arith.addi %shift_left3A_10, %and3A_12 : vector<16xi32>
    %swap3A = arith.constant 0 : i32
    %swap3A_14 = arith.index_cast %swap3A : i32 to index
    %swap3A_15 = arith.constant 0 : index
    %swap3A_16 = tpu.vector_load %arg6[%swap3A_14, %swap3A_15] {strides = array<i32>} : memref<4x128xi32, #tpu.memory_space<vmem>>, vector<1x16xi32>,
    %swap3A_17 = vector.shape_cast %swap3A_16 : vector<1x16xi32> to vector<16xi32>
    %swap3A_18 = vector.shape_cast %add3A_13 : vector<16xi32> to vector<1x16xi32>
    tpu.vector_store %arg6[%swap3A_14, %swap3A_15], %swap3A_18 {strides = array<i32>} : memref<4x128xi32, #tpu.memory_space<vmem>>, vector<1x16xi32>,
    %shift_right_logical3A_19 = arith.constant 13 : i32
    %shift_right_logical3A_20 = vector.broadcast %shift_right_logical3A_19 : i32 to vector<16xi32>
    %shift_right_logical3A_21 = arith.shrui %get3A_6, %shift_right_logical3A_20 : vector<16xi32>
    %and3A_22 = arith.constant 1 : i32
    %and3A_23 = vector.broadcast %and3A_22 : i32 to vector<16xi32>
    %and3A_24 = arith.andi %shift_right_logical3A_21, %and3A_23 : vector<16xi32>
    %shift_left3A_25 = arith.constant 6 : i32
    %shift_left3A_26 = vector.broadcast %shift_left3A_25 : i32 to vector<16xi32>
    %shift_left3A_27 = arith.shli %and3A_24, %shift_left3A_26 : vector<16xi32>
    %swap3A_28 = arith.constant 0 : i32
    %swap3A_29 = arith.index_cast %swap3A_28 : i32 to index
    %swap3A_30 = arith.constant 0 : index
    %swap3A_31 = tpu.vector_load %arg7[%swap3A_29, %swap3A_30] {strides = array<i32>} : memref<4x128xi32, #tpu.memory_space<vmem>>, vector<1x16xi32>,
    %swap3A_32 = vector.shape_cast %swap3A_31 : vector<1x16xi32> to vector<16xi32>
    %swap3A_33 = vector.shape_cast %shift_left3A_27 : vector<16xi32> to vector<1x16xi32>
    tpu.vector_store %arg7[%swap3A_29, %swap3A_30], %swap3A_33 {strides = array<i32>} : memref<4x128xi32, #tpu.memory_space<vmem>>, vector<1x16xi32>,
    %get3A_34 = arith.constant 0 : i32
    %get3A_35 = arith.index_cast %get3A_34 : i32 to index
    %get3A_36 = arith.constant 16 : index
    %get3A_37 = tpu.vector_load %arg5[%get3A_35, %get3A_36] {strides = array<i32>} : memref<80x128xi32, #tpu.memory_space<vmem>>, vector<1x16xi32>,
    %get3A_38 = vector.shape_cast %get3A_37 : vector<1x16xi32> to vector<16xi32>
    %shift_right_logical3A_39 = arith.constant 14 : i32
    %shift_right_logical3A_40 = vector.broadcast %shift_right_logical3A_39 : i32 to vector<16xi32>
    %shift_right_logical3A_41 = arith.shrui %get3A_38, %shift_right_logical3A_40 : vector<16xi32>
    %shift_left3A_42 = arith.constant 13 : i32
    %shift_left3A_43 = vector.broadcast %shift_left3A_42 : i32 to vector<16xi32>
    %shift_left3A_44 = arith.shli %shift_right_logical3A_41, %shift_left3A_43 : vector<16xi32>
    %and3A_45 = arith.constant 8191 : i32
    %and3A_46 = vector.broadcast %and3A_45 : i32 to vector<16xi32>
    %and3A_47 = arith.andi %get3A_38, %and3A_46 : vector<16xi32>
    %add3A_48 = arith.addi %shift_left3A_44, %and3A_47 : vector<16xi32>
    %swap3A_49 = arith.constant 0 : i32
    %swap3A_50 = arith.index_cast %swap3A_49 : i32 to index
    %swap3A_51 = arith.constant 16 : index
    %swap3A_52 = tpu.vector_load %arg6[%swap3A_50, %swap3A_51] {strides = array<i32>} : memref<4x128xi32, #tpu.memory_space<vmem>>, vector<1x16xi32>,
    %swap3A_53 = vector.shape_cast %swap3A_52 : vector<1x16xi32> to vector<16xi32>
    %swap3A_54 = vector.shape_cast %add3A_48 : vector<16xi32> to vector<1x16xi32>
    tpu.vector_store %arg6[%swap3A_50, %swap3A_51], %swap3A_54 {strides = array<i32>} : memref<4x128xi32, #tpu.memory_space<vmem>>, vector<1x16xi32>,
    %shift_right_logical3A_55 = arith.constant 13 : i32
    %shift_right_logical3A_56 = vector.broadcast %shift_right_logical3A_55 : i32 to vector<16xi32>
    %shift_right_logical3A_57 = arith.shrui %get3A_38, %shift_right_logical3A_56 : vector<16xi32>
    %and3A_58 = arith.constant 1 : i32
    %and3A_59 = vector.broadcast %and3A_58 : i32 to vector<16xi32>
    %and3A_60 = arith.andi %shift_right_logical3A_57, %and3A_59 : vector<16xi32>
    %shift_left3A_61 = arith.constant 6 : i32
    %shift_left3A_62 = vector.broadcast %shift_left3A_61 : i32 to vector<16xi32>
    %shift_left3A_63 = arith.shli %and3A_60, %shift_left3A_62 : vector<16xi32>
    %swap3A_64 = arith.constant 0 : i32
    %swap3A_65 = arith.index_cast %swap3A_64 : i32 to index
    %swap3A_66 = arith.constant 16 : index
    %swap3A_67 = tpu.vector_load %arg7[%swap3A_65, %swap3A_66] {strides = array<i32>} : memref<4x128xi32, #tpu.memory_space<vmem>>, vector<1x16xi32>,
    %swap3A_68 = vector.shape_cast %swap3A_67 : vector<1x16xi32> to vector<16xi32>
    %swap3A_69 = vector.shape_cast %shift_left3A_63 : vector<16xi32> to vector<1x16xi32>
    tpu.vector_store %arg7[%swap3A_65, %swap3A_66], %swap3A_69 {strides = array<i32>} : memref<4x128xi32, #tpu.memory_space<vmem>>, vector<1x16xi32>,
    %get3A_70 = arith.constant 0 : i32
    %get3A_71 = arith.index_cast %get3A_70 : i32 to index
    %get3A_72 = arith.constant 32 : index
    %get3A_73 = tpu.vector_load %arg5[%get3A_71, %get3A_72] {strides = array<i32>} : memref<80x128xi32, #tpu.memory_space<vmem>>, vector<1x16xi32>,
    %get3A_74 = vector.shape_cast %get3A_73 : vector<1x16xi32> to vector<16xi32>
    %shift_right_logical3A_75 = arith.constant 14 : i32
    %shift_right_logical3A_76 = vector.broadcast %shift_right_logical3A_75 : i32 to vector<16xi32>
    %shift_right_logical3A_77 = arith.shrui %get3A_74, %shift_right_logical3A_76 : vector<16xi32>
    %shift_left3A_78 = arith.constant 13 : i32
    %shift_left3A_79 = vector.broadcast %shift_left3A_78 : i32 to vector<16xi32>
    %shift_left3A_80 = arith.shli %shift_right_logical3A_77, %shift_left3A_79 : vector<16xi32>
    %and3A_81 = arith.constant 8191 : i32
    %and3A_82 = vector.broadcast %and3A_81 : i32 to vector<16xi32>
    %and3A_83 = arith.andi %get3A_74, %and3A_82 : vector<16xi32>
    %add3A_84 = arith.addi %shift_left3A_80, %and3A_83 : vector<16xi32>
    %swap3A_85 = arith.constant 0 : i32
    %swap3A_86 = arith.index_cast %swap3A_85 : i32 to index
    %swap3A_87 = arith.constant 32 : index
    %swap3A_88 = tpu.vector_load %arg6[%swap3A_86, %swap3A_87] {strides = array<i32>} : memref<4x128xi32, #tpu.memory_space<vmem>>, vector<1x16xi32>,
    %swap3A_89 = vector.shape_cast %swap3A_88 : vector<1x16xi32> to vector<16xi32>
    %swap3A_90 = vector.shape_cast %add3A_84 : vector<16xi32> to vector<1x16xi32>
    tpu.vector_store %arg6[%swap3A_86, %swap3A_87], %swap3A_90 {strides = array<i32>} : memref<4x128xi32, #tpu.memory_space<vmem>>, vector<1x16xi32>,
    %shift_right_logical3A_91 = arith.constant 13 : i32
    %shift_right_logical3A_92 = vector.broadcast %shift_right_logical3A_91 : i32 to vector<16xi32>
    %shift_right_logical3A_93 = arith.shrui %get3A_74, %shift_right_logical3A_92 : vector<16xi32>
    %and3A_94 = arith.constant 1 : i32
    %and3A_95 = vector.broadcast %and3A_94 : i32 to vector<16xi32>
    %and3A_96 = arith.andi %shift_right_logical3A_93, %and3A_95 : vector<16xi32>
    %shift_left3A_97 = arith.constant 6 : i32
    %shift_left3A_98 = vector.broadcast %shift_left3A_97 : i32 to vector<16xi32>
    %shift_left3A_99 = arith.shli %and3A_96, %shift_left3A_98 : vector<16xi32>
    %swap3A_100 = arith.constant 0 : i32
    %swap3A_101 = arith.index_cast %swap3A_100 : i32 to index
    %swap3A_102 = arith.constant 32 : index
    %swap3A_103 = tpu.vector_load %arg7[%swap3A_101, %swap3A_102] {strides = array<i32>} : memref<4x128xi32, #tpu.memory_space<vmem>>, vector<1x16xi32>,
    %swap3A_104 = vector.shape_cast %swap3A_103 : vector<1x16xi32> to vector<16xi32>
    %swap3A_105 = vector.shape_cast %shift_left3A_99 : vector<16xi32> to vector<1x16xi32>
    tpu.vector_store %arg7[%swap3A_101, %swap3A_102], %swap3A_105 {strides = array<i32>} : memref<4x128xi32, #tpu.memory_space<vmem>>, vector<1x16xi32>,
    %get3A_106 = arith.constant 0 : i32
    %get3A_107 = arith.index_cast %get3A_106 : i32 to index
    %get3A_108 = arith.constant 48 : index
    %get3A_109 = tpu.vector_load %arg5[%get3A_107, %get3A_108] {strides = array<i32>} : memref<80x128xi32, #tpu.memory_space<vmem>>, vector<1x16xi32>,
    %get3A_110 = vector.shape_cast %get3A_109 : vector<1x16xi32> to vector<16xi32>
    %shift_right_logical3A_111 = arith.constant 14 : i32
    %shift_right_logical3A_112 = vector.broadcast %shift_right_logical3A_111 : i32 to vector<16xi32>
    %shift_right_logical3A_113 = arith.shrui %get3A_110, %shift_right_logical3A_112 : vector<16xi32>
    %shift_left3A_114 = arith.constant 13 : i32
    %shift_left3A_115 = vector.broadcast %shift_left3A_114 : i32 to vector<16xi32>
    %shift_left3A_116 = arith.shli %shift_right_logical3A_113, %shift_left3A_115 : vector<16xi32>
    %and3A_117 = arith.constant 8191 : i32
    %and3A_118 = vector.broadcast %and3A_117 : i32 to vector<16xi32>
    %and3A_119 = arith.andi %get3A_110, %and3A_118 : vector<16xi32>
    %add3A_120 = arith.addi %shift_left3A_116, %and3A_119 : vector<16xi32>
    %swap3A_121 = arith.constant 0 : i32
    %swap3A_122 = arith.index_cast %swap3A_121 : i32 to index
    %swap3A_123 = arith.constant 48 : index
    %swap3A_124 = tpu.vector_load %arg6[%swap3A_122, %swap3A_123] {strides = array<i32>} : memref<4x128xi32, #tpu.memory_space<vmem>>, vector<1x16xi32>,
    %swap3A_125 = vector.shape_cast %swap3A_124 : vector<1x16xi32> to vector<16xi32>
    %swap3A_126 = vector.shape_cast %add3A_120 : vector<16xi32> to vector<1x16xi32>
    tpu.vector_store %arg6[%swap3A_122, %swap3A_123], %swap3A_126 {strides = array<i32>} : memref<4x128xi32, #tpu.memory_space<vmem>>, vector<1x16xi32>,
    %shift_right_logical3A_127 = arith.constant 13 : i32
    %shift_right_logical3A_128 = vector.broadcast %shift_right_logical3A_127 : i32 to vector<16xi32>
    %shift_right_logical3A_129 = arith.shrui %get3A_110, %shift_right_logical3A_128 : vector<16xi32>
    %and3A_130 = arith.constant 1 : i32
    %and3A_131 = vector.broadcast %and3A_130 : i32 to vector<16xi32>
    %and3A_132 = arith.andi %shift_right_logical3A_129, %and3A_131 : vector<16xi32>
    %shift_left3A_133 = arith.constant 6 : i32
    %shift_left3A_134 = vector.broadcast %shift_left3A_133 : i32 to vector<16xi32>
    %shift_left3A_135 = arith.shli %and3A_132, %shift_left3A_134 : vector<16xi32>
    %swap3A_136 = arith.constant 0 : i32
    %swap3A_137 = arith.index_cast %swap3A_136 : i32 to index
    %swap3A_138 = arith.constant 48 : index
    %swap3A_139 = tpu.vector_load %arg7[%swap3A_137, %swap3A_138] {strides = array<i32>} : memref<4x128xi32, #tpu.memory_space<vmem>>, vector<1x16xi32>,
    %swap3A_140 = vector.shape_cast %swap3A_139 : vector<1x16xi32> to vector<16xi32>
    %swap3A_141 = vector.shape_cast %shift_left3A_135 : vector<16xi32> to vector<1x16xi32>
    tpu.vector_store %arg7[%swap3A_137, %swap3A_138], %swap3A_141 {strides = array<i32>} : memref<4x128xi32, #tpu.memory_space<vmem>>, vector<1x16xi32>,
    %get3A_142 = arith.constant 0 : i32
    %get3A_143 = arith.index_cast %get3A_142 : i32 to index
    %get3A_144 = arith.constant 64 : index
    %get3A_145 = tpu.vector_load %arg5[%get3A_143, %get3A_144] {strides = array<i32>} : memref<80x128xi32, #tpu.memory_space<vmem>>, vector<1x16xi32>,
    %get3A_146 = vector.shape_cast %get3A_145 : vector<1x16xi32> to vector<16xi32>
    %shift_right_logical3A_147 = arith.constant 14 : i32
    %shift_right_logical3A_148 = vector.broadcast %shift_right_logical3A_147 : i32 to vector<16xi32>
    %shift_right_logical3A_149 = arith.shrui %get3A_146, %shift_right_logical3A_148 : vector<16xi32>
    %shift_left3A_150 = arith.constant 13 : i32
    %shift_left3A_151 = vector.broadcast %shift_left3A_150 : i32 to vector<16xi32>
    %shift_left3A_152 = arith.shli %shift_right_logical3A_149, %shift_left3A_151 : vector<16xi32>
    %and3A_153 = arith.constant 8191 : i32
    %and3A_154 = vector.broadcast %and3A_153 : i32 to vector<16xi32>
    %and3A_155 = arith.andi %get3A_146, %and3A_154 : vector<16xi32>
    %add3A_156 = arith.addi %shift_left3A_152, %and3A_155 : vector<16xi32>
    %swap3A_157 = arith.constant 0 : i32
    %swap3A_158 = arith.index_cast %swap3A_157 : i32 to index
    %swap3A_159 = arith.constant 64 : index
    %swap3A_160 = tpu.vector_load %arg6[%swap3A_158, %swap3A_159] {strides = array<i32>} : memref<4x128xi32, #tpu.memory_space<vmem>>, vector<1x16xi32>,
    %swap3A_161 = vector.shape_cast %swap3A_160 : vector<1x16xi32> to vector<16xi32>
    %swap3A_162 = vector.shape_cast %add3A_156 : vector<16xi32> to vector<1x16xi32>
    tpu.vector_store %arg6[%swap3A_158, %swap3A_159], %swap3A_162 {strides = array<i32>} : memref<4x128xi32, #tpu.memory_space<vmem>>, vector<1x16xi32>,
    %shift_right_logical3A_163 = arith.constant 13 : i32
    %shift_right_logical3A_164 = vector.broadcast %shift_right_logical3A_163 : i32 to vector<16xi32>
    %shift_right_logical3A_165 = arith.shrui %get3A_146, %shift_right_logical3A_164 : vector<16xi32>
    %and3A_166 = arith.constant 1 : i32
    %and3A_167 = vector.broadcast %and3A_166 : i32 to vector<16xi32>
    %and3A_168 = arith.andi %shift_right_logical3A_165, %and3A_167 : vector<16xi32>
    %shift_left3A_169 = arith.constant 6 : i32
    %shift_left3A_170 = vector.broadcast %shift_left3A_169 : i32 to vector<16xi32>
    %shift_left3A_171 = arith.shli %and3A_168, %shift_left3A_170 : vector<16xi32>
    %swap3A_172 = arith.constant 0 : i32
    %swap3A_173 = arith.index_cast %swap3A_172 : i32 to index
    %swap3A_174 = arith.constant 64 : index
    %swap3A_175 = tpu.vector_load %arg7[%swap3A_173, %swap3A_174] {strides = array<i32>} : memref<4x128xi32, #tpu.memory_space<vmem>>, vector<1x16xi32>,
    %swap3A_176 = vector.shape_cast %swap3A_175 : vector<1x16xi32> to vector<16xi32>
    %swap3A_177 = vector.shape_cast %shift_left3A_171 : vector<16xi32> to vector<1x16xi32>
    tpu.vector_store %arg7[%swap3A_173, %swap3A_174], %swap3A_177 {strides = array<i32>} : memref<4x128xi32, #tpu.memory_space<vmem>>, vector<1x16xi32>,
    %get3A_178 = arith.constant 0 : i32
    %get3A_179 = arith.index_cast %get3A_178 : i32 to index
    %get3A_180 = arith.constant 80 : index
    %get3A_181 = tpu.vector_load %arg5[%get3A_179, %get3A_180] {strides = array<i32>} : memref<80x128xi32, #tpu.memory_space<vmem>>, vector<1x16xi32>,
    %get3A_182 = vector.shape_cast %get3A_181 : vector<1x16xi32> to vector<16xi32>
    %shift_right_logical3A_183 = arith.constant 14 : i32
    %shift_right_logical3A_184 = vector.broadcast %shift_right_logical3A_183 : i32 to vector<16xi32>
    %shift_right_logical3A_185 = arith.shrui %get3A_182, %shift_right_logical3A_184 : vector<16xi32>
    %shift_left3A_186 = arith.constant 13 : i32
    %shift_left3A_187 = vector.broadcast %shift_left3A_186 : i32 to vector<16xi32>
    %shift_left3A_188 = arith.shli %shift_right_logical3A_185, %shift_left3A_187 : vector<16xi32>
    %and3A_189 = arith.constant 8191 : i32
    %and3A_190 = vector.broadcast %and3A_189 : i32 to vector<16xi32>
    %and3A_191 = arith.andi %get3A_182, %and3A_190 : vector<16xi32>
    %add3A_192 = arith.addi %shift_left3A_188, %and3A_191 : vector<16xi32>
    %swap3A_193 = arith.constant 0 : i32
    %swap3A_194 = arith.index_cast %swap3A_193 : i32 to index
    %swap3A_195 = arith.constant 80 : index
    %swap3A_196 = tpu.vector_load %arg6[%swap3A_194, %swap3A_195] {strides = array<i32>} : memref<4x128xi32, #tpu.memory_space<vmem>>, vector<1x16xi32>,
    %swap3A_197 = vector.shape_cast %swap3A_196 : vector<1x16xi32> to vector<16xi32>
    %swap3A_198 = vector.shape_cast %add3A_192 : vector<16xi32> to vector<1x16xi32>
    tpu.vector_store %arg6[%swap3A_194, %swap3A_195], %swap3A_198 {strides = array<i32>} : memref<4x128xi32, #tpu.memory_space<vmem>>, vector<1x16xi32>,
    %shift_right_logical3A_199 = arith.constant 13 : i32
    %shift_right_logical3A_200 = vector.broadcast %shift_right_logical3A_199 : i32 to vector<16xi32>
    %shift_right_logical3A_201 = arith.shrui %get3A_182, %shift_right_logical3A_200 : vector<16xi32>
    %and3A_202 = arith.constant 1 : i32
    %and3A_203 = vector.broadcast %and3A_202 : i32 to vector<16xi32>
    %and3A_204 = arith.andi %shift_right_logical3A_201, %and3A_203 : vector<16xi32>
    %shift_left3A_205 = arith.constant 6 : i32
    %shift_left3A_206 = vector.broadcast %shift_left3A_205 : i32 to vector<16xi32>
    %shift_left3A_207 = arith.shli %and3A_204, %shift_left3A_206 : vector<16xi32>
    %swap3A_208 = arith.constant 0 : i32
    %swap3A_209 = arith.index_cast %swap3A_208 : i32 to index
    %swap3A_210 = arith.constant 80 : index
    %swap3A_211 = tpu.vector_load %arg7[%swap3A_209, %swap3A_210] {strides = array<i32>} : memref<4x128xi32, #tpu.memory_space<vmem>>, vector<1x16xi32>,
    %swap3A_212 = vector.shape_cast %swap3A_211 : vector<1x16xi32> to vector<16xi32>
    %swap3A_213 = vector.shape_cast %shift_left3A_207 : vector<16xi32> to vector<1x16xi32>
    tpu.vector_store %arg7[%swap3A_209, %swap3A_210], %swap3A_213 {strides = array<i32>} : memref<4x128xi32, #tpu.memory_space<vmem>>, vector<1x16xi32>,
    %get3A_214 = arith.constant 0 : i32
    %get3A_215 = arith.index_cast %get3A_214 : i32 to index
    %get3A_216 = arith.constant 96 : index
    %get3A_217 = tpu.vector_load %arg5[%get3A_215, %get3A_216] {strides = array<i32>} : memref<80x128xi32, #tpu.memory_space<vmem>>, vector<1x16xi32>,
    %get3A_218 = vector.shape_cast %get3A_217 : vector<1x16xi32> to vector<16xi32>
    %shift_right_logical3A_219 = arith.constant 14 : i32
    %shift_right_logical3A_220 = vector.broadcast %shift_right_logical3A_219 : i32 to vector<16xi32>
    %shift_right_logical3A_221 = arith.shrui %get3A_218, %shift_right_logical3A_220 : vector<16xi32>
    %shift_left3A_222 = arith.constant 13 : i32
    %shift_left3A_223 = vector.broadcast %shift_left3A_222 : i32 to vector<16xi32>
    %shift_left3A_224 = arith.shli %shift_right_logical3A_221, %shift_left3A_223 : vector<16xi32>
    %and3A_225 = arith.constant 8191 : i32
    %and3A_226 = vector.broadcast %and3A_225 : i32 to vector<16xi32>
    %and3A_227 = arith.andi %get3A_218, %and3A_226 : vector<16xi32>
    %add3A_228 = arith.addi %shift_left3A_224, %and3A_227 : vector<16xi32>
    %swap3A_229 = arith.constant 0 : i32
    %swap3A_230 = arith.index_cast %swap3A_229 : i32 to index
    %swap3A_231 = arith.constant 96 : index
    %swap3A_232 = tpu.vector_load %arg6[%swap3A_230, %swap3A_231] {strides = array<i32>} : memref<4x128xi32, #tpu.memory_space<vmem>>, vector<1x16xi32>,
    %swap3A_233 = vector.shape_cast %swap3A_232 : vector<1x16xi32> to vector<16xi32>
    %swap3A_234 = vector.shape_cast %add3A_228 : vector<16xi32> to vector<1x16xi32>
    tpu.vector_store %arg6[%swap3A_230, %swap3A_231], %swap3A_234 {strides = array<i32>} : memref<4x128xi32, #tpu.memory_space<vmem>>, vector<1x16xi32>,
    %shift_right_logical3A_235 = arith.constant 13 : i32
    %shift_right_logical3A_236 = vector.broadcast %shift_right_logical3A_235 : i32 to vector<16xi32>
    %shift_right_logical3A_237 = arith.shrui %get3A_218, %shift_right_logical3A_236 : vector<16xi32>
    %and3A_238 = arith.constant 1 : i32
    %and3A_239 = vector.broadcast %and3A_238 : i32 to vector<16xi32>
    %and3A_240 = arith.andi %shift_right_logical3A_237, %and3A_239 : vector<16xi32>
    %shift_left3A_241 = arith.constant 6 : i32
    %shift_left3A_242 = vector.broadcast %shift_left3A_241 : i32 to vector<16xi32>
    %shift_left3A_243 = arith.shli %and3A_240, %shift_left3A_242 : vector<16xi32>
    %swap3A_244 = arith.constant 0 : i32
    %swap3A_245 = arith.index_cast %swap3A_244 : i32 to index
    %swap3A_246 = arith.constant 96 : index
    %swap3A_247 = tpu.vector_load %arg7[%swap3A_245, %swap3A_246] {strides = array<i32>} : memref<4x128xi32, #tpu.memory_space<vmem>>, vector<1x16xi32>,
    %swap3A_248 = vector.shape_cast %swap3A_247 : vector<1x16xi32> to vector<16xi32>
    %swap3A_249 = vector.shape_cast %shift_left3A_243 : vector<16xi32> to vector<1x16xi32>
    tpu.vector_store %arg7[%swap3A_245, %swap3A_246], %swap3A_249 {strides = array<i32>} : memref<4x128xi32, #tpu.memory_space<vmem>>, vector<1x16xi32>,
    %get3A_250 = arith.constant 0 : i32
    %get3A_251 = arith.index_cast %get3A_250 : i32 to index
    %get3A_252 = arith.constant 112 : index
    %get3A_253 = tpu.vector_load %arg5[%get3A_251, %get3A_252] {strides = array<i32>} : memref<80x128xi32, #tpu.memory_space<vmem>>, vector<1x16xi32>,
    %get3A_254 = vector.shape_cast %get3A_253 : vector<1x16xi32> to vector<16xi32>
    %shift_right_logical3A_255 = arith.constant 14 : i32
    %shift_right_logical3A_256 = vector.broadcast %shift_right_logical3A_255 : i32 to vector<16xi32>
    %shift_right_logical3A_257 = arith.shrui %get3A_254, %shift_right_logical3A_256 : vector<16xi32>
    %shift_left3A_258 = arith.constant 13 : i32
    %shift_left3A_259 = vector.broadcast %shift_left3A_258 : i32 to vector<16xi32>
    %shift_left3A_260 = arith.shli %shift_right_logical3A_257, %shift_left3A_259 : vector<16xi32>
    %and3A_261 = arith.constant 8191 : i32
    %and3A_262 = vector.broadcast %and3A_261 : i32 to vector<16xi32>
    %and3A_263 = arith.andi %get3A_254, %and3A_262 : vector<16xi32>
    %add3A_264 = arith.addi %shift_left3A_260, %and3A_263 : vector<16xi32>
    %swap3A_265 = arith.constant 0 : i32
    %swap3A_266 = arith.index_cast %swap3A_265 : i32 to index
    %swap3A_267 = arith.constant 112 : index
    %swap3A_268 = tpu.vector_load %arg6[%swap3A_266, %swap3A_267] {strides = array<i32>} : memref<4x128xi32, #tpu.memory_space<vmem>>, vector<1x16xi32>,
    %swap3A_269 = vector.shape_cast %swap3A_268 : vector<1x16xi32> to vector<16xi32>
    %swap3A_270 = vector.shape_cast %add3A_264 : vector<16xi32> to vector<1x16xi32>
    tpu.vector_store %arg6[%swap3A_266, %swap3A_267], %swap3A_270 {strides = array<i32>} : memref<4x128xi32, #tpu.memory_space<vmem>>, vector<1x16xi32>,
    %shift_right_logical3A_271 = arith.constant 13 : i32
    %shift_right_logical3A_272 = vector.broadcast %shift_right_logical3A_271 : i32 to vector<16xi32>
    %shift_right_logical3A_273 = arith.shrui %get3A_254, %shift_right_logical3A_272 : vector<16xi32>
    %and3A_274 = arith.constant 1 : i32
    %and3A_275 = vector.broadcast %and3A_274 : i32 to vector<16xi32>
    %and3A_276 = arith.andi %shift_right_logical3A_273, %and3A_275 : vector<16xi32>
    %shift_left3A_277 = arith.constant 6 : i32
    %shift_left3A_278 = vector.broadcast %shift_left3A_277 : i32 to vector<16xi32>
    %shift_left3A_279 = arith.shli %and3A_276, %shift_left3A_278 : vector<16xi32>
    %swap3A_280 = arith.constant 0 : i32
    %swap3A_281 = arith.index_cast %swap3A_280 : i32 to index
    %swap3A_282 = arith.constant 112 : index
    %swap3A_283 = tpu.vector_load %arg7[%swap3A_281, %swap3A_282] {strides = array<i32>} : memref<4x128xi32, #tpu.memory_space<vmem>>, vector<1x16xi32>,
    %swap3A_284 = vector.shape_cast %swap3A_283 : vector<1x16xi32> to vector<16xi32>
    %swap3A_285 = vector.shape_cast %shift_left3A_279 : vector<16xi32> to vector<1x16xi32>
    tpu.vector_store %arg7[%swap3A_281, %swap3A_282], %swap3A_285 {strides = array<i32>} : memref<4x128xi32, #tpu.memory_space<vmem>>, vector<1x16xi32>,
    %dma_start3A = arith.constant 0 : i32
    %dma_start3A_286 = arith.constant 0 : i32
    %dma_start3A_287 = arith.constant 0 : i32
    %dma_start3A_288 = arith.constant 0 : i32
    %dma_start3A_289 = tpu.memref_slice %arg8[%dma_start3A_286, %dma_start3A_287, %dma_start3A_288] : memref<4x128x128xf32, #tpu.memory_space<vmem>> -> memref<1x128x128xf32, #tpu.memory_space<vmem>>
    %dma_start3A_290 = tpu.memref_squeeze %dma_start3A_289 : memref<1x128x128xf32, #tpu.memory_space<vmem>> -> memref<128x128xf32, #tpu.memory_space<vmem>>
    %dma_start3A_291 = arith.constant 0 : i32
    %dma_start3A_292 = tpu.memref_slice %arg6[%dma_start3A, %dma_start3A_291] : memref<4x128xi32, #tpu.memory_space<vmem>> -> memref<1x128xi32, #tpu.memory_space<vmem>>
    %dma_start3A_293 = tpu.memref_squeeze %dma_start3A_292 : memref<1x128xi32, #tpu.memory_space<vmem>> -> memref<128xi32, #tpu.memory_space<vmem>>
    %dma_start3A_294 = arith.constant 0 : i32
    %dma_start3A_295 = arith.constant 0 : i32
    %dma_start3A_296 = tpu.memref_slice %arg2[%dma_start3A_294, %dma_start3A_295] : memref<507904x128xf32, #tpu.memory_space<hbm>> -> memref<507904x128xf32, #tpu.memory_space<hbm>>
    tpu.enqueue_indirect_dma source(%dma_start3A_296 : memref<507904x128xf32, #tpu.memory_space<hbm>>) target(%dma_start3A_290 : memref<128x128xf32, #tpu.memory_space<vmem>>) offsets(%dma_start3A_293 : memref<128xi32, #tpu.memory_space<vmem>>) semaphore(%arg10 : memref<!tpu.dma_semaphore, #tpu.memory_space<semaphore_mem>>)
    %get3A_297 = arith.constant 1 : i32
    %get3A_298 = arith.index_cast %get3A_297 : i32 to index
    %get3A_299 = arith.constant 0 : index
    %get3A_300 = tpu.vector_load %arg5[%get3A_298, %get3A_299] {strides = array<i32>} : memref<80x128xi32, #tpu.memory_space<vmem>>, vector<1x16xi32>,
    %get3A_301 = vector.shape_cast %get3A_300 : vector<1x16xi32> to vector<16xi32>
    %shift_right_logical3A_302 = arith.constant 14 : i32
    %shift_right_logical3A_303 = vector.broadcast %shift_right_logical3A_302 : i32 to vector<16xi32>
    %shift_right_logical3A_304 = arith.shrui %get3A_301, %shift_right_logical3A_303 : vector<16xi32>
    %shift_left3A_305 = arith.constant 13 : i32
    %shift_left3A_306 = vector.broadcast %shift_left3A_305 : i32 to vector<16xi32>
    %shift_left3A_307 = arith.shli %shift_right_logical3A_304, %shift_left3A_306 : vector<16xi32>
    %and3A_308 = arith.constant 8191 : i32
    %and3A_309 = vector.broadcast %and3A_308 : i32 to vector<16xi32>
    %and3A_310 = arith.andi %get3A_301, %and3A_309 : vector<16xi32>
    %add3A_311 = arith.addi %shift_left3A_307, %and3A_310 : vector<16xi32>
    %swap3A_312 = arith.constant 1 : i32
    %swap3A_313 = arith.index_cast %swap3A_312 : i32 to index
    %swap3A_314 = arith.constant 0 : index
    %swap3A_315 = tpu.vector_load %arg6[%swap3A_313, %swap3A_314] {strides = array<i32>} : memref<4x128xi32, #tpu.memory_space<vmem>>, vector<1x16xi32>,
    %swap3A_316 = vector.shape_cast %swap3A_315 : vector<1x16xi32> to vector<16xi32>
    %swap3A_317 = vector.shape_cast %add3A_311 : vector<16xi32> to vector<1x16xi32>
    tpu.vector_store %arg6[%swap3A_313, %swap3A_314], %swap3A_317 {strides = array<i32>} : memref<4x128xi32, #tpu.memory_space<vmem>>, vector<1x16xi32>,
    %shift_right_logical3A_318 = arith.constant 13 : i32
    %shift_right_logical3A_319 = vector.broadcast %shift_right_logical3A_318 : i32 to vector<16xi32>
    %shift_right_logical3A_320 = arith.shrui %get3A_301, %shift_right_logical3A_319 : vector<16xi32>
    %and3A_321 = arith.constant 1 : i32
    %and3A_322 = vector.broadcast %and3A_321 : i32 to vector<16xi32>
    %and3A_323 = arith.andi %shift_right_logical3A_320, %and3A_322 : vector<16xi32>
    %shift_left3A_324 = arith.constant 6 : i32
    %shift_left3A_325 = vector.broadcast %shift_left3A_324 : i32 to vector<16xi32>
    %shift_left3A_326 = arith.shli %and3A_323, %shift_left3A_325 : vector<16xi32>
    %swap3A_327 = arith.constant 1 : i32
    %swap3A_328 = arith.index_cast %swap3A_327 : i32 to index
    %swap3A_329 = arith.constant 0 : index
    %swap3A_330 = tpu.vector_load %arg7[%swap3A_328, %swap3A_329] {strides = array<i32>} : memref<4x128xi32, #tpu.memory_space<vmem>>, vector<1x16xi32>,
    %swap3A_331 = vector.shape_cast %swap3A_330 : vector<1x16xi32> to vector<16xi32>
    %swap3A_332 = vector.shape_cast %shift_left3A_326 : vector<16xi32> to vector<1x16xi32>
    tpu.vector_store %arg7[%swap3A_328, %swap3A_329], %swap3A_332 {strides = array<i32>} : memref<4x128xi32, #tpu.memory_space<vmem>>, vector<1x16xi32>,
    %get3A_333 = arith.constant 1 : i32
    %get3A_334 = arith.index_cast %get3A_333 : i32 to index
    %get3A_335 = arith.constant 16 : index
    %get3A_336 = tpu.vector_load %arg5[%get3A_334, %get3A_335] {strides = array<i32>} : memref<80x128xi32, #tpu.memory_space<vmem>>, vector<1x16xi32>,
    %get3A_337 = vector.shape_cast %get3A_336 : vector<1x16xi32> to vector<16xi32>
    %shift_right_logical3A_338 = arith.constant 14 : i32
    %shift_right_logical3A_339 = vector.broadcast %shift_right_logical3A_338 : i32 to vector<16xi32>
    %shift_right_logical3A_340 = arith.shrui %get3A_337, %shift_right_logical3A_339 : vector<16xi32>
    %shift_left3A_341 = arith.constant 13 : i32
    %shift_left3A_342 = vector.broadcast %shift_left3A_341 : i32 to vector<16xi32>
    %shift_left3A_343 = arith.shli %shift_right_logical3A_340, %shift_left3A_342 : vector<16xi32>
    %and3A_344 = arith.constant 8191 : i32
    %and3A_345 = vector.broadcast %and3A_344 : i32 to vector<16xi32>
    %and3A_346 = arith.andi %get3A_337, %and3A_345 : vector<16xi32>
    %add3A_347 = arith.addi %shift_left3A_343, %and3A_346 : vector<16xi32>
    %swap3A_348 = arith.constant 1 : i32
    %swap3A_349 = arith.index_cast %swap3A_348 : i32 to index
    %swap3A_350 = arith.constant 16 : index
    %swap3A_351 = tpu.vector_load %arg6[%swap3A_349, %swap3A_350] {strides = array<i32>} : memref<4x128xi32, #tpu.memory_space<vmem>>, vector<1x16xi32>,
    %swap3A_352 = vector.shape_cast %swap3A_351 : vector<1x16xi32> to vector<16xi32>
    %swap3A_353 = vector.shape_cast %add3A_347 : vector<16xi32> to vector<1x16xi32>
    tpu.vector_store %arg6[%swap3A_349, %swap3A_350], %swap3A_353 {strides = array<i32>} : memref<4x128xi32, #tpu.memory_space<vmem>>, vector<1x16xi32>,
    %shift_right_logical3A_354 = arith.constant 13 : i32
    %shift_right_logical3A_355 = vector.broadcast %shift_right_logical3A_354 : i32 to vector<16xi32>
    %shift_right_logical3A_356 = arith.shrui %get3A_337, %shift_right_logical3A_355 : vector<16xi32>
    %and3A_357 = arith.constant 1 : i32
    %and3A_358 = vector.broadcast %and3A_357 : i32 to vector<16xi32>
    %and3A_359 = arith.andi %shift_right_logical3A_356, %and3A_358 : vector<16xi32>
    %shift_left3A_360 = arith.constant 6 : i32
    %shift_left3A_361 = vector.broadcast %shift_left3A_360 : i32 to vector<16xi32>
    %shift_left3A_362 = arith.shli %and3A_359, %shift_left3A_361 : vector<16xi32>
    %swap3A_363 = arith.constant 1 : i32
    %swap3A_364 = arith.index_cast %swap3A_363 : i32 to index
    %swap3A_365 = arith.constant 16 : index
    %swap3A_366 = tpu.vector_load %arg7[%swap3A_364, %swap3A_365] {strides = array<i32>} : memref<4x128xi32, #tpu.memory_space<vmem>>, vector<1x16xi32>,
    %swap3A_367 = vector.shape_cast %swap3A_366 : vector<1x16xi32> to vector<16xi32>
    %swap3A_368 = vector.shape_cast %shift_left3A_362 : vector<16xi32> to vector<1x16xi32>
    tpu.vector_store %arg7[%swap3A_364, %swap3A_365], %swap3A_368 {strides = array<i32>} : memref<4x128xi32, #tpu.memory_space<vmem>>, vector<1x16xi32>,
    %get3A_369 = arith.constant 1 : i32
    %get3A_370 = arith.index_cast %get3A_369 : i32 to index
    %get3A_371 = arith.constant 32 : index
    %get3A_372 = tpu.vector_load %arg5[%get3A_370, %get3A_371] {strides = array<i32>} : memref<80x128xi32, #tpu.memory_space<vmem>>, vector<1x16xi32>,
    %get3A_373 = vector.shape_cast %get3A_372 : vector<1x16xi32> to vector<16xi32>
    %shift_right_logical3A_374 = arith.constant 14 : i32
    %shift_right_logical3A_375 = vector.broadcast %shift_right_logical3A_374 : i32 to vector<16xi32>
    %shift_right_logical3A_376 = arith.shrui %get3A_373, %shift_right_logical3A_375 : vector<16xi32>
    %shift_left3A_377 = arith.constant 13 : i32
    %shift_left3A_378 = vector.broadcast %shift_left3A_377 : i32 to vector<16xi32>
    %shift_left3A_379 = arith.shli %shift_right_logical3A_376, %shift_left3A_378 : vector<16xi32>
    %and3A_380 = arith.constant 8191 : i32
    %and3A_381 = vector.broadcast %and3A_380 : i32 to vector<16xi32>
    %and3A_382 = arith.andi %get3A_373, %and3A_381 : vector<16xi32>
    %add3A_383 = arith.addi %shift_left3A_379, %and3A_382 : vector<16xi32>
    %swap3A_384 = arith.constant 1 : i32
    %swap3A_385 = arith.index_cast %swap3A_384 : i32 to index
    %swap3A_386 = arith.constant 32 : index
    %swap3A_387 = tpu.vector_load %arg6[%swap3A_385, %swap3A_386] {strides = array<i32>} : memref<4x128xi32, #tpu.memory_space<vmem>>, vector<1x16xi32>,
    %swap3A_388 = vector.shape_cast %swap3A_387 : vector<1x16xi32> to vector<16xi32>
    %swap3A_389 = vector.shape_cast %add3A_383 : vector<16xi32> to vector<1x16xi32>
    tpu.vector_store %arg6[%swap3A_385, %swap3A_386], %swap3A_389 {strides = array<i32>} : memref<4x128xi32, #tpu.memory_space<vmem>>, vector<1x16xi32>,
    %shift_right_logical3A_390 = arith.constant 13 : i32
    %shift_right_logical3A_391 = vector.broadcast %shift_right_logical3A_390 : i32 to vector<16xi32>
    %shift_right_logical3A_392 = arith.shrui %get3A_373, %shift_right_logical3A_391 : vector<16xi32>
    %and3A_393 = arith.constant 1 : i32
    %and3A_394 = vector.broadcast %and3A_393 : i32 to vector<16xi32>
    %and3A_395 = arith.andi %shift_right_logical3A_392, %and3A_394 : vector<16xi32>
    %shift_left3A_396 = arith.constant 6 : i32
    %shift_left3A_397 = vector.broadcast %shift_left3A_396 : i32 to vector<16xi32>
    %shift_left3A_398 = arith.shli %and3A_395, %shift_left3A_397 : vector<16xi32>
    %swap3A_399 = arith.constant 1 : i32
    %swap3A_400 = arith.index_cast %swap3A_399 : i32 to index
    %swap3A_401 = arith.constant 32 : index
    %swap3A_402 = tpu.vector_load %arg7[%swap3A_400, %swap3A_401] {strides = array<i32>} : memref<4x128xi32, #tpu.memory_space<vmem>>, vector<1x16xi32>,
    %swap3A_403 = vector.shape_cast %swap3A_402 : vector<1x16xi32> to vector<16xi32>
    %swap3A_404 = vector.shape_cast %shift_left3A_398 : vector<16xi32> to vector<1x16xi32>
    tpu.vector_store %arg7[%swap3A_400, %swap3A_401], %swap3A_404 {strides = array<i32>} : memref<4x128xi32, #tpu.memory_space<vmem>>, vector<1x16xi32>,
    %get3A_405 = arith.constant 1 : i32
    %get3A_406 = arith.index_cast %get3A_405 : i32 to index
    %get3A_407 = arith.constant 48 : index
    %get3A_408 = tpu.vector_load %arg5[%get3A_406, %get3A_407] {strides = array<i32>} : memref<80x128xi32, #tpu.memory_space<vmem>>, vector<1x16xi32>,
    %get3A_409 = vector.shape_cast %get3A_408 : vector<1x16xi32> to vector<16xi32>
    %shift_right_logical3A_410 = arith.constant 14 : i32
    %shift_right_logical3A_411 = vector.broadcast %shift_right_logical3A_410 : i32 to vector<16xi32>
    %shift_right_logical3A_412 = arith.shrui %get3A_409, %shift_right_logical3A_411 : vector<16xi32>
    %shift_left3A_413 = arith.constant 13 : i32
    %shift_left3A_414 = vector.broadcast %shift_left3A_413 : i32 to vector<16xi32>
    %shift_left3A_415 = arith.shli %shift_right_logical3A_412, %shift_left3A_414 : vector<16xi32>
    %and3A_416 = arith.constant 8191 : i32
    %and3A_417 = vector.broadcast %and3A_416 : i32 to vector<16xi32>
    %and3A_418 = arith.andi %get3A_409, %and3A_417 : vector<16xi32>
    %add3A_419 = arith.addi %shift_left3A_415, %and3A_418 : vector<16xi32>
    %swap3A_420 = arith.constant 1 : i32
    %swap3A_421 = arith.index_cast %swap3A_420 : i32 to index
    %swap3A_422 = arith.constant 48 : index
    %swap3A_423 = tpu.vector_load %arg6[%swap3A_421, %swap3A_422] {strides = array<i32>} : memref<4x128xi32, #tpu.memory_space<vmem>>, vector<1x16xi32>,
    %swap3A_424 = vector.shape_cast %swap3A_423 : vector<1x16xi32> to vector<16xi32>
    %swap3A_425 = vector.shape_cast %add3A_419 : vector<16xi32> to vector<1x16xi32>
    tpu.vector_store %arg6[%swap3A_421, %swap3A_422], %swap3A_425 {strides = array<i32>} : memref<4x128xi32, #tpu.memory_space<vmem>>, vector<1x16xi32>,
    %shift_right_logical3A_426 = arith.constant 13 : i32
    %shift_right_logical3A_427 = vector.broadcast %shift_right_logical3A_426 : i32 to vector<16xi32>
    %shift_right_logical3A_428 = arith.shrui %get3A_409, %shift_right_logical3A_427 : vector<16xi32>
    %and3A_429 = arith.constant 1 : i32
    %and3A_430 = vector.broadcast %and3A_429 : i32 to vector<16xi32>
    %and3A_431 = arith.andi %shift_right_logical3A_428, %and3A_430 : vector<16xi32>
    %shift_left3A_432 = arith.constant 6 : i32
    %shift_left3A_433 = vector.broadcast %shift_left3A_432 : i32 to vector<16xi32>
    %shift_left3A_434 = arith.shli %and3A_431, %shift_left3A_433 : vector<16xi32>
    %swap3A_435 = arith.constant 1 : i32
    %swap3A_436 = arith.index_cast %swap3A_435 : i32 to index
    %swap3A_437 = arith.constant 48 : index
    %swap3A_438 = tpu.vector_load %arg7[%swap3A_436, %swap3A_437] {strides = array<i32>} : memref<4x128xi32, #tpu.memory_space<vmem>>, vector<1x16xi32>,
    %swap3A_439 = vector.shape_cast %swap3A_438 : vector<1x16xi32> to vector<16xi32>
    %swap3A_440 = vector.shape_cast %shift_left3A_434 : vector<16xi32> to vector<1x16xi32>
    tpu.vector_store %arg7[%swap3A_436, %swap3A_437], %swap3A_440 {strides = array<i32>} : memref<4x128xi32, #tpu.memory_space<vmem>>, vector<1x16xi32>,
    %get3A_441 = arith.constant 1 : i32
    %get3A_442 = arith.index_cast %get3A_441 : i32 to index
    %get3A_443 = arith.constant 64 : index
    %get3A_444 = tpu.vector_load %arg5[%get3A_442, %get3A_443] {strides = array<i32>} : memref<80x128xi32, #tpu.memory_space<vmem>>, vector<1x16xi32>,
    %get3A_445 = vector.shape_cast %get3A_444 : vector<1x16xi32> to vector<16xi32>
    %shift_right_logical3A_446 = arith.constant 14 : i32
    %shift_right_logical3A_447 = vector.broadcast %shift_right_logical3A_446 : i32 to vector<16xi32>
    %shift_right_logical3A_448 = arith.shrui %get3A_445, %shift_right_logical3A_447 : vector<16xi32>
    %shift_left3A_449 = arith.constant 13 : i32
    %shift_left3A_450 = vector.broadcast %shift_left3A_449 : i32 to vector<16xi32>
    %shift_left3A_451 = arith.shli %shift_right_logical3A_448, %shift_left3A_450 : vector<16xi32>
    %and3A_452 = arith.constant 8191 : i32
    %and3A_453 = vector.broadcast %and3A_452 : i32 to vector<16xi32>
    %and3A_454 = arith.andi %get3A_445, %and3A_453 : vector<16xi32>
    %add3A_455 = arith.addi %shift_left3A_451, %and3A_454 : vector<16xi32>
    %swap3A_456 = arith.constant 1 : i32
    %swap3A_457 = arith.index_cast %swap3A_456 : i32 to index
    %swap3A_458 = arith.constant 64 : index
    %swap3A_459 = tpu.vector_load %arg6[%swap3A_457, %swap3A_458] {strides = array<i32>} : memref<4x128xi32, #tpu.memory_space<vmem>>, vector<1x16xi32>,
    %swap3A_460 = vector.shape_cast %swap3A_459 : vector<1x16xi32> to vector<16xi32>
    %swap3A_461 = vector.shape_cast %add3A_455 : vector<16xi32> to vector<1x16xi32>
    tpu.vector_store %arg6[%swap3A_457, %swap3A_458], %swap3A_461 {strides = array<i32>} : memref<4x128xi32, #tpu.memory_space<vmem>>, vector<1x16xi32>,
    %shift_right_logical3A_462 = arith.constant 13 : i32
    %shift_right_logical3A_463 = vector.broadcast %shift_right_logical3A_462 : i32 to vector<16xi32>
    %shift_right_logical3A_464 = arith.shrui %get3A_445, %shift_right_logical3A_463 : vector<16xi32>
    %and3A_465 = arith.constant 1 : i32
    %and3A_466 = vector.broadcast %and3A_465 : i32 to vector<16xi32>
    %and3A_467 = arith.andi %shift_right_logical3A_464, %and3A_466 : vector<16xi32>
    %shift_left3A_468 = arith.constant 6 : i32
    %shift_left3A_469 = vector.broadcast %shift_left3A_468 : i32 to vector<16xi32>
    %shift_left3A_470 = arith.shli %and3A_467, %shift_left3A_469 : vector<16xi32>
    %swap3A_471 = arith.constant 1 : i32
    %swap3A_472 = arith.index_cast %swap3A_471 : i32 to index
    %swap3A_473 = arith.constant 64 : index
    %swap3A_474 = tpu.vector_load %arg7[%swap3A_472, %swap3A_473] {strides = array<i32>} : memref<4x128xi32, #tpu.memory_space<vmem>>, vector<1x16xi32>,
    %swap3A_475 = vector.shape_cast %swap3A_474 : vector<1x16xi32> to vector<16xi32>
    %swap3A_476 = vector.shape_cast %shift_left3A_470 : vector<16xi32> to vector<1x16xi32>
    tpu.vector_store %arg7[%swap3A_472, %swap3A_473], %swap3A_476 {strides = array<i32>} : memref<4x128xi32, #tpu.memory_space<vmem>>, vector<1x16xi32>,
    %get3A_477 = arith.constant 1 : i32
    %get3A_478 = arith.index_cast %get3A_477 : i32 to index
    %get3A_479 = arith.constant 80 : index
    %get3A_480 = tpu.vector_load %arg5[%get3A_478, %get3A_479] {strides = array<i32>} : memref<80x128xi32, #tpu.memory_space<vmem>>, vector<1x16xi32>,
    %get3A_481 = vector.shape_cast %get3A_480 : vector<1x16xi32> to vector<16xi32>
    %shift_right_logical3A_482 = arith.constant 14 : i32
    %shift_right_logical3A_483 = vector.broadcast %shift_right_logical3A_482 : i32 to vector<16xi32>
    %shift_right_logical3A_484 = arith.shrui %get3A_481, %shift_right_logical3A_483 : vector<16xi32>
    %shift_left3A_485 = arith.constant 13 : i32
    %shift_left3A_486 = vector.broadcast %shift_left3A_485 : i32 to vector<16xi32>
    %shift_left3A_487 = arith.shli %shift_right_logical3A_484, %shift_left3A_486 : vector<16xi32>
    %and3A_488 = arith.constant 8191 : i32
    %and3A_489 = vector.broadcast %and3A_488 : i32 to vector<16xi32>
    %and3A_490 = arith.andi %get3A_481, %and3A_489 : vector<16xi32>
    %add3A_491 = arith.addi %shift_left3A_487, %and3A_490 : vector<16xi32>
    %swap3A_492 = arith.constant 1 : i32
    %swap3A_493 = arith.index_cast %swap3A_492 : i32 to index
    %swap3A_494 = arith.constant 80 : index
    %swap3A_495 = tpu.vector_load %arg6[%swap3A_493, %swap3A_494] {strides = array<i32>} : memref<4x128xi32, #tpu.memory_space<vmem>>, vector<1x16xi32>,
    %swap3A_496 = vector.shape_cast %swap3A_495 : vector<1x16xi32> to vector<16xi32>
    %swap3A_497 = vector.shape_cast %add3A_491 : vector<16xi32> to vector<1x16xi32>
    tpu.vector_store %arg6[%swap3A_493, %swap3A_494], %swap3A_497 {strides = array<i32>} : memref<4x128xi32, #tpu.memory_space<vmem>>, vector<1x16xi32>,
    %shift_right_logical3A_498 = arith.constant 13 : i32
    %shift_right_logical3A_499 = vector.broadcast %shift_right_logical3A_498 : i32 to vector<16xi32>
    %shift_right_logical3A_500 = arith.shrui %get3A_481, %shift_right_logical3A_499 : vector<16xi32>
    %and3A_501 = arith.constant 1 : i32
    %and3A_502 = vector.broadcast %and3A_501 : i32 to vector<16xi32>
    %and3A_503 = arith.andi %shift_right_logical3A_500, %and3A_502 : vector<16xi32>
    %shift_left3A_504 = arith.constant 6 : i32
    %shift_left3A_505 = vector.broadcast %shift_left3A_504 : i32 to vector<16xi32>
    %shift_left3A_506 = arith.shli %and3A_503, %shift_left3A_505 : vector<16xi32>
    %swap3A_507 = arith.constant 1 : i32
    %swap3A_508 = arith.index_cast %swap3A_507 : i32 to index
    %swap3A_509 = arith.constant 80 : index
    %swap3A_510 = tpu.vector_load %arg7[%swap3A_508, %swap3A_509] {strides = array<i32>} : memref<4x128xi32, #tpu.memory_space<vmem>>, vector<1x16xi32>,
    %swap3A_511 = vector.shape_cast %swap3A_510 : vector<1x16xi32> to vector<16xi32>
    %swap3A_512 = vector.shape_cast %shift_left3A_506 : vector<16xi32> to vector<1x16xi32>
    tpu.vector_store %arg7[%swap3A_508, %swap3A_509], %swap3A_512 {strides = array<i32>} : memref<4x128xi32, #tpu.memory_space<vmem>>, vector<1x16xi32>,
    %get3A_513 = arith.constant 1 : i32
    %get3A_514 = arith.index_cast %get3A_513 : i32 to index
    %get3A_515 = arith.constant 96 : index
    %get3A_516 = tpu.vector_load %arg5[%get3A_514, %get3A_515] {strides = array<i32>} : memref<80x128xi32, #tpu.memory_space<vmem>>, vector<1x16xi32>,
    %get3A_517 = vector.shape_cast %get3A_516 : vector<1x16xi32> to vector<16xi32>
    %shift_right_logical3A_518 = arith.constant 14 : i32
    %shift_right_logical3A_519 = vector.broadcast %shift_right_logical3A_518 : i32 to vector<16xi32>
    %shift_right_logical3A_520 = arith.shrui %get3A_517, %shift_right_logical3A_519 : vector<16xi32>
    %shift_left3A_521 = arith.constant 13 : i32
    %shift_left3A_522 = vector.broadcast %shift_left3A_521 : i32 to vector<16xi32>
    %shift_left3A_523 = arith.shli %shift_right_logical3A_520, %shift_left3A_522 : vector<16xi32>
    %and3A_524 = arith.constant 8191 : i32
    %and3A_525 = vector.broadcast %and3A_524 : i32 to vector<16xi32>
    %and3A_526 = arith.andi %get3A_517, %and3A_525 : vector<16xi32>
    %add3A_527 = arith.addi %shift_left3A_523, %and3A_526 : vector<16xi32>
    %swap3A_528 = arith.constant 1 : i32
    %swap3A_529 = arith.index_cast %swap3A_528 : i32 to index
    %swap3A_530 = arith.constant 96 : index
    %swap3A_531 = tpu.vector_load %arg6[%swap3A_529, %swap3A_530] {strides = array<i32>} : memref<4x128xi32, #tpu.memory_space<vmem>>, vector<1x16xi32>,
    %swap3A_532 = vector.shape_cast %swap3A_531 : vector<1x16xi32> to vector<16xi32>
    %swap3A_533 = vector.shape_cast %add3A_527 : vector<16xi32> to vector<1x16xi32>
    tpu.vector_store %arg6[%swap3A_529, %swap3A_530], %swap3A_533 {strides = array<i32>} : memref<4x128xi32, #tpu.memory_space<vmem>>, vector<1x16xi32>,
    %shift_right_logical3A_534 = arith.constant 13 : i32
    %shift_right_logical3A_535 = vector.broadcast %shift_right_logical3A_534 : i32 to vector<16xi32>
    %shift_right_logical3A_536 = arith.shrui %get3A_517, %shift_right_logical3A_535 : vector<16xi32>
    %and3A_537 = arith.constant 1 : i32
    %and3A_538 = vector.broadcast %and3A_537 : i32 to vector<16xi32>
    %and3A_539 = arith.andi %shift_right_logical3A_536, %and3A_538 : vector<16xi32>
    %shift_left3A_540 = arith.constant 6 : i32
    %shift_left3A_541 = vector.broadcast %shift_left3A_540 : i32 to vector<16xi32>
    %shift_left3A_542 = arith.shli %and3A_539, %shift_left3A_541 : vector<16xi32>
    %swap3A_543 = arith.constant 1 : i32
    %swap3A_544 = arith.index_cast %swap3A_543 : i32 to index
    %swap3A_545 = arith.constant 96 : index
    %swap3A_546 = tpu.vector_load %arg7[%swap3A_544, %swap3A_545] {strides = array<i32>} : memref<4x128xi32, #tpu.memory_space<vmem>>, vector<1x16xi32>,
    %swap3A_547 = vector.shape_cast %swap3A_546 : vector<1x16xi32> to vector<16xi32>
    %swap3A_548 = vector.shape_cast %shift_left3A_542 : vector<16xi32> to vector<1x16xi32>
    tpu.vector_store %arg7[%swap3A_544, %swap3A_545], %swap3A_548 {strides = array<i32>} : memref<4x128xi32, #tpu.memory_space<vmem>>, vector<1x16xi32>,
    %get3A_549 = arith.constant 1 : i32
    %get3A_550 = arith.index_cast %get3A_549 : i32 to index
    %get3A_551 = arith.constant 112 : index
    %get3A_552 = tpu.vector_load %arg5[%get3A_550, %get3A_551] {strides = array<i32>} : memref<80x128xi32, #tpu.memory_space<vmem>>, vector<1x16xi32>,
    %get3A_553 = vector.shape_cast %get3A_552 : vector<1x16xi32> to vector<16xi32>
    %shift_right_logical3A_554 = arith.constant 14 : i32
    %shift_right_logical3A_555 = vector.broadcast %shift_right_logical3A_554 : i32 to vector<16xi32>
    %shift_right_logical3A_556 = arith.shrui %get3A_553, %shift_right_logical3A_555 : vector<16xi32>
    %shift_left3A_557 = arith.constant 13 : i32
    %shift_left3A_558 = vector.broadcast %shift_left3A_557 : i32 to vector<16xi32>
    %shift_left3A_559 = arith.shli %shift_right_logical3A_556, %shift_left3A_558 : vector<16xi32>
    %and3A_560 = arith.constant 8191 : i32
    %and3A_561 = vector.broadcast %and3A_560 : i32 to vector<16xi32>
    %and3A_562 = arith.andi %get3A_553, %and3A_561 : vector<16xi32>
    %add3A_563 = arith.addi %shift_left3A_559, %and3A_562 : vector<16xi32>
    %swap3A_564 = arith.constant 1 : i32
    %swap3A_565 = arith.index_cast %swap3A_564 : i32 to index
    %swap3A_566 = arith.constant 112 : index
    %swap3A_567 = tpu.vector_load %arg6[%swap3A_565, %swap3A_566] {strides = array<i32>} : memref<4x128xi32, #tpu.memory_space<vmem>>, vector<1x16xi32>,
    %swap3A_568 = vector.shape_cast %swap3A_567 : vector<1x16xi32> to vector<16xi32>
    %swap3A_569 = vector.shape_cast %add3A_563 : vector<16xi32> to vector<1x16xi32>
    tpu.vector_store %arg6[%swap3A_565, %swap3A_566], %swap3A_569 {strides = array<i32>} : memref<4x128xi32, #tpu.memory_space<vmem>>, vector<1x16xi32>,
    %shift_right_logical3A_570 = arith.constant 13 : i32
    %shift_right_logical3A_571 = vector.broadcast %shift_right_logical3A_570 : i32 to vector<16xi32>
    %shift_right_logical3A_572 = arith.shrui %get3A_553, %shift_right_logical3A_571 : vector<16xi32>
    %and3A_573 = arith.constant 1 : i32
    %and3A_574 = vector.broadcast %and3A_573 : i32 to vector<16xi32>
    %and3A_575 = arith.andi %shift_right_logical3A_572, %and3A_574 : vector<16xi32>
    %shift_left3A_576 = arith.constant 6 : i32
    %shift_left3A_577 = vector.broadcast %shift_left3A_576 : i32 to vector<16xi32>
    %shift_left3A_578 = arith.shli %and3A_575, %shift_left3A_577 : vector<16xi32>
    %swap3A_579 = arith.constant 1 : i32
    %swap3A_580 = arith.index_cast %swap3A_579 : i32 to index
    %swap3A_581 = arith.constant 112 : index
    %swap3A_582 = tpu.vector_load %arg7[%swap3A_580, %swap3A_581] {strides = array<i32>} : memref<4x128xi32, #tpu.memory_space<vmem>>, vector<1x16xi32>,
    %swap3A_583 = vector.shape_cast %swap3A_582 : vector<1x16xi32> to vector<16xi32>
    %swap3A_584 = vector.shape_cast %shift_left3A_578 : vector<16xi32> to vector<1x16xi32>
    tpu.vector_store %arg7[%swap3A_580, %swap3A_581], %swap3A_584 {strides = array<i32>} : memref<4x128xi32, #tpu.memory_space<vmem>>, vector<1x16xi32>,
    %dma_start3A_585 = arith.constant 1 : i32
    %dma_start3A_586 = arith.constant 1 : i32
    %dma_start3A_587 = arith.constant 0 : i32
    %dma_start3A_588 = arith.constant 0 : i32
    %dma_start3A_589 = tpu.memref_slice %arg8[%dma_start3A_586, %dma_start3A_587, %dma_start3A_588] : memref<4x128x128xf32, #tpu.memory_space<vmem>> -> memref<1x128x128xf32, #tpu.memory_space<vmem>>
    %dma_start3A_590 = tpu.memref_squeeze %dma_start3A_589 : memref<1x128x128xf32, #tpu.memory_space<vmem>> -> memref<128x128xf32, #tpu.memory_space<vmem>>
    %dma_start3A_591 = arith.constant 0 : i32
    %dma_start3A_592 = tpu.memref_slice %arg6[%dma_start3A_585, %dma_start3A_591] : memref<4x128xi32, #tpu.memory_space<vmem>> -> memref<1x128xi32, #tpu.memory_space<vmem>>
    %dma_start3A_593 = tpu.memref_squeeze %dma_start3A_592 : memref<1x128xi32, #tpu.memory_space<vmem>> -> memref<128xi32, #tpu.memory_space<vmem>>
    %dma_start3A_594 = arith.constant 0 : i32
    %dma_start3A_595 = arith.constant 0 : i32
    %dma_start3A_596 = tpu.memref_slice %arg2[%dma_start3A_594, %dma_start3A_595] : memref<507904x128xf32, #tpu.memory_space<hbm>> -> memref<507904x128xf32, #tpu.memory_space<hbm>>
    tpu.enqueue_indirect_dma source(%dma_start3A_596 : memref<507904x128xf32, #tpu.memory_space<hbm>>) target(%dma_start3A_590 : memref<128x128xf32, #tpu.memory_space<vmem>>) offsets(%dma_start3A_593 : memref<128xi32, #tpu.memory_space<vmem>>) semaphore(%arg10 : memref<!tpu.dma_semaphore, #tpu.memory_space<semaphore_mem>>)
    %get3A_597 = arith.constant 2 : i32
    %get3A_598 = arith.index_cast %get3A_597 : i32 to index
    %get3A_599 = arith.constant 0 : index
    %get3A_600 = tpu.vector_load %arg5[%get3A_598, %get3A_599] {strides = array<i32>} : memref<80x128xi32, #tpu.memory_space<vmem>>, vector<1x16xi32>,
    %get3A_601 = vector.shape_cast %get3A_600 : vector<1x16xi32> to vector<16xi32>
    %shift_right_logical3A_602 = arith.constant 14 : i32
    %shift_right_logical3A_603 = vector.broadcast %shift_right_logical3A_602 : i32 to vector<16xi32>
    %shift_right_logical3A_604 = arith.shrui %get3A_601, %shift_right_logical3A_603 : vector<16xi32>
    %shift_left3A_605 = arith.constant 13 : i32
    %shift_left3A_606 = vector.broadcast %shift_left3A_605 : i32 to vector<16xi32>
    %shift_left3A_607 = arith.shli %shift_right_logical3A_604, %shift_left3A_606 : vector<16xi32>
    %and3A_608 = arith.constant 8191 : i32
    %and3A_609 = vector.broadcast %and3A_608 : i32 to vector<16xi32>
    %and3A_610 = arith.andi %get3A_601, %and3A_609 : vector<16xi32>
    %add3A_611 = arith.addi %shift_left3A_607, %and3A_610 : vector<16xi32>
    %swap3A_612 = arith.constant 2 : i32
    %swap3A_613 = arith.index_cast %swap3A_612 : i32 to index
    %swap3A_614 = arith.constant 0 : index
    %swap3A_615 = tpu.vector_load %arg6[%swap3A_613, %swap3A_614] {strides = array<i32>} : memref<4x128xi32, #tpu.memory_space<vmem>>, vector<1x16xi32>,
    %swap3A_616 = vector.shape_cast %swap3A_615 : vector<1x16xi32> to vector<16xi32>
    %swap3A_617 = vector.shape_cast %add3A_611 : vector<16xi32> to vector<1x16xi32>
    tpu.vector_store %arg6[%swap3A_613, %swap3A_614], %swap3A_617 {strides = array<i32>} : memref<4x128xi32, #tpu.memory_space<vmem>>, vector<1x16xi32>,
    %shift_right_logical3A_618 = arith.constant 13 : i32
    %shift_right_logical3A_619 = vector.broadcast %shift_right_logical3A_618 : i32 to vector<16xi32>
    %shift_right_logical3A_620 = arith.shrui %get3A_601, %shift_right_logical3A_619 : vector<16xi32>
    %and3A_621 = arith.constant 1 : i32
    %and3A_622 = vector.broadcast %and3A_621 : i32 to vector<16xi32>
    %and3A_623 = arith.andi %shift_right_logical3A_620, %and3A_622 : vector<16xi32>
    %shift_left3A_624 = arith.constant 6 : i32
    %shift_left3A_625 = vector.broadcast %shift_left3A_624 : i32 to vector<16xi32>
    %shift_left3A_626 = arith.shli %and3A_623, %shift_left3A_625 : vector<16xi32>
    %swap3A_627 = arith.constant 2 : i32
    %swap3A_628 = arith.index_cast %swap3A_627 : i32 to index
    %swap3A_629 = arith.constant 0 : index
    %swap3A_630 = tpu.vector_load %arg7[%swap3A_628, %swap3A_629] {strides = array<i32>} : memref<4x128xi32, #tpu.memory_space<vmem>>, vector<1x16xi32>,
    %swap3A_631 = vector.shape_cast %swap3A_630 : vector<1x16xi32> to vector<16xi32>
    %swap3A_632 = vector.shape_cast %shift_left3A_626 : vector<16xi32> to vector<1x16xi32>
    tpu.vector_store %arg7[%swap3A_628, %swap3A_629], %swap3A_632 {strides = array<i32>} : memref<4x128xi32, #tpu.memory_space<vmem>>, vector<1x16xi32>,
    %get3A_633 = arith.constant 2 : i32
    %get3A_634 = arith.index_cast %get3A_633 : i32 to index
    %get3A_635 = arith.constant 16 : index
    %get3A_636 = tpu.vector_load %arg5[%get3A_634, %get3A_635] {strides = array<i32>} : memref<80x128xi32, #tpu.memory_space<vmem>>, vector<1x16xi32>,
    %get3A_637 = vector.shape_cast %get3A_636 : vector<1x16xi32> to vector<16xi32>
    %shift_right_logical3A_638 = arith.constant 14 : i32
    %shift_right_logical3A_639 = vector.broadcast %shift_right_logical3A_638 : i32 to vector<16xi32>
    %shift_right_logical3A_640 = arith.shrui %get3A_637, %shift_right_logical3A_639 : vector<16xi32>
    %shift_left3A_641 = arith.constant 13 : i32
    %shift_left3A_642 = vector.broadcast %shift_left3A_641 : i32 to vector<16xi32>
    %shift_left3A_643 = arith.shli %shift_right_logical3A_640, %shift_left3A_642 : vector<16xi32>
    %and3A_644 = arith.constant 8191 : i32
    %and3A_645 = vector.broadcast %and3A_644 : i32 to vector<16xi32>
    %and3A_646 = arith.andi %get3A_637, %and3A_645 : vector<16xi32>
    %add3A_647 = arith.addi %shift_left3A_643, %and3A_646 : vector<16xi32>
    %swap3A_648 = arith.constant 2 : i32
    %swap3A_649 = arith.index_cast %swap3A_648 : i32 to index
    %swap3A_650 = arith.constant 16 : index
    %swap3A_651 = tpu.vector_load %arg6[%swap3A_649, %swap3A_650] {strides = array<i32>} : memref<4x128xi32, #tpu.memory_space<vmem>>, vector<1x16xi32>,
    %swap3A_652 = vector.shape_cast %swap3A_651 : vector<1x16xi32> to vector<16xi32>
    %swap3A_653 = vector.shape_cast %add3A_647 : vector<16xi32> to vector<1x16xi32>
    tpu.vector_store %arg6[%swap3A_649, %swap3A_650], %swap3A_653 {strides = array<i32>} : memref<4x128xi32, #tpu.memory_space<vmem>>, vector<1x16xi32>,
    %shift_right_logical3A_654 = arith.constant 13 : i32
    %shift_right_logical3A_655 = vector.broadcast %shift_right_logical3A_654 : i32 to vector<16xi32>
    %shift_right_logical3A_656 = arith.shrui %get3A_637, %shift_right_logical3A_655 : vector<16xi32>
    %and3A_657 = arith.constant 1 : i32
    %and3A_658 = vector.broadcast %and3A_657 : i32 to vector<16xi32>
    %and3A_659 = arith.andi %shift_right_logical3A_656, %and3A_658 : vector<16xi32>
    %shift_left3A_660 = arith.constant 6 : i32
    %shift_left3A_661 = vector.broadcast %shift_left3A_660 : i32 to vector<16xi32>
    %shift_left3A_662 = arith.shli %and3A_659, %shift_left3A_661 : vector<16xi32>
    %swap3A_663 = arith.constant 2 : i32
    %swap3A_664 = arith.index_cast %swap3A_663 : i32 to index
    %swap3A_665 = arith.constant 16 : index
    %swap3A_666 = tpu.vector_load %arg7[%swap3A_664, %swap3A_665] {strides = array<i32>} : memref<4x128xi32, #tpu.memory_space<vmem>>, vector<1x16xi32>,
    %swap3A_667 = vector.shape_cast %swap3A_666 : vector<1x16xi32> to vector<16xi32>
    %swap3A_668 = vector.shape_cast %shift_left3A_662 : vector<16xi32> to vector<1x16xi32>
    tpu.vector_store %arg7[%swap3A_664, %swap3A_665], %swap3A_668 {strides = array<i32>} : memref<4x128xi32, #tpu.memory_space<vmem>>, vector<1x16xi32>,
    %get3A_669 = arith.constant 2 : i32
    %get3A_670 = arith.index_cast %get3A_669 : i32 to index
    %get3A_671 = arith.constant 32 : index
    %get3A_672 = tpu.vector_load %arg5[%get3A_670, %get3A_671] {strides = array<i32>} : memref<80x128xi32, #tpu.memory_space<vmem>>, vector<1x16xi32>,
    %get3A_673 = vector.shape_cast %get3A_672 : vector<1x16xi32> to vector<16xi32>
    %shift_right_logical3A_674 = arith.constant 14 : i32
    %shift_right_logical3A_675 = vector.broadcast %shift_right_logical3A_674 : i32 to vector<16xi32>
    %shift_right_logical3A_676 = arith.shrui %get3A_673, %shift_right_logical3A_675 : vector<16xi32>
    %shift_left3A_677 = arith.constant 13 : i32
    %shift_left3A_678 = vector.broadcast %shift_left3A_677 : i32 to vector<16xi32>
    %shift_left3A_679 = arith.shli %shift_right_logical3A_676, %shift_left3A_678 : vector<16xi32>
    %and3A_680 = arith.constant 8191 : i32
    %and3A_681 = vector.broadcast %and3A_680 : i32 to vector<16xi32>
    %and3A_682 = arith.andi %get3A_673, %and3A_681 : vector<16xi32>
    %add3A_683 = arith.addi %shift_left3A_679, %and3A_682 : vector<16xi32>
    %swap3A_684 = arith.constant 2 : i32
    %swap3A_685 = arith.index_cast %swap3A_684 : i32 to index
    %swap3A_686 = arith.constant 32 : index
    %swap3A_687 = tpu.vector_load %arg6[%swap3A_685, %swap3A_686] {strides = array<i32>} : memref<4x128xi32, #tpu.memory_space<vmem>>, vector<1x16xi32>,
    %swap3A_688 = vector.shape_cast %swap3A_687 : vector<1x16xi32> to vector<16xi32>
    %swap3A_689 = vector.shape_cast %add3A_683 : vector<16xi32> to vector<1x16xi32>
    tpu.vector_store %arg6[%swap3A_685, %swap3A_686], %swap3A_689 {strides = array<i32>} : memref<4x128xi32, #tpu.memory_space<vmem>>, vector<1x16xi32>,
    %shift_right_logical3A_690 = arith.constant 13 : i32
    %shift_right_logical3A_691 = vector.broadcast %shift_right_logical3A_690 : i32 to vector<16xi32>
    %shift_right_logical3A_692 = arith.shrui %get3A_673, %shift_right_logical3A_691 : vector<16xi32>
    %and3A_693 = arith.constant 1 : i32
    %and3A_694 = vector.broadcast %and3A_693 : i32 to vector<16xi32>
    %and3A_695 = arith.andi %shift_right_logical3A_692, %and3A_694 : vector<16xi32>
    %shift_left3A_696 = arith.constant 6 : i32
    %shift_left3A_697 = vector.broadcast %shift_left3A_696 : i32 to vector<16xi32>
    %shift_left3A_698 = arith.shli %and3A_695, %shift_left3A_697 : vector<16xi32>
    %swap3A_699 = arith.constant 2 : i32
    %swap3A_700 = arith.index_cast %swap3A_699 : i32 to index
    %swap3A_701 = arith.constant 32 : index
    %swap3A_702 = tpu.vector_load %arg7[%swap3A_700, %swap3A_701] {strides = array<i32>} : memref<4x128xi32, #tpu.memory_space<vmem>>, vector<1x16xi32>,
    %swap3A_703 = vector.shape_cast %swap3A_702 : vector<1x16xi32> to vector<16xi32>
    %swap3A_704 = vector.shape_cast %shift_left3A_698 : vector<16xi32> to vector<1x16xi32>
    tpu.vector_store %arg7[%swap3A_700, %swap3A_701], %swap3A_704 {strides = array<i32>} : memref<4x128xi32, #tpu.memory_space<vmem>>, vector<1x16xi32>,
    %get3A_705 = arith.constant 2 : i32
    %get3A_706 = arith.index_cast %get3A_705 : i32 to index
    %get3A_707 = arith.constant 48 : index
    %get3A_708 = tpu.vector_load %arg5[%get3A_706, %get3A_707] {strides = array<i32>} : memref<80x128xi32, #tpu.memory_space<vmem>>, vector<1x16xi32>,
    %get3A_709 = vector.shape_cast %get3A_708 : vector<1x16xi32> to vector<16xi32>
    %shift_right_logical3A_710 = arith.constant 14 : i32
    %shift_right_logical3A_711 = vector.broadcast %shift_right_logical3A_710 : i32 to vector<16xi32>
    %shift_right_logical3A_712 = arith.shrui %get3A_709, %shift_right_logical3A_711 : vector<16xi32>
    %shift_left3A_713 = arith.constant 13 : i32
    %shift_left3A_714 = vector.broadcast %shift_left3A_713 : i32 to vector<16xi32>
    %shift_left3A_715 = arith.shli %shift_right_logical3A_712, %shift_left3A_714 : vector<16xi32>
    %and3A_716 = arith.constant 8191 : i32
    %and3A_717 = vector.broadcast %and3A_716 : i32 to vector<16xi32>
    %and3A_718 = arith.andi %get3A_709, %and3A_717 : vector<16xi32>
    %add3A_719 = arith.addi %shift_left3A_715, %and3A_718 : vector<16xi32>
    %swap3A_720 = arith.constant 2 : i32
    %swap3A_721 = arith.index_cast %swap3A_720 : i32 to index
    %swap3A_722 = arith.constant 48 : index
    %swap3A_723 = tpu.vector_load %arg6[%swap3A_721, %swap3A_722] {strides = array<i32>} : memref<4x128xi32, #tpu.memory_space<vmem>>, vector<1x16xi32>,
    %swap3A_724 = vector.shape_cast %swap3A_723 : vector<1x16xi32> to vector<16xi32>
    %swap3A_725 = vector.shape_cast %add3A_719 : vector<16xi32> to vector<1x16xi32>
    tpu.vector_store %arg6[%swap3A_721, %swap3A_722], %swap3A_725 {strides = array<i32>} : memref<4x128xi32, #tpu.memory_space<vmem>>, vector<1x16xi32>,
    %shift_right_logical3A_726 = arith.constant 13 : i32
    %shift_right_logical3A_727 = vector.broadcast %shift_right_logical3A_726 : i32 to vector<16xi32>
    %shift_right_logical3A_728 = arith.shrui %get3A_709, %shift_right_logical3A_727 : vector<16xi32>
    %and3A_729 = arith.constant 1 : i32
    %and3A_730 = vector.broadcast %and3A_729 : i32 to vector<16xi32>
    %and3A_731 = arith.andi %shift_right_logical3A_728, %and3A_730 : vector<16xi32>
    %shift_left3A_732 = arith.constant 6 : i32
    %shift_left3A_733 = vector.broadcast %shift_left3A_732 : i32 to vector<16xi32>
    %shift_left3A_734 = arith.shli %and3A_731, %shift_left3A_733 : vector<16xi32>
    %swap3A_735 = arith.constant 2 : i32
    %swap3A_736 = arith.index_cast %swap3A_735 : i32 to index
    %swap3A_737 = arith.constant 48 : index
    %swap3A_738 = tpu.vector_load %arg7[%swap3A_736, %swap3A_737] {strides = array<i32>} : memref<4x128xi32, #tpu.memory_space<vmem>>, vector<1x16xi32>,
    %swap3A_739 = vector.shape_cast %swap3A_738 : vector<1x16xi32> to vector<16xi32>
    %swap3A_740 = vector.shape_cast %shift_left3A_734 : vector<16xi32> to vector<1x16xi32>
    tpu.vector_store %arg7[%swap3A_736, %swap3A_737], %swap3A_740 {strides = array<i32>} : memref<4x128xi32, #tpu.memory_space<vmem>>, vector<1x16xi32>,
    %get3A_741 = arith.constant 2 : i32
    %get3A_742 = arith.index_cast %get3A_741 : i32 to index
    %get3A_743 = arith.constant 64 : index
    %get3A_744 = tpu.vector_load %arg5[%get3A_742, %get3A_743] {strides = array<i32>} : memref<80x128xi32, #tpu.memory_space<vmem>>, vector<1x16xi32>,
    %get3A_745 = vector.shape_cast %get3A_744 : vector<1x16xi32> to vector<16xi32>
    %shift_right_logical3A_746 = arith.constant 14 : i32
    %shift_right_logical3A_747 = vector.broadcast %shift_right_logical3A_746 : i32 to vector<16xi32>
    %shift_right_logical3A_748 = arith.shrui %get3A_745, %shift_right_logical3A_747 : vector<16xi32>
    %shift_left3A_749 = arith.constant 13 : i32
    %shift_left3A_750 = vector.broadcast %shift_left3A_749 : i32 to vector<16xi32>
    %shift_left3A_751 = arith.shli %shift_right_logical3A_748, %shift_left3A_750 : vector<16xi32>
    %and3A_752 = arith.constant 8191 : i32
    %and3A_753 = vector.broadcast %and3A_752 : i32 to vector<16xi32>
    %and3A_754 = arith.andi %get3A_745, %and3A_753 : vector<16xi32>
    %add3A_755 = arith.addi %shift_left3A_751, %and3A_754 : vector<16xi32>
    %swap3A_756 = arith.constant 2 : i32
    %swap3A_757 = arith.index_cast %swap3A_756 : i32 to index
    %swap3A_758 = arith.constant 64 : index
    %swap3A_759 = tpu.vector_load %arg6[%swap3A_757, %swap3A_758] {strides = array<i32>} : memref<4x128xi32, #tpu.memory_space<vmem>>, vector<1x16xi32>,
    %swap3A_760 = vector.shape_cast %swap3A_759 : vector<1x16xi32> to vector<16xi32>
    %swap3A_761 = vector.shape_cast %add3A_755 : vector<16xi32> to vector<1x16xi32>
    tpu.vector_store %arg6[%swap3A_757, %swap3A_758], %swap3A_761 {strides = array<i32>} : memref<4x128xi32, #tpu.memory_space<vmem>>, vector<1x16xi32>,
    %shift_right_logical3A_762 = arith.constant 13 : i32
    %shift_right_logical3A_763 = vector.broadcast %shift_right_logical3A_762 : i32 to vector<16xi32>
    %shift_right_logical3A_764 = arith.shrui %get3A_745, %shift_right_logical3A_763 : vector<16xi32>
    %and3A_765 = arith.constant 1 : i32
    %and3A_766 = vector.broadcast %and3A_765 : i32 to vector<16xi32>
    %and3A_767 = arith.andi %shift_right_logical3A_764, %and3A_766 : vector<16xi32>
    %shift_left3A_768 = arith.constant 6 : i32
    %shift_left3A_769 = vector.broadcast %shift_left3A_768 : i32 to vector<16xi32>
    %shift_left3A_770 = arith.shli %and3A_767, %shift_left3A_769 : vector<16xi32>
    %swap3A_771 = arith.constant 2 : i32
    %swap3A_772 = arith.index_cast %swap3A_771 : i32 to index
    %swap3A_773 = arith.constant 64 : index
    %swap3A_774 = tpu.vector_load %arg7[%swap3A_772, %swap3A_773] {strides = array<i32>} : memref<4x128xi32, #tpu.memory_space<vmem>>, vector<1x16xi32>,
    %swap3A_775 = vector.shape_cast %swap3A_774 : vector<1x16xi32> to vector<16xi32>
    %swap3A_776 = vector.shape_cast %shift_left3A_770 : vector<16xi32> to vector<1x16xi32>
    tpu.vector_store %arg7[%swap3A_772, %swap3A_773], %swap3A_776 {strides = array<i32>} : memref<4x128xi32, #tpu.memory_space<vmem>>, vector<1x16xi32>,
    %get3A_777 = arith.constant 2 : i32
    %get3A_778 = arith.index_cast %get3A_777 : i32 to index
    %get3A_779 = arith.constant 80 : index
    %get3A_780 = tpu.vector_load %arg5[%get3A_778, %get3A_779] {strides = array<i32>} : memref<80x128xi32, #tpu.memory_space<vmem>>, vector<1x16xi32>,
    %get3A_781 = vector.shape_cast %get3A_780 : vector<1x16xi32> to vector<16xi32>
    %shift_right_logical3A_782 = arith.constant 14 : i32
    %shift_right_logical3A_783 = vector.broadcast %shift_right_logical3A_782 : i32 to vector<16xi32>
    %shift_right_logical3A_784 = arith.shrui %get3A_781, %shift_right_logical3A_783 : vector<16xi32>
    %shift_left3A_785 = arith.constant 13 : i32
    %shift_left3A_786 = vector.broadcast %shift_left3A_785 : i32 to vector<16xi32>
    %shift_left3A_787 = arith.shli %shift_right_logical3A_784, %shift_left3A_786 : vector<16xi32>
    %and3A_788 = arith.constant 8191 : i32
    %and3A_789 = vector.broadcast %and3A_788 : i32 to vector<16xi32>
    %and3A_790 = arith.andi %get3A_781, %and3A_789 : vector<16xi32>
    %add3A_791 = arith.addi %shift_left3A_787, %and3A_790 : vector<16xi32>
    %swap3A_792 = arith.constant 2 : i32
    %swap3A_793 = arith.index_cast %swap3A_792 : i32 to index
    %swap3A_794 = arith.constant 80 : index
    %swap3A_795 = tpu.vector_load %arg6[%swap3A_793, %swap3A_794] {strides = array<i32>} : memref<4x128xi32, #tpu.memory_space<vmem>>, vector<1x16xi32>,
    %swap3A_796 = vector.shape_cast %swap3A_795 : vector<1x16xi32> to vector<16xi32>
    %swap3A_797 = vector.shape_cast %add3A_791 : vector<16xi32> to vector<1x16xi32>
    tpu.vector_store %arg6[%swap3A_793, %swap3A_794], %swap3A_797 {strides = array<i32>} : memref<4x128xi32, #tpu.memory_space<vmem>>, vector<1x16xi32>,
    %shift_right_logical3A_798 = arith.constant 13 : i32
    %shift_right_logical3A_799 = vector.broadcast %shift_right_logical3A_798 : i32 to vector<16xi32>
    %shift_right_logical3A_800 = arith.shrui %get3A_781, %shift_right_logical3A_799 : vector<16xi32>
    %and3A_801 = arith.constant 1 : i32
    %and3A_802 = vector.broadcast %and3A_801 : i32 to vector<16xi32>
    %and3A_803 = arith.andi %shift_right_logical3A_800, %and3A_802 : vector<16xi32>
    %shift_left3A_804 = arith.constant 6 : i32
    %shift_left3A_805 = vector.broadcast %shift_left3A_804 : i32 to vector<16xi32>
    %shift_left3A_806 = arith.shli %and3A_803, %shift_left3A_805 : vector<16xi32>
    %swap3A_807 = arith.constant 2 : i32
    %swap3A_808 = arith.index_cast %swap3A_807 : i32 to index
    %swap3A_809 = arith.constant 80 : index
    %swap3A_810 = tpu.vector_load %arg7[%swap3A_808, %swap3A_809] {strides = array<i32>} : memref<4x128xi32, #tpu.memory_space<vmem>>, vector<1x16xi32>,
    %swap3A_811 = vector.shape_cast %swap3A_810 : vector<1x16xi32> to vector<16xi32>
    %swap3A_812 = vector.shape_cast %shift_left3A_806 : vector<16xi32> to vector<1x16xi32>
    tpu.vector_store %arg7[%swap3A_808, %swap3A_809], %swap3A_812 {strides = array<i32>} : memref<4x128xi32, #tpu.memory_space<vmem>>, vector<1x16xi32>,
    %get3A_813 = arith.constant 2 : i32
    %get3A_814 = arith.index_cast %get3A_813 : i32 to index
    %get3A_815 = arith.constant 96 : index
    %get3A_816 = tpu.vector_load %arg5[%get3A_814, %get3A_815] {strides = array<i32>} : memref<80x128xi32, #tpu.memory_space<vmem>>, vector<1x16xi32>,
    %get3A_817 = vector.shape_cast %get3A_816 : vector<1x16xi32> to vector<16xi32>
    %shift_right_logical3A_818 = arith.constant 14 : i32
    %shift_right_logical3A_819 = vector.broadcast %shift_right_logical3A_818 : i32 to vector<16xi32>
    %shift_right_logical3A_820 = arith.shrui %get3A_817, %shift_right_logical3A_819 : vector<16xi32>
    %shift_left3A_821 = arith.constant 13 : i32
    %shift_left3A_822 = vector.broadcast %shift_left3A_821 : i32 to vector<16xi32>
    %shift_left3A_823 = arith.shli %shift_right_logical3A_820, %shift_left3A_822 : vector<16xi32>
    %and3A_824 = arith.constant 8191 : i32
    %and3A_825 = vector.broadcast %and3A_824 : i32 to vector<16xi32>
    %and3A_826 = arith.andi %get3A_817, %and3A_825 : vector<16xi32>
    %add3A_827 = arith.addi %shift_left3A_823, %and3A_826 : vector<16xi32>
    %swap3A_828 = arith.constant 2 : i32
    %swap3A_829 = arith.index_cast %swap3A_828 : i32 to index
    %swap3A_830 = arith.constant 96 : index
    %swap3A_831 = tpu.vector_load %arg6[%swap3A_829, %swap3A_830] {strides = array<i32>} : memref<4x128xi32, #tpu.memory_space<vmem>>, vector<1x16xi32>,
    %swap3A_832 = vector.shape_cast %swap3A_831 : vector<1x16xi32> to vector<16xi32>
    %swap3A_833 = vector.shape_cast %add3A_827 : vector<16xi32> to vector<1x16xi32>
    tpu.vector_store %arg6[%swap3A_829, %swap3A_830], %swap3A_833 {strides = array<i32>} : memref<4x128xi32, #tpu.memory_space<vmem>>, vector<1x16xi32>,
    %shift_right_logical3A_834 = arith.constant 13 : i32
    %shift_right_logical3A_835 = vector.broadcast %shift_right_logical3A_834 : i32 to vector<16xi32>
    %shift_right_logical3A_836 = arith.shrui %get3A_817, %shift_right_logical3A_835 : vector<16xi32>
    %and3A_837 = arith.constant 1 : i32
    %and3A_838 = vector.broadcast %and3A_837 : i32 to vector<16xi32>
    %and3A_839 = arith.andi %shift_right_logical3A_836, %and3A_838 : vector<16xi32>
    %shift_left3A_840 = arith.constant 6 : i32
    %shift_left3A_841 = vector.broadcast %shift_left3A_840 : i32 to vector<16xi32>
    %shift_left3A_842 = arith.shli %and3A_839, %shift_left3A_841 : vector<16xi32>
    %swap3A_843 = arith.constant 2 : i32
    %swap3A_844 = arith.index_cast %swap3A_843 : i32 to index
    %swap3A_845 = arith.constant 96 : index
    %swap3A_846 = tpu.vector_load %arg7[%swap3A_844, %swap3A_845] {strides = array<i32>} : memref<4x128xi32, #tpu.memory_space<vmem>>, vector<1x16xi32>,
    %swap3A_847 = vector.shape_cast %swap3A_846 : vector<1x16xi32> to vector<16xi32>
    %swap3A_848 = vector.shape_cast %shift_left3A_842 : vector<16xi32> to vector<1x16xi32>
    tpu.vector_store %arg7[%swap3A_844, %swap3A_845], %swap3A_848 {strides = array<i32>} : memref<4x128xi32, #tpu.memory_space<vmem>>, vector<1x16xi32>,
    %get3A_849 = arith.constant 2 : i32
    %get3A_850 = arith.index_cast %get3A_849 : i32 to index
    %get3A_851 = arith.constant 112 : index
    %get3A_852 = tpu.vector_load %arg5[%get3A_850, %get3A_851] {strides = array<i32>} : memref<80x128xi32, #tpu.memory_space<vmem>>, vector<1x16xi32>,
    %get3A_853 = vector.shape_cast %get3A_852 : vector<1x16xi32> to vector<16xi32>
    %shift_right_logical3A_854 = arith.constant 14 : i32
    %shift_right_logical3A_855 = vector.broadcast %shift_right_logical3A_854 : i32 to vector<16xi32>
    %shift_right_logical3A_856 = arith.shrui %get3A_853, %shift_right_logical3A_855 : vector<16xi32>
    %shift_left3A_857 = arith.constant 13 : i32
    %shift_left3A_858 = vector.broadcast %shift_left3A_857 : i32 to vector<16xi32>
    %shift_left3A_859 = arith.shli %shift_right_logical3A_856, %shift_left3A_858 : vector<16xi32>
    %and3A_860 = arith.constant 8191 : i32
    %and3A_861 = vector.broadcast %and3A_860 : i32 to vector<16xi32>
    %and3A_862 = arith.andi %get3A_853, %and3A_861 : vector<16xi32>
    %add3A_863 = arith.addi %shift_left3A_859, %and3A_862 : vector<16xi32>
    %swap3A_864 = arith.constant 2 : i32
    %swap3A_865 = arith.index_cast %swap3A_864 : i32 to index
    %swap3A_866 = arith.constant 112 : index
    %swap3A_867 = tpu.vector_load %arg6[%swap3A_865, %swap3A_866] {strides = array<i32>} : memref<4x128xi32, #tpu.memory_space<vmem>>, vector<1x16xi32>,
    %swap3A_868 = vector.shape_cast %swap3A_867 : vector<1x16xi32> to vector<16xi32>
    %swap3A_869 = vector.shape_cast %add3A_863 : vector<16xi32> to vector<1x16xi32>
    tpu.vector_store %arg6[%swap3A_865, %swap3A_866], %swap3A_869 {strides = array<i32>} : memref<4x128xi32, #tpu.memory_space<vmem>>, vector<1x16xi32>,
    %shift_right_logical3A_870 = arith.constant 13 : i32
    %shift_right_logical3A_871 = vector.broadcast %shift_right_logical3A_870 : i32 to vector<16xi32>
    %shift_right_logical3A_872 = arith.shrui %get3A_853, %shift_right_logical3A_871 : vector<16xi32>
    %and3A_873 = arith.constant 1 : i32
    %and3A_874 = vector.broadcast %and3A_873 : i32 to vector<16xi32>
    %and3A_875 = arith.andi %shift_right_logical3A_872, %and3A_874 : vector<16xi32>
    %shift_left3A_876 = arith.constant 6 : i32
    %shift_left3A_877 = vector.broadcast %shift_left3A_876 : i32 to vector<16xi32>
    %shift_left3A_878 = arith.shli %and3A_875, %shift_left3A_877 : vector<16xi32>
    %swap3A_879 = arith.constant 2 : i32
    %swap3A_880 = arith.index_cast %swap3A_879 : i32 to index
    %swap3A_881 = arith.constant 112 : index
    %swap3A_882 = tpu.vector_load %arg7[%swap3A_880, %swap3A_881] {strides = array<i32>} : memref<4x128xi32, #tpu.memory_space<vmem>>, vector<1x16xi32>,
    %swap3A_883 = vector.shape_cast %swap3A_882 : vector<1x16xi32> to vector<16xi32>
    %swap3A_884 = vector.shape_cast %shift_left3A_878 : vector<16xi32> to vector<1x16xi32>
    tpu.vector_store %arg7[%swap3A_880, %swap3A_881], %swap3A_884 {strides = array<i32>} : memref<4x128xi32, #tpu.memory_space<vmem>>, vector<1x16xi32>,
    %dma_start3A_885 = arith.constant 2 : i32
    %dma_start3A_886 = arith.constant 2 : i32
    %dma_start3A_887 = arith.constant 0 : i32
    %dma_start3A_888 = arith.constant 0 : i32
    %dma_start3A_889 = tpu.memref_slice %arg8[%dma_start3A_886, %dma_start3A_887, %dma_start3A_888] : memref<4x128x128xf32, #tpu.memory_space<vmem>> -> memref<1x128x128xf32, #tpu.memory_space<vmem>>
    %dma_start3A_890 = tpu.memref_squeeze %dma_start3A_889 : memref<1x128x128xf32, #tpu.memory_space<vmem>> -> memref<128x128xf32, #tpu.memory_space<vmem>>
    %dma_start3A_891 = arith.constant 0 : i32
    %dma_start3A_892 = tpu.memref_slice %arg6[%dma_start3A_885, %dma_start3A_891] : memref<4x128xi32, #tpu.memory_space<vmem>> -> memref<1x128xi32, #tpu.memory_space<vmem>>
    %dma_start3A_893 = tpu.memref_squeeze %dma_start3A_892 : memref<1x128xi32, #tpu.memory_space<vmem>> -> memref<128xi32, #tpu.memory_space<vmem>>
    %dma_start3A_894 = arith.constant 0 : i32
    %dma_start3A_895 = arith.constant 0 : i32
    %dma_start3A_896 = tpu.memref_slice %arg2[%dma_start3A_894, %dma_start3A_895] : memref<507904x128xf32, #tpu.memory_space<hbm>> -> memref<507904x128xf32, #tpu.memory_space<hbm>>
    tpu.enqueue_indirect_dma source(%dma_start3A_896 : memref<507904x128xf32, #tpu.memory_space<hbm>>) target(%dma_start3A_890 : memref<128x128xf32, #tpu.memory_space<vmem>>) offsets(%dma_start3A_893 : memref<128xi32, #tpu.memory_space<vmem>>) semaphore(%arg10 : memref<!tpu.dma_semaphore, #tpu.memory_space<semaphore_mem>>)
    %scan3A = arith.constant 0 : i32
    %scan3A_897 = arith.constant 80 : i32
    %scan3A_898 = arith.addi %scan3A, %scan3A_897 : i32
    %scan3A_899 = arith.constant 1 : i32
    scf.for %scan3A_926 = %scan3A to %scan3A_898 step %scan3A_899  : i32 {
      %mul3A_927 = arith.constant 1 : i32
      %mul3A_928 = arith.muli %scan3A_926, %mul3A_927 : i32
      %add3A_929 = arith.constant 0 : i32
      %add3A_930 = arith.addi %add3A_929, %mul3A_928 : i32
      %and3A_931 = arith.constant 3 : i32
      %and3A_932 = arith.andi %add3A_930, %and3A_931 : i32
      %and3A_933 = arith.constant 1 : i32
      %and3A_934 = arith.andi %add3A_930, %and3A_933 : i32
      %dma_wait3A_935 = arith.constant 0 : i32
      %dma_wait3A_936 = arith.constant 0 : i32
      %dma_wait3A_937 = tpu.memref_slice %arg8[%and3A_932, %dma_wait3A_935, %dma_wait3A_936] : memref<4x128x128xf32, #tpu.memory_space<vmem>> -> memref<1x128x128xf32, #tpu.memory_space<vmem>>
      %dma_wait3A_938 = tpu.memref_squeeze %dma_wait3A_937 : memref<1x128x128xf32, #tpu.memory_space<vmem>> -> memref<128x128xf32, #tpu.memory_space<vmem>>
      %dma_wait3A_939 = arith.constant 0 : i32
      %dma_wait3A_940 = tpu.memref_slice %arg6[%and3A_932, %dma_wait3A_939] : memref<4x128xi32, #tpu.memory_space<vmem>> -> memref<1x128xi32, #tpu.memory_space<vmem>>
      %dma_wait3A_941 = tpu.memref_squeeze %dma_wait3A_940 : memref<1x128xi32, #tpu.memory_space<vmem>> -> memref<128xi32, #tpu.memory_space<vmem>>
      %dma_wait3A_942 = arith.constant 0 : i32
      %dma_wait3A_943 = arith.constant 0 : i32
      %dma_wait3A_944 = tpu.memref_slice %arg2[%dma_wait3A_942, %dma_wait3A_943] : memref<507904x128xf32, #tpu.memory_space<hbm>> -> memref<507904x128xf32, #tpu.memory_space<hbm>>
      tpu.wait_indirect_dma semaphore(%arg10 : memref<!tpu.dma_semaphore, #tpu.memory_space<semaphore_mem>>) src(%dma_wait3A_944 : memref<507904x128xf32, #tpu.memory_space<hbm>>) dst(%dma_wait3A_938 : memref<128x128xf32, #tpu.memory_space<vmem>>)
      %ge3A = arith.constant 2 : i32
      %ge3A_945 = arith.cmpi sge, %add3A_930, %ge3A : i32
      %convert_element_type3A = arith.extui %ge3A_945 : i1 to i32
      %cond3A = arith.constant 0 : i32
      %cond3A_946 = arith.cmpi ne, %convert_element_type3A, %cond3A : i32
      scf.if %cond3A_946 {
        %dma_wait3A_973 = arith.constant 0 : i32
        %dma_wait3A_974 = arith.constant 0 : i32
        %dma_wait3A_975 = tpu.memref_slice %arg9[%and3A_934, %dma_wait3A_973, %dma_wait3A_974] : memref<2x128x64xf32, #tpu.memory_space<vmem>> -> memref<1x128x64xf32, #tpu.memory_space<vmem>>
        %dma_wait3A_976 = tpu.memref_squeeze %dma_wait3A_975 : memref<1x128x64xf32, #tpu.memory_space<vmem>> -> memref<128x64xf32, #tpu.memory_space<vmem>>
        %dma_wait3A_977 = arith.constant 0 : i32
        %dma_wait3A_978 = tpu.memref_slice %arg4[%mul3A_2, %dma_wait3A_977] : memref<327680x64xf32, #tpu.memory_space<hbm>> -> memref<128x64xf32, #tpu.memory_space<hbm>>
        %dma_wait3A_979 = arith.constant 0 : i32
        %dma_wait3A_980 = tpu.memref_slice %arg4[%mul3A_2, %dma_wait3A_979] : memref<327680x64xf32, #tpu.memory_space<hbm>> -> memref<128x64xf32, #tpu.memory_space<hbm>>
        %dma_wait3A_981 = arith.constant 0 : i32
        %dma_wait3A_982 = arith.constant 0 : i32
        %dma_wait3A_983 = tpu.memref_slice %arg9[%and3A_934, %dma_wait3A_981, %dma_wait3A_982] : memref<2x128x64xf32, #tpu.memory_space<vmem>> -> memref<1x128x64xf32, #tpu.memory_space<vmem>>
        %dma_wait3A_984 = tpu.memref_squeeze %dma_wait3A_983 : memref<1x128x64xf32, #tpu.memory_space<vmem>> -> memref<128x64xf32, #tpu.memory_space<vmem>>
        tpu.wait_dma2 semaphore(%arg11 : memref<!tpu.dma_semaphore, #tpu.memory_space<semaphore_mem>>) src(%dma_wait3A_984 : memref<128x64xf32, #tpu.memory_space<vmem>>) dst(%dma_wait3A_980 : memref<128x64xf32, #tpu.memory_space<hbm>>)
      } else {
      }
      %scan3A_947 = arith.constant 0 : i32
      %scan3A_948 = arith.constant 8 : i32
      %scan3A_949 = arith.addi %scan3A_947, %scan3A_948 : i32
      %scan3A_950 = arith.constant 1 : i32
      scf.for %scan3A_973 = %scan3A_947 to %scan3A_949 step %scan3A_950  : i32 {
        %mul3A_974 = arith.constant 1 : i32
        %mul3A_975 = arith.muli %scan3A_973, %mul3A_974 : i32
        %add3A_976 = arith.constant 0 : i32
        %add3A_977 = arith.addi %add3A_976, %mul3A_975 : i32
        %mul3A_978 = arith.constant 16 : i32
        %mul3A_979 = arith.muli %add3A_977, %mul3A_978 : i32
        %get3A_980 = arith.index_cast %and3A_932 : i32 to index
        %get3A_981 = arith.index_cast %mul3A_979 : i32 to index
        %get3A_982 = tpu.vector_load %arg7[%get3A_980, %get3A_981] {strides = array<i32>} : memref<4x128xi32, #tpu.memory_space<vmem>>, vector<1x16xi32>,
        %get3A_983 = vector.shape_cast %get3A_982 : vector<1x16xi32> to vector<16xi32>
        %mul3A_984 = arith.constant 16 : i32
        %mul3A_985 = arith.muli %add3A_977, %mul3A_984 : i32
        %add3A_986 = arith.constant 0 : i32
        %add3A_987 = arith.addi %mul3A_985, %add3A_986 : i32
        %slice3A = vector.extract_strided_slice %get3A_983 {offsets = [0], sizes = [1], strides = [1]} : vector<16xi32> to vector<1xi32>
        %squeeze3A = vector.extract %slice3A[0] : i32 from vector<1xi32>
        %add3A_988 = arith.constant 0 : i32
        %add3A_989 = arith.addi %squeeze3A, %add3A_988 : i32
        %get3A_990 = arith.index_cast %and3A_932 : i32 to index
        %get3A_991 = arith.index_cast %add3A_987 : i32 to index
        %get3A_992 = arith.index_cast %add3A_989 : i32 to index
        %get3A_993 = tpu.vector_load %arg8[%get3A_990, %get3A_991, %get3A_992] {strides = array<i32>} : memref<4x128x128xf32, #tpu.memory_space<vmem>>, vector<1x1x16xf32>,
        %get3A_994 = vector.shape_cast %get3A_993 : vector<1x1x16xf32> to vector<16xf32>
        %swap3A_995 = arith.index_cast %and3A_934 : i32 to index
        %swap3A_996 = arith.index_cast %add3A_987 : i32 to index
        %swap3A_997 = arith.constant 0 : index
        %swap3A_998 = tpu.vector_load %arg9[%swap3A_995, %swap3A_996, %swap3A_997] {strides = array<i32>} : memref<2x128x64xf32, #tpu.memory_space<vmem>>, vector<1x1x16xf32>,
        %swap3A_999 = vector.shape_cast %swap3A_998 : vector<1x1x16xf32> to vector<16xf32>
        %swap3A_1000 = vector.shape_cast %get3A_994 : vector<16xf32> to vector<1x1x16xf32>
        tpu.vector_store %arg9[%swap3A_995, %swap3A_996, %swap3A_997], %swap3A_1000 {strides = array<i32>} : memref<2x128x64xf32, #tpu.memory_space<vmem>>, vector<1x1x16xf32>,
        %add3A_1001 = arith.constant 16 : i32
        %add3A_1002 = arith.addi %squeeze3A, %add3A_1001 : i32
        %get3A_1003 = arith.index_cast %and3A_932 : i32 to index
        %get3A_1004 = arith.index_cast %add3A_987 : i32 to index
        %get3A_1005 = arith.index_cast %add3A_1002 : i32 to index
        %get3A_1006 = tpu.vector_load %arg8[%get3A_1003, %get3A_1004, %get3A_1005] {strides = array<i32>} : memref<4x128x128xf32, #tpu.memory_space<vmem>>, vector<1x1x16xf32>,
        %get3A_1007 = vector.shape_cast %get3A_1006 : vector<1x1x16xf32> to vector<16xf32>
        %swap3A_1008 = arith.index_cast %and3A_934 : i32 to index
        %swap3A_1009 = arith.index_cast %add3A_987 : i32 to index
        %swap3A_1010 = arith.constant 16 : index
        %swap3A_1011 = tpu.vector_load %arg9[%swap3A_1008, %swap3A_1009, %swap3A_1010] {strides = array<i32>} : memref<2x128x64xf32, #tpu.memory_space<vmem>>, vector<1x1x16xf32>,
        %swap3A_1012 = vector.shape_cast %swap3A_1011 : vector<1x1x16xf32> to vector<16xf32>
        %swap3A_1013 = vector.shape_cast %get3A_1007 : vector<16xf32> to vector<1x1x16xf32>
        tpu.vector_store %arg9[%swap3A_1008, %swap3A_1009, %swap3A_1010], %swap3A_1013 {strides = array<i32>} : memref<2x128x64xf32, #tpu.memory_space<vmem>>, vector<1x1x16xf32>,
        %add3A_1014 = arith.constant 32 : i32
        %add3A_1015 = arith.addi %squeeze3A, %add3A_1014 : i32
        %get3A_1016 = arith.index_cast %and3A_932 : i32 to index
        %get3A_1017 = arith.index_cast %add3A_987 : i32 to index
        %get3A_1018 = arith.index_cast %add3A_1015 : i32 to index
        %get3A_1019 = tpu.vector_load %arg8[%get3A_1016, %get3A_1017, %get3A_1018] {strides = array<i32>} : memref<4x128x128xf32, #tpu.memory_space<vmem>>, vector<1x1x16xf32>,
        %get3A_1020 = vector.shape_cast %get3A_1019 : vector<1x1x16xf32> to vector<16xf32>
        %swap3A_1021 = arith.index_cast %and3A_934 : i32 to index
        %swap3A_1022 = arith.index_cast %add3A_987 : i32 to index
        %swap3A_1023 = arith.constant 32 : index
        %swap3A_1024 = tpu.vector_load %arg9[%swap3A_1021, %swap3A_1022, %swap3A_1023] {strides = array<i32>} : memref<2x128x64xf32, #tpu.memory_space<vmem>>, vector<1x1x16xf32>,
        %swap3A_1025 = vector.shape_cast %swap3A_1024 : vector<1x1x16xf32> to vector<16xf32>
        %swap3A_1026 = vector.shape_cast %get3A_1020 : vector<16xf32> to vector<1x1x16xf32>
        tpu.vector_store %arg9[%swap3A_1021, %swap3A_1022, %swap3A_1023], %swap3A_1026 {strides = array<i32>} : memref<2x128x64xf32, #tpu.memory_space<vmem>>, vector<1x1x16xf32>,
        %add3A_1027 = arith.constant 48 : i32
        %add3A_1028 = arith.addi %squeeze3A, %add3A_1027 : i32
        %get3A_1029 = arith.index_cast %and3A_932 : i32 to index
        %get3A_1030 = arith.index_cast %add3A_987 : i32 to index
        %get3A_1031 = arith.index_cast %add3A_1028 : i32 to index
        %get3A_1032 = tpu.vector_load %arg8[%get3A_1029, %get3A_1030, %get3A_1031] {strides = array<i32>} : memref<4x128x128xf32, #tpu.memory_space<vmem>>, vector<1x1x16xf32>,
        %get3A_1033 = vector.shape_cast %get3A_1032 : vector<1x1x16xf32> to vector<16xf32>
        %swap3A_1034 = arith.index_cast %and3A_934 : i32 to index
        %swap3A_1035 = arith.index_cast %add3A_987 : i32 to index
        %swap3A_1036 = arith.constant 48 : index
        %swap3A_1037 = tpu.vector_load %arg9[%swap3A_1034, %swap3A_1035, %swap3A_1036] {strides = array<i32>} : memref<2x128x64xf32, #tpu.memory_space<vmem>>, vector<1x1x16xf32>,
        %swap3A_1038 = vector.shape_cast %swap3A_1037 : vector<1x1x16xf32> to vector<16xf32>
        %swap3A_1039 = vector.shape_cast %get3A_1033 : vector<16xf32> to vector<1x1x16xf32>
        tpu.vector_store %arg9[%swap3A_1034, %swap3A_1035, %swap3A_1036], %swap3A_1039 {strides = array<i32>} : memref<2x128x64xf32, #tpu.memory_space<vmem>>, vector<1x1x16xf32>,
        %mul3A_1040 = arith.constant 16 : i32
        %mul3A_1041 = arith.muli %add3A_977, %mul3A_1040 : i32
        %add3A_1042 = arith.constant 1 : i32
        %add3A_1043 = arith.addi %mul3A_1041, %add3A_1042 : i32
        %slice3A_1044 = vector.extract_strided_slice %get3A_983 {offsets = [1], sizes = [1], strides = [1]} : vector<16xi32> to vector<1xi32>
        %squeeze3A_1045 = vector.extract %slice3A_1044[0] : i32 from vector<1xi32>
        %add3A_1046 = arith.constant 0 : i32
        %add3A_1047 = arith.addi %squeeze3A_1045, %add3A_1046 : i32
        %get3A_1048 = arith.index_cast %and3A_932 : i32 to index
        %get3A_1049 = arith.index_cast %add3A_1043 : i32 to index
        %get3A_1050 = arith.index_cast %add3A_1047 : i32 to index
        %get3A_1051 = tpu.vector_load %arg8[%get3A_1048, %get3A_1049, %get3A_1050] {strides = array<i32>} : memref<4x128x128xf32, #tpu.memory_space<vmem>>, vector<1x1x16xf32>,
        %get3A_1052 = vector.shape_cast %get3A_1051 : vector<1x1x16xf32> to vector<16xf32>
        %swap3A_1053 = arith.index_cast %and3A_934 : i32 to index
        %swap3A_1054 = arith.index_cast %add3A_1043 : i32 to index
        %swap3A_1055 = arith.constant 0 : index
        %swap3A_1056 = tpu.vector_load %arg9[%swap3A_1053, %swap3A_1054, %swap3A_1055] {strides = array<i32>} : memref<2x128x64xf32, #tpu.memory_space<vmem>>, vector<1x1x16xf32>,
        %swap3A_1057 = vector.shape_cast %swap3A_1056 : vector<1x1x16xf32> to vector<16xf32>
        %swap3A_1058 = vector.shape_cast %get3A_1052 : vector<16xf32> to vector<1x1x16xf32>
        tpu.vector_store %arg9[%swap3A_1053, %swap3A_1054, %swap3A_1055], %swap3A_1058 {strides = array<i32>} : memref<2x128x64xf32, #tpu.memory_space<vmem>>, vector<1x1x16xf32>,
        %add3A_1059 = arith.constant 16 : i32
        %add3A_1060 = arith.addi %squeeze3A_1045, %add3A_1059 : i32
        %get3A_1061 = arith.index_cast %and3A_932 : i32 to index
        %get3A_1062 = arith.index_cast %add3A_1043 : i32 to index
        %get3A_1063 = arith.index_cast %add3A_1060 : i32 to index
        %get3A_1064 = tpu.vector_load %arg8[%get3A_1061, %get3A_1062, %get3A_1063] {strides = array<i32>} : memref<4x128x128xf32, #tpu.memory_space<vmem>>, vector<1x1x16xf32>,
        %get3A_1065 = vector.shape_cast %get3A_1064 : vector<1x1x16xf32> to vector<16xf32>
        %swap3A_1066 = arith.index_cast %and3A_934 : i32 to index
        %swap3A_1067 = arith.index_cast %add3A_1043 : i32 to index
        %swap3A_1068 = arith.constant 16 : index
        %swap3A_1069 = tpu.vector_load %arg9[%swap3A_1066, %swap3A_1067, %swap3A_1068] {strides = array<i32>} : memref<2x128x64xf32, #tpu.memory_space<vmem>>, vector<1x1x16xf32>,
        %swap3A_1070 = vector.shape_cast %swap3A_1069 : vector<1x1x16xf32> to vector<16xf32>
        %swap3A_1071 = vector.shape_cast %get3A_1065 : vector<16xf32> to vector<1x1x16xf32>
        tpu.vector_store %arg9[%swap3A_1066, %swap3A_1067, %swap3A_1068], %swap3A_1071 {strides = array<i32>} : memref<2x128x64xf32, #tpu.memory_space<vmem>>, vector<1x1x16xf32>,
        %add3A_1072 = arith.constant 32 : i32
        %add3A_1073 = arith.addi %squeeze3A_1045, %add3A_1072 : i32
        %get3A_1074 = arith.index_cast %and3A_932 : i32 to index
        %get3A_1075 = arith.index_cast %add3A_1043 : i32 to index
        %get3A_1076 = arith.index_cast %add3A_1073 : i32 to index
        %get3A_1077 = tpu.vector_load %arg8[%get3A_1074, %get3A_1075, %get3A_1076] {strides = array<i32>} : memref<4x128x128xf32, #tpu.memory_space<vmem>>, vector<1x1x16xf32>,
        %get3A_1078 = vector.shape_cast %get3A_1077 : vector<1x1x16xf32> to vector<16xf32>
        %swap3A_1079 = arith.index_cast %and3A_934 : i32 to index
        %swap3A_1080 = arith.index_cast %add3A_1043 : i32 to index
        %swap3A_1081 = arith.constant 32 : index
        %swap3A_1082 = tpu.vector_load %arg9[%swap3A_1079, %swap3A_1080, %swap3A_1081] {strides = array<i32>} : memref<2x128x64xf32, #tpu.memory_space<vmem>>, vector<1x1x16xf32>,
        %swap3A_1083 = vector.shape_cast %swap3A_1082 : vector<1x1x16xf32> to vector<16xf32>
        %swap3A_1084 = vector.shape_cast %get3A_1078 : vector<16xf32> to vector<1x1x16xf32>
        tpu.vector_store %arg9[%swap3A_1079, %swap3A_1080, %swap3A_1081], %swap3A_1084 {strides = array<i32>} : memref<2x128x64xf32, #tpu.memory_space<vmem>>, vector<1x1x16xf32>,
        %add3A_1085 = arith.constant 48 : i32
        %add3A_1086 = arith.addi %squeeze3A_1045, %add3A_1085 : i32
        %get3A_1087 = arith.index_cast %and3A_932 : i32 to index
        %get3A_1088 = arith.index_cast %add3A_1043 : i32 to index
        %get3A_1089 = arith.index_cast %add3A_1086 : i32 to index
        %get3A_1090 = tpu.vector_load %arg8[%get3A_1087, %get3A_1088, %get3A_1089] {strides = array<i32>} : memref<4x128x128xf32, #tpu.memory_space<vmem>>, vector<1x1x16xf32>,
        %get3A_1091 = vector.shape_cast %get3A_1090 : vector<1x1x16xf32> to vector<16xf32>
        %swap3A_1092 = arith.index_cast %and3A_934 : i32 to index
        %swap3A_1093 = arith.index_cast %add3A_1043 : i32 to index
        %swap3A_1094 = arith.constant 48 : index
        %swap3A_1095 = tpu.vector_load %arg9[%swap3A_1092, %swap3A_1093, %swap3A_1094] {strides = array<i32>} : memref<2x128x64xf32, #tpu.memory_space<vmem>>, vector<1x1x16xf32>,
        %swap3A_1096 = vector.shape_cast %swap3A_1095 : vector<1x1x16xf32> to vector<16xf32>
        %swap3A_1097 = vector.shape_cast %get3A_1091 : vector<16xf32> to vector<1x1x16xf32>
        tpu.vector_store %arg9[%swap3A_1092, %swap3A_1093, %swap3A_1094], %swap3A_1097 {strides = array<i32>} : memref<2x128x64xf32, #tpu.memory_space<vmem>>, vector<1x1x16xf32>,
        %mul3A_1098 = arith.constant 16 : i32
        %mul3A_1099 = arith.muli %add3A_977, %mul3A_1098 : i32
        %add3A_1100 = arith.constant 2 : i32
        %add3A_1101 = arith.addi %mul3A_1099, %add3A_1100 : i32
        %slice3A_1102 = vector.extract_strided_slice %get3A_983 {offsets = [2], sizes = [1], strides = [1]} : vector<16xi32> to vector<1xi32>
        %squeeze3A_1103 = vector.extract %slice3A_1102[0] : i32 from vector<1xi32>
        %add3A_1104 = arith.constant 0 : i32
        %add3A_1105 = arith.addi %squeeze3A_1103, %add3A_1104 : i32
        %get3A_1106 = arith.index_cast %and3A_932 : i32 to index
        %get3A_1107 = arith.index_cast %add3A_1101 : i32 to index
        %get3A_1108 = arith.index_cast %add3A_1105 : i32 to index
        %get3A_1109 = tpu.vector_load %arg8[%get3A_1106, %get3A_1107, %get3A_1108] {strides = array<i32>} : memref<4x128x128xf32, #tpu.memory_space<vmem>>, vector<1x1x16xf32>,
        %get3A_1110 = vector.shape_cast %get3A_1109 : vector<1x1x16xf32> to vector<16xf32>
        %swap3A_1111 = arith.index_cast %and3A_934 : i32 to index
        %swap3A_1112 = arith.index_cast %add3A_1101 : i32 to index
        %swap3A_1113 = arith.constant 0 : index
        %swap3A_1114 = tpu.vector_load %arg9[%swap3A_1111, %swap3A_1112, %swap3A_1113] {strides = array<i32>} : memref<2x128x64xf32, #tpu.memory_space<vmem>>, vector<1x1x16xf32>,
        %swap3A_1115 = vector.shape_cast %swap3A_1114 : vector<1x1x16xf32> to vector<16xf32>
        %swap3A_1116 = vector.shape_cast %get3A_1110 : vector<16xf32> to vector<1x1x16xf32>
        tpu.vector_store %arg9[%swap3A_1111, %swap3A_1112, %swap3A_1113], %swap3A_1116 {strides = array<i32>} : memref<2x128x64xf32, #tpu.memory_space<vmem>>, vector<1x1x16xf32>,
        %add3A_1117 = arith.constant 16 : i32
        %add3A_1118 = arith.addi %squeeze3A_1103, %add3A_1117 : i32
        %get3A_1119 = arith.index_cast %and3A_932 : i32 to index
        %get3A_1120 = arith.index_cast %add3A_1101 : i32 to index
        %get3A_1121 = arith.index_cast %add3A_1118 : i32 to index
        %get3A_1122 = tpu.vector_load %arg8[%get3A_1119, %get3A_1120, %get3A_1121] {strides = array<i32>} : memref<4x128x128xf32, #tpu.memory_space<vmem>>, vector<1x1x16xf32>,
        %get3A_1123 = vector.shape_cast %get3A_1122 : vector<1x1x16xf32> to vector<16xf32>
        %swap3A_1124 = arith.index_cast %and3A_934 : i32 to index
        %swap3A_1125 = arith.index_cast %add3A_1101 : i32 to index
        %swap3A_1126 = arith.constant 16 : index
        %swap3A_1127 = tpu.vector_load %arg9[%swap3A_1124, %swap3A_1125, %swap3A_1126] {strides = array<i32>} : memref<2x128x64xf32, #tpu.memory_space<vmem>>, vector<1x1x16xf32>,
        %swap3A_1128 = vector.shape_cast %swap3A_1127 : vector<1x1x16xf32> to vector<16xf32>
        %swap3A_1129 = vector.shape_cast %get3A_1123 : vector<16xf32> to vector<1x1x16xf32>
        tpu.vector_store %arg9[%swap3A_1124, %swap3A_1125, %swap3A_1126], %swap3A_1129 {strides = array<i32>} : memref<2x128x64xf32, #tpu.memory_space<vmem>>, vector<1x1x16xf32>,
        %add3A_1130 = arith.constant 32 : i32
        %add3A_1131 = arith.addi %squeeze3A_1103, %add3A_1130 : i32
        %get3A_1132 = arith.index_cast %and3A_932 : i32 to index
        %get3A_1133 = arith.index_cast %add3A_1101 : i32 to index
        %get3A_1134 = arith.index_cast %add3A_1131 : i32 to index
        %get3A_1135 = tpu.vector_load %arg8[%get3A_1132, %get3A_1133, %get3A_1134] {strides = array<i32>} : memref<4x128x128xf32, #tpu.memory_space<vmem>>, vector<1x1x16xf32>,
        %get3A_1136 = vector.shape_cast %get3A_1135 : vector<1x1x16xf32> to vector<16xf32>
        %swap3A_1137 = arith.index_cast %and3A_934 : i32 to index
        %swap3A_1138 = arith.index_cast %add3A_1101 : i32 to index
        %swap3A_1139 = arith.constant 32 : index
        %swap3A_1140 = tpu.vector_load %arg9[%swap3A_1137, %swap3A_1138, %swap3A_1139] {strides = array<i32>} : memref<2x128x64xf32, #tpu.memory_space<vmem>>, vector<1x1x16xf32>,
        %swap3A_1141 = vector.shape_cast %swap3A_1140 : vector<1x1x16xf32> to vector<16xf32>
        %swap3A_1142 = vector.shape_cast %get3A_1136 : vector<16xf32> to vector<1x1x16xf32>
        tpu.vector_store %arg9[%swap3A_1137, %swap3A_1138, %swap3A_1139], %swap3A_1142 {strides = array<i32>} : memref<2x128x64xf32, #tpu.memory_space<vmem>>, vector<1x1x16xf32>,
        %add3A_1143 = arith.constant 48 : i32
        %add3A_1144 = arith.addi %squeeze3A_1103, %add3A_1143 : i32
        %get3A_1145 = arith.index_cast %and3A_932 : i32 to index
        %get3A_1146 = arith.index_cast %add3A_1101 : i32 to index
        %get3A_1147 = arith.index_cast %add3A_1144 : i32 to index
        %get3A_1148 = tpu.vector_load %arg8[%get3A_1145, %get3A_1146, %get3A_1147] {strides = array<i32>} : memref<4x128x128xf32, #tpu.memory_space<vmem>>, vector<1x1x16xf32>,
        %get3A_1149 = vector.shape_cast %get3A_1148 : vector<1x1x16xf32> to vector<16xf32>
        %swap3A_1150 = arith.index_cast %and3A_934 : i32 to index
        %swap3A_1151 = arith.index_cast %add3A_1101 : i32 to index
        %swap3A_1152 = arith.constant 48 : index
        %swap3A_1153 = tpu.vector_load %arg9[%swap3A_1150, %swap3A_1151, %swap3A_1152] {strides = array<i32>} : memref<2x128x64xf32, #tpu.memory_space<vmem>>, vector<1x1x16xf32>,
        %swap3A_1154 = vector.shape_cast %swap3A_1153 : vector<1x1x16xf32> to vector<16xf32>
        %swap3A_1155 = vector.shape_cast %get3A_1149 : vector<16xf32> to vector<1x1x16xf32>
        tpu.vector_store %arg9[%swap3A_1150, %swap3A_1151, %swap3A_1152], %swap3A_1155 {strides = array<i32>} : memref<2x128x64xf32, #tpu.memory_space<vmem>>, vector<1x1x16xf32>,
        %mul3A_1156 = arith.constant 16 : i32
        %mul3A_1157 = arith.muli %add3A_977, %mul3A_1156 : i32
        %add3A_1158 = arith.constant 3 : i32
        %add3A_1159 = arith.addi %mul3A_1157, %add3A_1158 : i32
        %slice3A_1160 = vector.extract_strided_slice %get3A_983 {offsets = [3], sizes = [1], strides = [1]} : vector<16xi32> to vector<1xi32>
        %squeeze3A_1161 = vector.extract %slice3A_1160[0] : i32 from vector<1xi32>
        %add3A_1162 = arith.constant 0 : i32
        %add3A_1163 = arith.addi %squeeze3A_1161, %add3A_1162 : i32
        %get3A_1164 = arith.index_cast %and3A_932 : i32 to index
        %get3A_1165 = arith.index_cast %add3A_1159 : i32 to index
        %get3A_1166 = arith.index_cast %add3A_1163 : i32 to index
        %get3A_1167 = tpu.vector_load %arg8[%get3A_1164, %get3A_1165, %get3A_1166] {strides = array<i32>} : memref<4x128x128xf32, #tpu.memory_space<vmem>>, vector<1x1x16xf32>,
        %get3A_1168 = vector.shape_cast %get3A_1167 : vector<1x1x16xf32> to vector<16xf32>
        %swap3A_1169 = arith.index_cast %and3A_934 : i32 to index
        %swap3A_1170 = arith.index_cast %add3A_1159 : i32 to index
        %swap3A_1171 = arith.constant 0 : index
        %swap3A_1172 = tpu.vector_load %arg9[%swap3A_1169, %swap3A_1170, %swap3A_1171] {strides = array<i32>} : memref<2x128x64xf32, #tpu.memory_space<vmem>>, vector<1x1x16xf32>,
        %swap3A_1173 = vector.shape_cast %swap3A_1172 : vector<1x1x16xf32> to vector<16xf32>
        %swap3A_1174 = vector.shape_cast %get3A_1168 : vector<16xf32> to vector<1x1x16xf32>
        tpu.vector_store %arg9[%swap3A_1169, %swap3A_1170, %swap3A_1171], %swap3A_1174 {strides = array<i32>} : memref<2x128x64xf32, #tpu.memory_space<vmem>>, vector<1x1x16xf32>,
        %add3A_1175 = arith.constant 16 : i32
        %add3A_1176 = arith.addi %squeeze3A_1161, %add3A_1175 : i32
        %get3A_1177 = arith.index_cast %and3A_932 : i32 to index
        %get3A_1178 = arith.index_cast %add3A_1159 : i32 to index
        %get3A_1179 = arith.index_cast %add3A_1176 : i32 to index
        %get3A_1180 = tpu.vector_load %arg8[%get3A_1177, %get3A_1178, %get3A_1179] {strides = array<i32>} : memref<4x128x128xf32, #tpu.memory_space<vmem>>, vector<1x1x16xf32>,
        %get3A_1181 = vector.shape_cast %get3A_1180 : vector<1x1x16xf32> to vector<16xf32>
        %swap3A_1182 = arith.index_cast %and3A_934 : i32 to index
        %swap3A_1183 = arith.index_cast %add3A_1159 : i32 to index
        %swap3A_1184 = arith.constant 16 : index
        %swap3A_1185 = tpu.vector_load %arg9[%swap3A_1182, %swap3A_1183, %swap3A_1184] {strides = array<i32>} : memref<2x128x64xf32, #tpu.memory_space<vmem>>, vector<1x1x16xf32>,
        %swap3A_1186 = vector.shape_cast %swap3A_1185 : vector<1x1x16xf32> to vector<16xf32>
        %swap3A_1187 = vector.shape_cast %get3A_1181 : vector<16xf32> to vector<1x1x16xf32>
        tpu.vector_store %arg9[%swap3A_1182, %swap3A_1183, %swap3A_1184], %swap3A_1187 {strides = array<i32>} : memref<2x128x64xf32, #tpu.memory_space<vmem>>, vector<1x1x16xf32>,
        %add3A_1188 = arith.constant 32 : i32
        %add3A_1189 = arith.addi %squeeze3A_1161, %add3A_1188 : i32
        %get3A_1190 = arith.index_cast %and3A_932 : i32 to index
        %get3A_1191 = arith.index_cast %add3A_1159 : i32 to index
        %get3A_1192 = arith.index_cast %add3A_1189 : i32 to index
        %get3A_1193 = tpu.vector_load %arg8[%get3A_1190, %get3A_1191, %get3A_1192] {strides = array<i32>} : memref<4x128x128xf32, #tpu.memory_space<vmem>>, vector<1x1x16xf32>,
        %get3A_1194 = vector.shape_cast %get3A_1193 : vector<1x1x16xf32> to vector<16xf32>
        %swap3A_1195 = arith.index_cast %and3A_934 : i32 to index
        %swap3A_1196 = arith.index_cast %add3A_1159 : i32 to index
        %swap3A_1197 = arith.constant 32 : index
        %swap3A_1198 = tpu.vector_load %arg9[%swap3A_1195, %swap3A_1196, %swap3A_1197] {strides = array<i32>} : memref<2x128x64xf32, #tpu.memory_space<vmem>>, vector<1x1x16xf32>,
        %swap3A_1199 = vector.shape_cast %swap3A_1198 : vector<1x1x16xf32> to vector<16xf32>
        %swap3A_1200 = vector.shape_cast %get3A_1194 : vector<16xf32> to vector<1x1x16xf32>
        tpu.vector_store %arg9[%swap3A_1195, %swap3A_1196, %swap3A_1197], %swap3A_1200 {strides = array<i32>} : memref<2x128x64xf32, #tpu.memory_space<vmem>>, vector<1x1x16xf32>,
        %add3A_1201 = arith.constant 48 : i32
        %add3A_1202 = arith.addi %squeeze3A_1161, %add3A_1201 : i32
        %get3A_1203 = arith.index_cast %and3A_932 : i32 to index
        %get3A_1204 = arith.index_cast %add3A_1159 : i32 to index
        %get3A_1205 = arith.index_cast %add3A_1202 : i32 to index
        %get3A_1206 = tpu.vector_load %arg8[%get3A_1203, %get3A_1204, %get3A_1205] {strides = array<i32>} : memref<4x128x128xf32, #tpu.memory_space<vmem>>, vector<1x1x16xf32>,
        %get3A_1207 = vector.shape_cast %get3A_1206 : vector<1x1x16xf32> to vector<16xf32>
        %swap3A_1208 = arith.index_cast %and3A_934 : i32 to index
        %swap3A_1209 = arith.index_cast %add3A_1159 : i32 to index
        %swap3A_1210 = arith.constant 48 : index
        %swap3A_1211 = tpu.vector_load %arg9[%swap3A_1208, %swap3A_1209, %swap3A_1210] {strides = array<i32>} : memref<2x128x64xf32, #tpu.memory_space<vmem>>, vector<1x1x16xf32>,
        %swap3A_1212 = vector.shape_cast %swap3A_1211 : vector<1x1x16xf32> to vector<16xf32>
        %swap3A_1213 = vector.shape_cast %get3A_1207 : vector<16xf32> to vector<1x1x16xf32>
        tpu.vector_store %arg9[%swap3A_1208, %swap3A_1209, %swap3A_1210], %swap3A_1213 {strides = array<i32>} : memref<2x128x64xf32, #tpu.memory_space<vmem>>, vector<1x1x16xf32>,
        %mul3A_1214 = arith.constant 16 : i32
        %mul3A_1215 = arith.muli %add3A_977, %mul3A_1214 : i32
        %add3A_1216 = arith.constant 4 : i32
        %add3A_1217 = arith.addi %mul3A_1215, %add3A_1216 : i32
        %slice3A_1218 = vector.extract_strided_slice %get3A_983 {offsets = [4], sizes = [1], strides = [1]} : vector<16xi32> to vector<1xi32>
        %squeeze3A_1219 = vector.extract %slice3A_1218[0] : i32 from vector<1xi32>
        %add3A_1220 = arith.constant 0 : i32
        %add3A_1221 = arith.addi %squeeze3A_1219, %add3A_1220 : i32
        %get3A_1222 = arith.index_cast %and3A_932 : i32 to index
        %get3A_1223 = arith.index_cast %add3A_1217 : i32 to index
        %get3A_1224 = arith.index_cast %add3A_1221 : i32 to index
        %get3A_1225 = tpu.vector_load %arg8[%get3A_1222, %get3A_1223, %get3A_1224] {strides = array<i32>} : memref<4x128x128xf32, #tpu.memory_space<vmem>>, vector<1x1x16xf32>,
        %get3A_1226 = vector.shape_cast %get3A_1225 : vector<1x1x16xf32> to vector<16xf32>
        %swap3A_1227 = arith.index_cast %and3A_934 : i32 to index
        %swap3A_1228 = arith.index_cast %add3A_1217 : i32 to index
        %swap3A_1229 = arith.constant 0 : index
        %swap3A_1230 = tpu.vector_load %arg9[%swap3A_1227, %swap3A_1228, %swap3A_1229] {strides = array<i32>} : memref<2x128x64xf32, #tpu.memory_space<vmem>>, vector<1x1x16xf32>,
        %swap3A_1231 = vector.shape_cast %swap3A_1230 : vector<1x1x16xf32> to vector<16xf32>
        %swap3A_1232 = vector.shape_cast %get3A_1226 : vector<16xf32> to vector<1x1x16xf32>
        tpu.vector_store %arg9[%swap3A_1227, %swap3A_1228, %swap3A_1229], %swap3A_1232 {strides = array<i32>} : memref<2x128x64xf32, #tpu.memory_space<vmem>>, vector<1x1x16xf32>,
        %add3A_1233 = arith.constant 16 : i32
        %add3A_1234 = arith.addi %squeeze3A_1219, %add3A_1233 : i32
        %get3A_1235 = arith.index_cast %and3A_932 : i32 to index
        %get3A_1236 = arith.index_cast %add3A_1217 : i32 to index
        %get3A_1237 = arith.index_cast %add3A_1234 : i32 to index
        %get3A_1238 = tpu.vector_load %arg8[%get3A_1235, %get3A_1236, %get3A_1237] {strides = array<i32>} : memref<4x128x128xf32, #tpu.memory_space<vmem>>, vector<1x1x16xf32>,
        %get3A_1239 = vector.shape_cast %get3A_1238 : vector<1x1x16xf32> to vector<16xf32>
        %swap3A_1240 = arith.index_cast %and3A_934 : i32 to index
        %swap3A_1241 = arith.index_cast %add3A_1217 : i32 to index
        %swap3A_1242 = arith.constant 16 : index
        %swap3A_1243 = tpu.vector_load %arg9[%swap3A_1240, %swap3A_1241, %swap3A_1242] {strides = array<i32>} : memref<2x128x64xf32, #tpu.memory_space<vmem>>, vector<1x1x16xf32>,
        %swap3A_1244 = vector.shape_cast %swap3A_1243 : vector<1x1x16xf32> to vector<16xf32>
        %swap3A_1245 = vector.shape_cast %get3A_1239 : vector<16xf32> to vector<1x1x16xf32>
        tpu.vector_store %arg9[%swap3A_1240, %swap3A_1241, %swap3A_1242], %swap3A_1245 {strides = array<i32>} : memref<2x128x64xf32, #tpu.memory_space<vmem>>, vector<1x1x16xf32>,
        %add3A_1246 = arith.constant 32 : i32
        %add3A_1247 = arith.addi %squeeze3A_1219, %add3A_1246 : i32
        %get3A_1248 = arith.index_cast %and3A_932 : i32 to index
        %get3A_1249 = arith.index_cast %add3A_1217 : i32 to index
        %get3A_1250 = arith.index_cast %add3A_1247 : i32 to index
        %get3A_1251 = tpu.vector_load %arg8[%get3A_1248, %get3A_1249, %get3A_1250] {strides = array<i32>} : memref<4x128x128xf32, #tpu.memory_space<vmem>>, vector<1x1x16xf32>,
        %get3A_1252 = vector.shape_cast %get3A_1251 : vector<1x1x16xf32> to vector<16xf32>
        %swap3A_1253 = arith.index_cast %and3A_934 : i32 to index
        %swap3A_1254 = arith.index_cast %add3A_1217 : i32 to index
        %swap3A_1255 = arith.constant 32 : index
        %swap3A_1256 = tpu.vector_load %arg9[%swap3A_1253, %swap3A_1254, %swap3A_1255] {strides = array<i32>} : memref<2x128x64xf32, #tpu.memory_space<vmem>>, vector<1x1x16xf32>,
        %swap3A_1257 = vector.shape_cast %swap3A_1256 : vector<1x1x16xf32> to vector<16xf32>
        %swap3A_1258 = vector.shape_cast %get3A_1252 : vector<16xf32> to vector<1x1x16xf32>
        tpu.vector_store %arg9[%swap3A_1253, %swap3A_1254, %swap3A_1255], %swap3A_1258 {strides = array<i32>} : memref<2x128x64xf32, #tpu.memory_space<vmem>>, vector<1x1x16xf32>,
        %add3A_1259 = arith.constant 48 : i32
        %add3A_1260 = arith.addi %squeeze3A_1219, %add3A_1259 : i32
        %get3A_1261 = arith.index_cast %and3A_932 : i32 to index
        %get3A_1262 = arith.index_cast %add3A_1217 : i32 to index
        %get3A_1263 = arith.index_cast %add3A_1260 : i32 to index
        %get3A_1264 = tpu.vector_load %arg8[%get3A_1261, %get3A_1262, %get3A_1263] {strides = array<i32>} : memref<4x128x128xf32, #tpu.memory_space<vmem>>, vector<1x1x16xf32>,
        %get3A_1265 = vector.shape_cast %get3A_1264 : vector<1x1x16xf32> to vector<16xf32>
        %swap3A_1266 = arith.index_cast %and3A_934 : i32 to index
        %swap3A_1267 = arith.index_cast %add3A_1217 : i32 to index
        %swap3A_1268 = arith.constant 48 : index
        %swap3A_1269 = tpu.vector_load %arg9[%swap3A_1266, %swap3A_1267, %swap3A_1268] {strides = array<i32>} : memref<2x128x64xf32, #tpu.memory_space<vmem>>, vector<1x1x16xf32>,
        %swap3A_1270 = vector.shape_cast %swap3A_1269 : vector<1x1x16xf32> to vector<16xf32>
        %swap3A_1271 = vector.shape_cast %get3A_1265 : vector<16xf32> to vector<1x1x16xf32>
        tpu.vector_store %arg9[%swap3A_1266, %swap3A_1267, %swap3A_1268], %swap3A_1271 {strides = array<i32>} : memref<2x128x64xf32, #tpu.memory_space<vmem>>, vector<1x1x16xf32>,
        %mul3A_1272 = arith.constant 16 : i32
        %mul3A_1273 = arith.muli %add3A_977, %mul3A_1272 : i32
        %add3A_1274 = arith.constant 5 : i32
        %add3A_1275 = arith.addi %mul3A_1273, %add3A_1274 : i32
        %slice3A_1276 = vector.extract_strided_slice %get3A_983 {offsets = [5], sizes = [1], strides = [1]} : vector<16xi32> to vector<1xi32>
        %squeeze3A_1277 = vector.extract %slice3A_1276[0] : i32 from vector<1xi32>
        %add3A_1278 = arith.constant 0 : i32
        %add3A_1279 = arith.addi %squeeze3A_1277, %add3A_1278 : i32
        %get3A_1280 = arith.index_cast %and3A_932 : i32 to index
        %get3A_1281 = arith.index_cast %add3A_1275 : i32 to index
        %get3A_1282 = arith.index_cast %add3A_1279 : i32 to index
        %get3A_1283 = tpu.vector_load %arg8[%get3A_1280, %get3A_1281, %get3A_1282] {strides = array<i32>} : memref<4x128x128xf32, #tpu.memory_space<vmem>>, vector<1x1x16xf32>,
        %get3A_1284 = vector.shape_cast %get3A_1283 : vector<1x1x16xf32> to vector<16xf32>
        %swap3A_1285 = arith.index_cast %and3A_934 : i32 to index
        %swap3A_1286 = arith.index_cast %add3A_1275 : i32 to index
        %swap3A_1287 = arith.constant 0 : index
        %swap3A_1288 = tpu.vector_load %arg9[%swap3A_1285, %swap3A_1286, %swap3A_1287] {strides = array<i32>} : memref<2x128x64xf32, #tpu.memory_space<vmem>>, vector<1x1x16xf32>,
        %swap3A_1289 = vector.shape_cast %swap3A_1288 : vector<1x1x16xf32> to vector<16xf32>
        %swap3A_1290 = vector.shape_cast %get3A_1284 : vector<16xf32> to vector<1x1x16xf32>
        tpu.vector_store %arg9[%swap3A_1285, %swap3A_1286, %swap3A_1287], %swap3A_1290 {strides = array<i32>} : memref<2x128x64xf32, #tpu.memory_space<vmem>>, vector<1x1x16xf32>,
        %add3A_1291 = arith.constant 16 : i32
        %add3A_1292 = arith.addi %squeeze3A_1277, %add3A_1291 : i32
        %get3A_1293 = arith.index_cast %and3A_932 : i32 to index
        %get3A_1294 = arith.index_cast %add3A_1275 : i32 to index
        %get3A_1295 = arith.index_cast %add3A_1292 : i32 to index
        %get3A_1296 = tpu.vector_load %arg8[%get3A_1293, %get3A_1294, %get3A_1295] {strides = array<i32>} : memref<4x128x128xf32, #tpu.memory_space<vmem>>, vector<1x1x16xf32>,
        %get3A_1297 = vector.shape_cast %get3A_1296 : vector<1x1x16xf32> to vector<16xf32>
        %swap3A_1298 = arith.index_cast %and3A_934 : i32 to index
        %swap3A_1299 = arith.index_cast %add3A_1275 : i32 to index
        %swap3A_1300 = arith.constant 16 : index
        %swap3A_1301 = tpu.vector_load %arg9[%swap3A_1298, %swap3A_1299, %swap3A_1300] {strides = array<i32>} : memref<2x128x64xf32, #tpu.memory_space<vmem>>, vector<1x1x16xf32>,
        %swap3A_1302 = vector.shape_cast %swap3A_1301 : vector<1x1x16xf32> to vector<16xf32>
        %swap3A_1303 = vector.shape_cast %get3A_1297 : vector<16xf32> to vector<1x1x16xf32>
        tpu.vector_store %arg9[%swap3A_1298, %swap3A_1299, %swap3A_1300], %swap3A_1303 {strides = array<i32>} : memref<2x128x64xf32, #tpu.memory_space<vmem>>, vector<1x1x16xf32>,
        %add3A_1304 = arith.constant 32 : i32
        %add3A_1305 = arith.addi %squeeze3A_1277, %add3A_1304 : i32
        %get3A_1306 = arith.index_cast %and3A_932 : i32 to index
        %get3A_1307 = arith.index_cast %add3A_1275 : i32 to index
        %get3A_1308 = arith.index_cast %add3A_1305 : i32 to index
        %get3A_1309 = tpu.vector_load %arg8[%get3A_1306, %get3A_1307, %get3A_1308] {strides = array<i32>} : memref<4x128x128xf32, #tpu.memory_space<vmem>>, vector<1x1x16xf32>,
        %get3A_1310 = vector.shape_cast %get3A_1309 : vector<1x1x16xf32> to vector<16xf32>
        %swap3A_1311 = arith.index_cast %and3A_934 : i32 to index
        %swap3A_1312 = arith.index_cast %add3A_1275 : i32 to index
        %swap3A_1313 = arith.constant 32 : index
        %swap3A_1314 = tpu.vector_load %arg9[%swap3A_1311, %swap3A_1312, %swap3A_1313] {strides = array<i32>} : memref<2x128x64xf32, #tpu.memory_space<vmem>>, vector<1x1x16xf32>,
        %swap3A_1315 = vector.shape_cast %swap3A_1314 : vector<1x1x16xf32> to vector<16xf32>
        %swap3A_1316 = vector.shape_cast %get3A_1310 : vector<16xf32> to vector<1x1x16xf32>
        tpu.vector_store %arg9[%swap3A_1311, %swap3A_1312, %swap3A_1313], %swap3A_1316 {strides = array<i32>} : memref<2x128x64xf32, #tpu.memory_space<vmem>>, vector<1x1x16xf32>,
        %add3A_1317 = arith.constant 48 : i32
        %add3A_1318 = arith.addi %squeeze3A_1277, %add3A_1317 : i32
        %get3A_1319 = arith.index_cast %and3A_932 : i32 to index
        %get3A_1320 = arith.index_cast %add3A_1275 : i32 to index
        %get3A_1321 = arith.index_cast %add3A_1318 : i32 to index
        %get3A_1322 = tpu.vector_load %arg8[%get3A_1319, %get3A_1320, %get3A_1321] {strides = array<i32>} : memref<4x128x128xf32, #tpu.memory_space<vmem>>, vector<1x1x16xf32>,
        %get3A_1323 = vector.shape_cast %get3A_1322 : vector<1x1x16xf32> to vector<16xf32>
        %swap3A_1324 = arith.index_cast %and3A_934 : i32 to index
        %swap3A_1325 = arith.index_cast %add3A_1275 : i32 to index
        %swap3A_1326 = arith.constant 48 : index
        %swap3A_1327 = tpu.vector_load %arg9[%swap3A_1324, %swap3A_1325, %swap3A_1326] {strides = array<i32>} : memref<2x128x64xf32, #tpu.memory_space<vmem>>, vector<1x1x16xf32>,
        %swap3A_1328 = vector.shape_cast %swap3A_1327 : vector<1x1x16xf32> to vector<16xf32>
        %swap3A_1329 = vector.shape_cast %get3A_1323 : vector<16xf32> to vector<1x1x16xf32>
        tpu.vector_store %arg9[%swap3A_1324, %swap3A_1325, %swap3A_1326], %swap3A_1329 {strides = array<i32>} : memref<2x128x64xf32, #tpu.memory_space<vmem>>, vector<1x1x16xf32>,
        %mul3A_1330 = arith.constant 16 : i32
        %mul3A_1331 = arith.muli %add3A_977, %mul3A_1330 : i32
        %add3A_1332 = arith.constant 6 : i32
        %add3A_1333 = arith.addi %mul3A_1331, %add3A_1332 : i32
        %slice3A_1334 = vector.extract_strided_slice %get3A_983 {offsets = [6], sizes = [1], strides = [1]} : vector<16xi32> to vector<1xi32>
        %squeeze3A_1335 = vector.extract %slice3A_1334[0] : i32 from vector<1xi32>
        %add3A_1336 = arith.constant 0 : i32
        %add3A_1337 = arith.addi %squeeze3A_1335, %add3A_1336 : i32
        %get3A_1338 = arith.index_cast %and3A_932 : i32 to index
        %get3A_1339 = arith.index_cast %add3A_1333 : i32 to index
        %get3A_1340 = arith.index_cast %add3A_1337 : i32 to index
        %get3A_1341 = tpu.vector_load %arg8[%get3A_1338, %get3A_1339, %get3A_1340] {strides = array<i32>} : memref<4x128x128xf32, #tpu.memory_space<vmem>>, vector<1x1x16xf32>,
        %get3A_1342 = vector.shape_cast %get3A_1341 : vector<1x1x16xf32> to vector<16xf32>
        %swap3A_1343 = arith.index_cast %and3A_934 : i32 to index
        %swap3A_1344 = arith.index_cast %add3A_1333 : i32 to index
        %swap3A_1345 = arith.constant 0 : index
        %swap3A_1346 = tpu.vector_load %arg9[%swap3A_1343, %swap3A_1344, %swap3A_1345] {strides = array<i32>} : memref<2x128x64xf32, #tpu.memory_space<vmem>>, vector<1x1x16xf32>,
        %swap3A_1347 = vector.shape_cast %swap3A_1346 : vector<1x1x16xf32> to vector<16xf32>
        %swap3A_1348 = vector.shape_cast %get3A_1342 : vector<16xf32> to vector<1x1x16xf32>
        tpu.vector_store %arg9[%swap3A_1343, %swap3A_1344, %swap3A_1345], %swap3A_1348 {strides = array<i32>} : memref<2x128x64xf32, #tpu.memory_space<vmem>>, vector<1x1x16xf32>,
        %add3A_1349 = arith.constant 16 : i32
        %add3A_1350 = arith.addi %squeeze3A_1335, %add3A_1349 : i32
        %get3A_1351 = arith.index_cast %and3A_932 : i32 to index
        %get3A_1352 = arith.index_cast %add3A_1333 : i32 to index
        %get3A_1353 = arith.index_cast %add3A_1350 : i32 to index
        %get3A_1354 = tpu.vector_load %arg8[%get3A_1351, %get3A_1352, %get3A_1353] {strides = array<i32>} : memref<4x128x128xf32, #tpu.memory_space<vmem>>, vector<1x1x16xf32>,
        %get3A_1355 = vector.shape_cast %get3A_1354 : vector<1x1x16xf32> to vector<16xf32>
        %swap3A_1356 = arith.index_cast %and3A_934 : i32 to index
        %swap3A_1357 = arith.index_cast %add3A_1333 : i32 to index
        %swap3A_1358 = arith.constant 16 : index
        %swap3A_1359 = tpu.vector_load %arg9[%swap3A_1356, %swap3A_1357, %swap3A_1358] {strides = array<i32>} : memref<2x128x64xf32, #tpu.memory_space<vmem>>, vector<1x1x16xf32>,
        %swap3A_1360 = vector.shape_cast %swap3A_1359 : vector<1x1x16xf32> to vector<16xf32>
        %swap3A_1361 = vector.shape_cast %get3A_1355 : vector<16xf32> to vector<1x1x16xf32>
        tpu.vector_store %arg9[%swap3A_1356, %swap3A_1357, %swap3A_1358], %swap3A_1361 {strides = array<i32>} : memref<2x128x64xf32, #tpu.memory_space<vmem>>, vector<1x1x16xf32>,
        %add3A_1362 = arith.constant 32 : i32
        %add3A_1363 = arith.addi %squeeze3A_1335, %add3A_1362 : i32
        %get3A_1364 = arith.index_cast %and3A_932 : i32 to index
        %get3A_1365 = arith.index_cast %add3A_1333 : i32 to index
        %get3A_1366 = arith.index_cast %add3A_1363 : i32 to index
        %get3A_1367 = tpu.vector_load %arg8[%get3A_1364, %get3A_1365, %get3A_1366] {strides = array<i32>} : memref<4x128x128xf32, #tpu.memory_space<vmem>>, vector<1x1x16xf32>,
        %get3A_1368 = vector.shape_cast %get3A_1367 : vector<1x1x16xf32> to vector<16xf32>
        %swap3A_1369 = arith.index_cast %and3A_934 : i32 to index
        %swap3A_1370 = arith.index_cast %add3A_1333 : i32 to index
        %swap3A_1371 = arith.constant 32 : index
        %swap3A_1372 = tpu.vector_load %arg9[%swap3A_1369, %swap3A_1370, %swap3A_1371] {strides = array<i32>} : memref<2x128x64xf32, #tpu.memory_space<vmem>>, vector<1x1x16xf32>,
        %swap3A_1373 = vector.shape_cast %swap3A_1372 : vector<1x1x16xf32> to vector<16xf32>
        %swap3A_1374 = vector.shape_cast %get3A_1368 : vector<16xf32> to vector<1x1x16xf32>
        tpu.vector_store %arg9[%swap3A_1369, %swap3A_1370, %swap3A_1371], %swap3A_1374 {strides = array<i32>} : memref<2x128x64xf32, #tpu.memory_space<vmem>>, vector<1x1x16xf32>,
        %add3A_1375 = arith.constant 48 : i32
        %add3A_1376 = arith.addi %squeeze3A_1335, %add3A_1375 : i32
        %get3A_1377 = arith.index_cast %and3A_932 : i32 to index
        %get3A_1378 = arith.index_cast %add3A_1333 : i32 to index
        %get3A_1379 = arith.index_cast %add3A_1376 : i32 to index
        %get3A_1380 = tpu.vector_load %arg8[%get3A_1377, %get3A_1378, %get3A_1379] {strides = array<i32>} : memref<4x128x128xf32, #tpu.memory_space<vmem>>, vector<1x1x16xf32>,
        %get3A_1381 = vector.shape_cast %get3A_1380 : vector<1x1x16xf32> to vector<16xf32>
        %swap3A_1382 = arith.index_cast %and3A_934 : i32 to index
        %swap3A_1383 = arith.index_cast %add3A_1333 : i32 to index
        %swap3A_1384 = arith.constant 48 : index
        %swap3A_1385 = tpu.vector_load %arg9[%swap3A_1382, %swap3A_1383, %swap3A_1384] {strides = array<i32>} : memref<2x128x64xf32, #tpu.memory_space<vmem>>, vector<1x1x16xf32>,
        %swap3A_1386 = vector.shape_cast %swap3A_1385 : vector<1x1x16xf32> to vector<16xf32>
        %swap3A_1387 = vector.shape_cast %get3A_1381 : vector<16xf32> to vector<1x1x16xf32>
        tpu.vector_store %arg9[%swap3A_1382, %swap3A_1383, %swap3A_1384], %swap3A_1387 {strides = array<i32>} : memref<2x128x64xf32, #tpu.memory_space<vmem>>, vector<1x1x16xf32>,
        %mul3A_1388 = arith.constant 16 : i32
        %mul3A_1389 = arith.muli %add3A_977, %mul3A_1388 : i32
        %add3A_1390 = arith.constant 7 : i32
        %add3A_1391 = arith.addi %mul3A_1389, %add3A_1390 : i32
        %slice3A_1392 = vector.extract_strided_slice %get3A_983 {offsets = [7], sizes = [1], strides = [1]} : vector<16xi32> to vector<1xi32>
        %squeeze3A_1393 = vector.extract %slice3A_1392[0] : i32 from vector<1xi32>
        %add3A_1394 = arith.constant 0 : i32
        %add3A_1395 = arith.addi %squeeze3A_1393, %add3A_1394 : i32
        %get3A_1396 = arith.index_cast %and3A_932 : i32 to index
        %get3A_1397 = arith.index_cast %add3A_1391 : i32 to index
        %get3A_1398 = arith.index_cast %add3A_1395 : i32 to index
        %get3A_1399 = tpu.vector_load %arg8[%get3A_1396, %get3A_1397, %get3A_1398] {strides = array<i32>} : memref<4x128x128xf32, #tpu.memory_space<vmem>>, vector<1x1x16xf32>,
        %get3A_1400 = vector.shape_cast %get3A_1399 : vector<1x1x16xf32> to vector<16xf32>
        %swap3A_1401 = arith.index_cast %and3A_934 : i32 to index
        %swap3A_1402 = arith.index_cast %add3A_1391 : i32 to index
        %swap3A_1403 = arith.constant 0 : index
        %swap3A_1404 = tpu.vector_load %arg9[%swap3A_1401, %swap3A_1402, %swap3A_1403] {strides = array<i32>} : memref<2x128x64xf32, #tpu.memory_space<vmem>>, vector<1x1x16xf32>,
        %swap3A_1405 = vector.shape_cast %swap3A_1404 : vector<1x1x16xf32> to vector<16xf32>
        %swap3A_1406 = vector.shape_cast %get3A_1400 : vector<16xf32> to vector<1x1x16xf32>
        tpu.vector_store %arg9[%swap3A_1401, %swap3A_1402, %swap3A_1403], %swap3A_1406 {strides = array<i32>} : memref<2x128x64xf32, #tpu.memory_space<vmem>>, vector<1x1x16xf32>,
        %add3A_1407 = arith.constant 16 : i32
        %add3A_1408 = arith.addi %squeeze3A_1393, %add3A_1407 : i32
        %get3A_1409 = arith.index_cast %and3A_932 : i32 to index
        %get3A_1410 = arith.index_cast %add3A_1391 : i32 to index
        %get3A_1411 = arith.index_cast %add3A_1408 : i32 to index
        %get3A_1412 = tpu.vector_load %arg8[%get3A_1409, %get3A_1410, %get3A_1411] {strides = array<i32>} : memref<4x128x128xf32, #tpu.memory_space<vmem>>, vector<1x1x16xf32>,
        %get3A_1413 = vector.shape_cast %get3A_1412 : vector<1x1x16xf32> to vector<16xf32>
        %swap3A_1414 = arith.index_cast %and3A_934 : i32 to index
        %swap3A_1415 = arith.index_cast %add3A_1391 : i32 to index
        %swap3A_1416 = arith.constant 16 : index
        %swap3A_1417 = tpu.vector_load %arg9[%swap3A_1414, %swap3A_1415, %swap3A_1416] {strides = array<i32>} : memref<2x128x64xf32, #tpu.memory_space<vmem>>, vector<1x1x16xf32>,
        %swap3A_1418 = vector.shape_cast %swap3A_1417 : vector<1x1x16xf32> to vector<16xf32>
        %swap3A_1419 = vector.shape_cast %get3A_1413 : vector<16xf32> to vector<1x1x16xf32>
        tpu.vector_store %arg9[%swap3A_1414, %swap3A_1415, %swap3A_1416], %swap3A_1419 {strides = array<i32>} : memref<2x128x64xf32, #tpu.memory_space<vmem>>, vector<1x1x16xf32>,
        %add3A_1420 = arith.constant 32 : i32
        %add3A_1421 = arith.addi %squeeze3A_1393, %add3A_1420 : i32
        %get3A_1422 = arith.index_cast %and3A_932 : i32 to index
        %get3A_1423 = arith.index_cast %add3A_1391 : i32 to index
        %get3A_1424 = arith.index_cast %add3A_1421 : i32 to index
        %get3A_1425 = tpu.vector_load %arg8[%get3A_1422, %get3A_1423, %get3A_1424] {strides = array<i32>} : memref<4x128x128xf32, #tpu.memory_space<vmem>>, vector<1x1x16xf32>,
        %get3A_1426 = vector.shape_cast %get3A_1425 : vector<1x1x16xf32> to vector<16xf32>
        %swap3A_1427 = arith.index_cast %and3A_934 : i32 to index
        %swap3A_1428 = arith.index_cast %add3A_1391 : i32 to index
        %swap3A_1429 = arith.constant 32 : index
        %swap3A_1430 = tpu.vector_load %arg9[%swap3A_1427, %swap3A_1428, %swap3A_1429] {strides = array<i32>} : memref<2x128x64xf32, #tpu.memory_space<vmem>>, vector<1x1x16xf32>,
        %swap3A_1431 = vector.shape_cast %swap3A_1430 : vector<1x1x16xf32> to vector<16xf32>
        %swap3A_1432 = vector.shape_cast %get3A_1426 : vector<16xf32> to vector<1x1x16xf32>
        tpu.vector_store %arg9[%swap3A_1427, %swap3A_1428, %swap3A_1429], %swap3A_1432 {strides = array<i32>} : memref<2x128x64xf32, #tpu.memory_space<vmem>>, vector<1x1x16xf32>,
        %add3A_1433 = arith.constant 48 : i32
        %add3A_1434 = arith.addi %squeeze3A_1393, %add3A_1433 : i32
        %get3A_1435 = arith.index_cast %and3A_932 : i32 to index
        %get3A_1436 = arith.index_cast %add3A_1391 : i32 to index
        %get3A_1437 = arith.index_cast %add3A_1434 : i32 to index
        %get3A_1438 = tpu.vector_load %arg8[%get3A_1435, %get3A_1436, %get3A_1437] {strides = array<i32>} : memref<4x128x128xf32, #tpu.memory_space<vmem>>, vector<1x1x16xf32>,
        %get3A_1439 = vector.shape_cast %get3A_1438 : vector<1x1x16xf32> to vector<16xf32>
        %swap3A_1440 = arith.index_cast %and3A_934 : i32 to index
        %swap3A_1441 = arith.index_cast %add3A_1391 : i32 to index
        %swap3A_1442 = arith.constant 48 : index
        %swap3A_1443 = tpu.vector_load %arg9[%swap3A_1440, %swap3A_1441, %swap3A_1442] {strides = array<i32>} : memref<2x128x64xf32, #tpu.memory_space<vmem>>, vector<1x1x16xf32>,
        %swap3A_1444 = vector.shape_cast %swap3A_1443 : vector<1x1x16xf32> to vector<16xf32>
        %swap3A_1445 = vector.shape_cast %get3A_1439 : vector<16xf32> to vector<1x1x16xf32>
        tpu.vector_store %arg9[%swap3A_1440, %swap3A_1441, %swap3A_1442], %swap3A_1445 {strides = array<i32>} : memref<2x128x64xf32, #tpu.memory_space<vmem>>, vector<1x1x16xf32>,
        %mul3A_1446 = arith.constant 16 : i32
        %mul3A_1447 = arith.muli %add3A_977, %mul3A_1446 : i32
        %add3A_1448 = arith.constant 8 : i32
        %add3A_1449 = arith.addi %mul3A_1447, %add3A_1448 : i32
        %slice3A_1450 = vector.extract_strided_slice %get3A_983 {offsets = [8], sizes = [1], strides = [1]} : vector<16xi32> to vector<1xi32>
        %squeeze3A_1451 = vector.extract %slice3A_1450[0] : i32 from vector<1xi32>
        %add3A_1452 = arith.constant 0 : i32
        %add3A_1453 = arith.addi %squeeze3A_1451, %add3A_1452 : i32
        %get3A_1454 = arith.index_cast %and3A_932 : i32 to index
        %get3A_1455 = arith.index_cast %add3A_1449 : i32 to index
        %get3A_1456 = arith.index_cast %add3A_1453 : i32 to index
        %get3A_1457 = tpu.vector_load %arg8[%get3A_1454, %get3A_1455, %get3A_1456] {strides = array<i32>} : memref<4x128x128xf32, #tpu.memory_space<vmem>>, vector<1x1x16xf32>,
        %get3A_1458 = vector.shape_cast %get3A_1457 : vector<1x1x16xf32> to vector<16xf32>
        %swap3A_1459 = arith.index_cast %and3A_934 : i32 to index
        %swap3A_1460 = arith.index_cast %add3A_1449 : i32 to index
        %swap3A_1461 = arith.constant 0 : index
        %swap3A_1462 = tpu.vector_load %arg9[%swap3A_1459, %swap3A_1460, %swap3A_1461] {strides = array<i32>} : memref<2x128x64xf32, #tpu.memory_space<vmem>>, vector<1x1x16xf32>,
        %swap3A_1463 = vector.shape_cast %swap3A_1462 : vector<1x1x16xf32> to vector<16xf32>
        %swap3A_1464 = vector.shape_cast %get3A_1458 : vector<16xf32> to vector<1x1x16xf32>
        tpu.vector_store %arg9[%swap3A_1459, %swap3A_1460, %swap3A_1461], %swap3A_1464 {strides = array<i32>} : memref<2x128x64xf32, #tpu.memory_space<vmem>>, vector<1x1x16xf32>,
        %add3A_1465 = arith.constant 16 : i32
        %add3A_1466 = arith.addi %squeeze3A_1451, %add3A_1465 : i32
        %get3A_1467 = arith.index_cast %and3A_932 : i32 to index
        %get3A_1468 = arith.index_cast %add3A_1449 : i32 to index
        %get3A_1469 = arith.index_cast %add3A_1466 : i32 to index
        %get3A_1470 = tpu.vector_load %arg8[%get3A_1467, %get3A_1468, %get3A_1469] {strides = array<i32>} : memref<4x128x128xf32, #tpu.memory_space<vmem>>, vector<1x1x16xf32>,
        %get3A_1471 = vector.shape_cast %get3A_1470 : vector<1x1x16xf32> to vector<16xf32>
        %swap3A_1472 = arith.index_cast %and3A_934 : i32 to index
        %swap3A_1473 = arith.index_cast %add3A_1449 : i32 to index
        %swap3A_1474 = arith.constant 16 : index
        %swap3A_1475 = tpu.vector_load %arg9[%swap3A_1472, %swap3A_1473, %swap3A_1474] {strides = array<i32>} : memref<2x128x64xf32, #tpu.memory_space<vmem>>, vector<1x1x16xf32>,
        %swap3A_1476 = vector.shape_cast %swap3A_1475 : vector<1x1x16xf32> to vector<16xf32>
        %swap3A_1477 = vector.shape_cast %get3A_1471 : vector<16xf32> to vector<1x1x16xf32>
        tpu.vector_store %arg9[%swap3A_1472, %swap3A_1473, %swap3A_1474], %swap3A_1477 {strides = array<i32>} : memref<2x128x64xf32, #tpu.memory_space<vmem>>, vector<1x1x16xf32>,
        %add3A_1478 = arith.constant 32 : i32
        %add3A_1479 = arith.addi %squeeze3A_1451, %add3A_1478 : i32
        %get3A_1480 = arith.index_cast %and3A_932 : i32 to index
        %get3A_1481 = arith.index_cast %add3A_1449 : i32 to index
        %get3A_1482 = arith.index_cast %add3A_1479 : i32 to index
        %get3A_1483 = tpu.vector_load %arg8[%get3A_1480, %get3A_1481, %get3A_1482] {strides = array<i32>} : memref<4x128x128xf32, #tpu.memory_space<vmem>>, vector<1x1x16xf32>,
        %get3A_1484 = vector.shape_cast %get3A_1483 : vector<1x1x16xf32> to vector<16xf32>
        %swap3A_1485 = arith.index_cast %and3A_934 : i32 to index
        %swap3A_1486 = arith.index_cast %add3A_1449 : i32 to index
        %swap3A_1487 = arith.constant 32 : index
        %swap3A_1488 = tpu.vector_load %arg9[%swap3A_1485, %swap3A_1486, %swap3A_1487] {strides = array<i32>} : memref<2x128x64xf32, #tpu.memory_space<vmem>>, vector<1x1x16xf32>,
        %swap3A_1489 = vector.shape_cast %swap3A_1488 : vector<1x1x16xf32> to vector<16xf32>
        %swap3A_1490 = vector.shape_cast %get3A_1484 : vector<16xf32> to vector<1x1x16xf32>
        tpu.vector_store %arg9[%swap3A_1485, %swap3A_1486, %swap3A_1487], %swap3A_1490 {strides = array<i32>} : memref<2x128x64xf32, #tpu.memory_space<vmem>>, vector<1x1x16xf32>,
        %add3A_1491 = arith.constant 48 : i32
        %add3A_1492 = arith.addi %squeeze3A_1451, %add3A_1491 : i32
        %get3A_1493 = arith.index_cast %and3A_932 : i32 to index
        %get3A_1494 = arith.index_cast %add3A_1449 : i32 to index
        %get3A_1495 = arith.index_cast %add3A_1492 : i32 to index
        %get3A_1496 = tpu.vector_load %arg8[%get3A_1493, %get3A_1494, %get3A_1495] {strides = array<i32>} : memref<4x128x128xf32, #tpu.memory_space<vmem>>, vector<1x1x16xf32>,
        %get3A_1497 = vector.shape_cast %get3A_1496 : vector<1x1x16xf32> to vector<16xf32>
        %swap3A_1498 = arith.index_cast %and3A_934 : i32 to index
        %swap3A_1499 = arith.index_cast %add3A_1449 : i32 to index
        %swap3A_1500 = arith.constant 48 : index
        %swap3A_1501 = tpu.vector_load %arg9[%swap3A_1498, %swap3A_1499, %swap3A_1500] {strides = array<i32>} : memref<2x128x64xf32, #tpu.memory_space<vmem>>, vector<1x1x16xf32>,
        %swap3A_1502 = vector.shape_cast %swap3A_1501 : vector<1x1x16xf32> to vector<16xf32>
        %swap3A_1503 = vector.shape_cast %get3A_1497 : vector<16xf32> to vector<1x1x16xf32>
        tpu.vector_store %arg9[%swap3A_1498, %swap3A_1499, %swap3A_1500], %swap3A_1503 {strides = array<i32>} : memref<2x128x64xf32, #tpu.memory_space<vmem>>, vector<1x1x16xf32>,
        %mul3A_1504 = arith.constant 16 : i32
        %mul3A_1505 = arith.muli %add3A_977, %mul3A_1504 : i32
        %add3A_1506 = arith.constant 9 : i32
        %add3A_1507 = arith.addi %mul3A_1505, %add3A_1506 : i32
        %slice3A_1508 = vector.extract_strided_slice %get3A_983 {offsets = [9], sizes = [1], strides = [1]} : vector<16xi32> to vector<1xi32>
        %squeeze3A_1509 = vector.extract %slice3A_1508[0] : i32 from vector<1xi32>
        %add3A_1510 = arith.constant 0 : i32
        %add3A_1511 = arith.addi %squeeze3A_1509, %add3A_1510 : i32
        %get3A_1512 = arith.index_cast %and3A_932 : i32 to index
        %get3A_1513 = arith.index_cast %add3A_1507 : i32 to index
        %get3A_1514 = arith.index_cast %add3A_1511 : i32 to index
        %get3A_1515 = tpu.vector_load %arg8[%get3A_1512, %get3A_1513, %get3A_1514] {strides = array<i32>} : memref<4x128x128xf32, #tpu.memory_space<vmem>>, vector<1x1x16xf32>,
        %get3A_1516 = vector.shape_cast %get3A_1515 : vector<1x1x16xf32> to vector<16xf32>
        %swap3A_1517 = arith.index_cast %and3A_934 : i32 to index
        %swap3A_1518 = arith.index_cast %add3A_1507 : i32 to index
        %swap3A_1519 = arith.constant 0 : index
        %swap3A_1520 = tpu.vector_load %arg9[%swap3A_1517, %swap3A_1518, %swap3A_1519] {strides = array<i32>} : memref<2x128x64xf32, #tpu.memory_space<vmem>>, vector<1x1x16xf32>,
        %swap3A_1521 = vector.shape_cast %swap3A_1520 : vector<1x1x16xf32> to vector<16xf32>
        %swap3A_1522 = vector.shape_cast %get3A_1516 : vector<16xf32> to vector<1x1x16xf32>
        tpu.vector_store %arg9[%swap3A_1517, %swap3A_1518, %swap3A_1519], %swap3A_1522 {strides = array<i32>} : memref<2x128x64xf32, #tpu.memory_space<vmem>>, vector<1x1x16xf32>,
        %add3A_1523 = arith.constant 16 : i32
        %add3A_1524 = arith.addi %squeeze3A_1509, %add3A_1523 : i32
        %get3A_1525 = arith.index_cast %and3A_932 : i32 to index
        %get3A_1526 = arith.index_cast %add3A_1507 : i32 to index
        %get3A_1527 = arith.index_cast %add3A_1524 : i32 to index
        %get3A_1528 = tpu.vector_load %arg8[%get3A_1525, %get3A_1526, %get3A_1527] {strides = array<i32>} : memref<4x128x128xf32, #tpu.memory_space<vmem>>, vector<1x1x16xf32>,
        %get3A_1529 = vector.shape_cast %get3A_1528 : vector<1x1x16xf32> to vector<16xf32>
        %swap3A_1530 = arith.index_cast %and3A_934 : i32 to index
        %swap3A_1531 = arith.index_cast %add3A_1507 : i32 to index
        %swap3A_1532 = arith.constant 16 : index
        %swap3A_1533 = tpu.vector_load %arg9[%swap3A_1530, %swap3A_1531, %swap3A_1532] {strides = array<i32>} : memref<2x128x64xf32, #tpu.memory_space<vmem>>, vector<1x1x16xf32>,
        %swap3A_1534 = vector.shape_cast %swap3A_1533 : vector<1x1x16xf32> to vector<16xf32>
        %swap3A_1535 = vector.shape_cast %get3A_1529 : vector<16xf32> to vector<1x1x16xf32>
        tpu.vector_store %arg9[%swap3A_1530, %swap3A_1531, %swap3A_1532], %swap3A_1535 {strides = array<i32>} : memref<2x128x64xf32, #tpu.memory_space<vmem>>, vector<1x1x16xf32>,
        %add3A_1536 = arith.constant 32 : i32
        %add3A_1537 = arith.addi %squeeze3A_1509, %add3A_1536 : i32
        %get3A_1538 = arith.index_cast %and3A_932 : i32 to index
        %get3A_1539 = arith.index_cast %add3A_1507 : i32 to index
        %get3A_1540 = arith.index_cast %add3A_1537 : i32 to index
        %get3A_1541 = tpu.vector_load %arg8[%get3A_1538, %get3A_1539, %get3A_1540] {strides = array<i32>} : memref<4x128x128xf32, #tpu.memory_space<vmem>>, vector<1x1x16xf32>,
        %get3A_1542 = vector.shape_cast %get3A_1541 : vector<1x1x16xf32> to vector<16xf32>
        %swap3A_1543 = arith.index_cast %and3A_934 : i32 to index
        %swap3A_1544 = arith.index_cast %add3A_1507 : i32 to index
        %swap3A_1545 = arith.constant 32 : index
        %swap3A_1546 = tpu.vector_load %arg9[%swap3A_1543, %swap3A_1544, %swap3A_1545] {strides = array<i32>} : memref<2x128x64xf32, #tpu.memory_space<vmem>>, vector<1x1x16xf32>,
        %swap3A_1547 = vector.shape_cast %swap3A_1546 : vector<1x1x16xf32> to vector<16xf32>
        %swap3A_1548 = vector.shape_cast %get3A_1542 : vector<16xf32> to vector<1x1x16xf32>
        tpu.vector_store %arg9[%swap3A_1543, %swap3A_1544, %swap3A_1545], %swap3A_1548 {strides = array<i32>} : memref<2x128x64xf32, #tpu.memory_space<vmem>>, vector<1x1x16xf32>,
        %add3A_1549 = arith.constant 48 : i32
        %add3A_1550 = arith.addi %squeeze3A_1509, %add3A_1549 : i32
        %get3A_1551 = arith.index_cast %and3A_932 : i32 to index
        %get3A_1552 = arith.index_cast %add3A_1507 : i32 to index
        %get3A_1553 = arith.index_cast %add3A_1550 : i32 to index
        %get3A_1554 = tpu.vector_load %arg8[%get3A_1551, %get3A_1552, %get3A_1553] {strides = array<i32>} : memref<4x128x128xf32, #tpu.memory_space<vmem>>, vector<1x1x16xf32>,
        %get3A_1555 = vector.shape_cast %get3A_1554 : vector<1x1x16xf32> to vector<16xf32>
        %swap3A_1556 = arith.index_cast %and3A_934 : i32 to index
        %swap3A_1557 = arith.index_cast %add3A_1507 : i32 to index
        %swap3A_1558 = arith.constant 48 : index
        %swap3A_1559 = tpu.vector_load %arg9[%swap3A_1556, %swap3A_1557, %swap3A_1558] {strides = array<i32>} : memref<2x128x64xf32, #tpu.memory_space<vmem>>, vector<1x1x16xf32>,
        %swap3A_1560 = vector.shape_cast %swap3A_1559 : vector<1x1x16xf32> to vector<16xf32>
        %swap3A_1561 = vector.shape_cast %get3A_1555 : vector<16xf32> to vector<1x1x16xf32>
        tpu.vector_store %arg9[%swap3A_1556, %swap3A_1557, %swap3A_1558], %swap3A_1561 {strides = array<i32>} : memref<2x128x64xf32, #tpu.memory_space<vmem>>, vector<1x1x16xf32>,
        %mul3A_1562 = arith.constant 16 : i32
        %mul3A_1563 = arith.muli %add3A_977, %mul3A_1562 : i32
        %add3A_1564 = arith.constant 10 : i32
        %add3A_1565 = arith.addi %mul3A_1563, %add3A_1564 : i32
        %slice3A_1566 = vector.extract_strided_slice %get3A_983 {offsets = [10], sizes = [1], strides = [1]} : vector<16xi32> to vector<1xi32>
        %squeeze3A_1567 = vector.extract %slice3A_1566[0] : i32 from vector<1xi32>
        %add3A_1568 = arith.constant 0 : i32
        %add3A_1569 = arith.addi %squeeze3A_1567, %add3A_1568 : i32
        %get3A_1570 = arith.index_cast %and3A_932 : i32 to index
        %get3A_1571 = arith.index_cast %add3A_1565 : i32 to index
        %get3A_1572 = arith.index_cast %add3A_1569 : i32 to index
        %get3A_1573 = tpu.vector_load %arg8[%get3A_1570, %get3A_1571, %get3A_1572] {strides = array<i32>} : memref<4x128x128xf32, #tpu.memory_space<vmem>>, vector<1x1x16xf32>,
        %get3A_1574 = vector.shape_cast %get3A_1573 : vector<1x1x16xf32> to vector<16xf32>
        %swap3A_1575 = arith.index_cast %and3A_934 : i32 to index
        %swap3A_1576 = arith.index_cast %add3A_1565 : i32 to index
        %swap3A_1577 = arith.constant 0 : index
        %swap3A_1578 = tpu.vector_load %arg9[%swap3A_1575, %swap3A_1576, %swap3A_1577] {strides = array<i32>} : memref<2x128x64xf32, #tpu.memory_space<vmem>>, vector<1x1x16xf32>,
        %swap3A_1579 = vector.shape_cast %swap3A_1578 : vector<1x1x16xf32> to vector<16xf32>
        %swap3A_1580 = vector.shape_cast %get3A_1574 : vector<16xf32> to vector<1x1x16xf32>
        tpu.vector_store %arg9[%swap3A_1575, %swap3A_1576, %swap3A_1577], %swap3A_1580 {strides = array<i32>} : memref<2x128x64xf32, #tpu.memory_space<vmem>>, vector<1x1x16xf32>,
        %add3A_1581 = arith.constant 16 : i32
        %add3A_1582 = arith.addi %squeeze3A_1567, %add3A_1581 : i32
        %get3A_1583 = arith.index_cast %and3A_932 : i32 to index
        %get3A_1584 = arith.index_cast %add3A_1565 : i32 to index
        %get3A_1585 = arith.index_cast %add3A_1582 : i32 to index
        %get3A_1586 = tpu.vector_load %arg8[%get3A_1583, %get3A_1584, %get3A_1585] {strides = array<i32>} : memref<4x128x128xf32, #tpu.memory_space<vmem>>, vector<1x1x16xf32>,
        %get3A_1587 = vector.shape_cast %get3A_1586 : vector<1x1x16xf32> to vector<16xf32>
        %swap3A_1588 = arith.index_cast %and3A_934 : i32 to index
        %swap3A_1589 = arith.index_cast %add3A_1565 : i32 to index
        %swap3A_1590 = arith.constant 16 : index
        %swap3A_1591 = tpu.vector_load %arg9[%swap3A_1588, %swap3A_1589, %swap3A_1590] {strides = array<i32>} : memref<2x128x64xf32, #tpu.memory_space<vmem>>, vector<1x1x16xf32>,
        %swap3A_1592 = vector.shape_cast %swap3A_1591 : vector<1x1x16xf32> to vector<16xf32>
        %swap3A_1593 = vector.shape_cast %get3A_1587 : vector<16xf32> to vector<1x1x16xf32>
        tpu.vector_store %arg9[%swap3A_1588, %swap3A_1589, %swap3A_1590], %swap3A_1593 {strides = array<i32>} : memref<2x128x64xf32, #tpu.memory_space<vmem>>, vector<1x1x16xf32>,
        %add3A_1594 = arith.constant 32 : i32
        %add3A_1595 = arith.addi %squeeze3A_1567, %add3A_1594 : i32
        %get3A_1596 = arith.index_cast %and3A_932 : i32 to index
        %get3A_1597 = arith.index_cast %add3A_1565 : i32 to index
        %get3A_1598 = arith.index_cast %add3A_1595 : i32 to index
        %get3A_1599 = tpu.vector_load %arg8[%get3A_1596, %get3A_1597, %get3A_1598] {strides = array<i32>} : memref<4x128x128xf32, #tpu.memory_space<vmem>>, vector<1x1x16xf32>,
        %get3A_1600 = vector.shape_cast %get3A_1599 : vector<1x1x16xf32> to vector<16xf32>
        %swap3A_1601 = arith.index_cast %and3A_934 : i32 to index
        %swap3A_1602 = arith.index_cast %add3A_1565 : i32 to index
        %swap3A_1603 = arith.constant 32 : index
        %swap3A_1604 = tpu.vector_load %arg9[%swap3A_1601, %swap3A_1602, %swap3A_1603] {strides = array<i32>} : memref<2x128x64xf32, #tpu.memory_space<vmem>>, vector<1x1x16xf32>,
        %swap3A_1605 = vector.shape_cast %swap3A_1604 : vector<1x1x16xf32> to vector<16xf32>
        %swap3A_1606 = vector.shape_cast %get3A_1600 : vector<16xf32> to vector<1x1x16xf32>
        tpu.vector_store %arg9[%swap3A_1601, %swap3A_1602, %swap3A_1603], %swap3A_1606 {strides = array<i32>} : memref<2x128x64xf32, #tpu.memory_space<vmem>>, vector<1x1x16xf32>,
        %add3A_1607 = arith.constant 48 : i32
        %add3A_1608 = arith.addi %squeeze3A_1567, %add3A_1607 : i32
        %get3A_1609 = arith.index_cast %and3A_932 : i32 to index
        %get3A_1610 = arith.index_cast %add3A_1565 : i32 to index
        %get3A_1611 = arith.index_cast %add3A_1608 : i32 to index
        %get3A_1612 = tpu.vector_load %arg8[%get3A_1609, %get3A_1610, %get3A_1611] {strides = array<i32>} : memref<4x128x128xf32, #tpu.memory_space<vmem>>, vector<1x1x16xf32>,
        %get3A_1613 = vector.shape_cast %get3A_1612 : vector<1x1x16xf32> to vector<16xf32>
        %swap3A_1614 = arith.index_cast %and3A_934 : i32 to index
        %swap3A_1615 = arith.index_cast %add3A_1565 : i32 to index
        %swap3A_1616 = arith.constant 48 : index
        %swap3A_1617 = tpu.vector_load %arg9[%swap3A_1614, %swap3A_1615, %swap3A_1616] {strides = array<i32>} : memref<2x128x64xf32, #tpu.memory_space<vmem>>, vector<1x1x16xf32>,
        %swap3A_1618 = vector.shape_cast %swap3A_1617 : vector<1x1x16xf32> to vector<16xf32>
        %swap3A_1619 = vector.shape_cast %get3A_1613 : vector<16xf32> to vector<1x1x16xf32>
        tpu.vector_store %arg9[%swap3A_1614, %swap3A_1615, %swap3A_1616], %swap3A_1619 {strides = array<i32>} : memref<2x128x64xf32, #tpu.memory_space<vmem>>, vector<1x1x16xf32>,
        %mul3A_1620 = arith.constant 16 : i32
        %mul3A_1621 = arith.muli %add3A_977, %mul3A_1620 : i32
        %add3A_1622 = arith.constant 11 : i32
        %add3A_1623 = arith.addi %mul3A_1621, %add3A_1622 : i32
        %slice3A_1624 = vector.extract_strided_slice %get3A_983 {offsets = [11], sizes = [1], strides = [1]} : vector<16xi32> to vector<1xi32>
        %squeeze3A_1625 = vector.extract %slice3A_1624[0] : i32 from vector<1xi32>
        %add3A_1626 = arith.constant 0 : i32
        %add3A_1627 = arith.addi %squeeze3A_1625, %add3A_1626 : i32
        %get3A_1628 = arith.index_cast %and3A_932 : i32 to index
        %get3A_1629 = arith.index_cast %add3A_1623 : i32 to index
        %get3A_1630 = arith.index_cast %add3A_1627 : i32 to index
        %get3A_1631 = tpu.vector_load %arg8[%get3A_1628, %get3A_1629, %get3A_1630] {strides = array<i32>} : memref<4x128x128xf32, #tpu.memory_space<vmem>>, vector<1x1x16xf32>,
        %get3A_1632 = vector.shape_cast %get3A_1631 : vector<1x1x16xf32> to vector<16xf32>
        %swap3A_1633 = arith.index_cast %and3A_934 : i32 to index
        %swap3A_1634 = arith.index_cast %add3A_1623 : i32 to index
        %swap3A_1635 = arith.constant 0 : index
        %swap3A_1636 = tpu.vector_load %arg9[%swap3A_1633, %swap3A_1634, %swap3A_1635] {strides = array<i32>} : memref<2x128x64xf32, #tpu.memory_space<vmem>>, vector<1x1x16xf32>,
        %swap3A_1637 = vector.shape_cast %swap3A_1636 : vector<1x1x16xf32> to vector<16xf32>
        %swap3A_1638 = vector.shape_cast %get3A_1632 : vector<16xf32> to vector<1x1x16xf32>
        tpu.vector_store %arg9[%swap3A_1633, %swap3A_1634, %swap3A_1635], %swap3A_1638 {strides = array<i32>} : memref<2x128x64xf32, #tpu.memory_space<vmem>>, vector<1x1x16xf32>,
        %add3A_1639 = arith.constant 16 : i32
        %add3A_1640 = arith.addi %squeeze3A_1625, %add3A_1639 : i32
        %get3A_1641 = arith.index_cast %and3A_932 : i32 to index
        %get3A_1642 = arith.index_cast %add3A_1623 : i32 to index
        %get3A_1643 = arith.index_cast %add3A_1640 : i32 to index
        %get3A_1644 = tpu.vector_load %arg8[%get3A_1641, %get3A_1642, %get3A_1643] {strides = array<i32>} : memref<4x128x128xf32, #tpu.memory_space<vmem>>, vector<1x1x16xf32>,
        %get3A_1645 = vector.shape_cast %get3A_1644 : vector<1x1x16xf32> to vector<16xf32>
        %swap3A_1646 = arith.index_cast %and3A_934 : i32 to index
        %swap3A_1647 = arith.index_cast %add3A_1623 : i32 to index
        %swap3A_1648 = arith.constant 16 : index
        %swap3A_1649 = tpu.vector_load %arg9[%swap3A_1646, %swap3A_1647, %swap3A_1648] {strides = array<i32>} : memref<2x128x64xf32, #tpu.memory_space<vmem>>, vector<1x1x16xf32>,
        %swap3A_1650 = vector.shape_cast %swap3A_1649 : vector<1x1x16xf32> to vector<16xf32>
        %swap3A_1651 = vector.shape_cast %get3A_1645 : vector<16xf32> to vector<1x1x16xf32>
        tpu.vector_store %arg9[%swap3A_1646, %swap3A_1647, %swap3A_1648], %swap3A_1651 {strides = array<i32>} : memref<2x128x64xf32, #tpu.memory_space<vmem>>, vector<1x1x16xf32>,
        %add3A_1652 = arith.constant 32 : i32
        %add3A_1653 = arith.addi %squeeze3A_1625, %add3A_1652 : i32
        %get3A_1654 = arith.index_cast %and3A_932 : i32 to index
        %get3A_1655 = arith.index_cast %add3A_1623 : i32 to index
        %get3A_1656 = arith.index_cast %add3A_1653 : i32 to index
        %get3A_1657 = tpu.vector_load %arg8[%get3A_1654, %get3A_1655, %get3A_1656] {strides = array<i32>} : memref<4x128x128xf32, #tpu.memory_space<vmem>>, vector<1x1x16xf32>,
        %get3A_1658 = vector.shape_cast %get3A_1657 : vector<1x1x16xf32> to vector<16xf32>
        %swap3A_1659 = arith.index_cast %and3A_934 : i32 to index
        %swap3A_1660 = arith.index_cast %add3A_1623 : i32 to index
        %swap3A_1661 = arith.constant 32 : index
        %swap3A_1662 = tpu.vector_load %arg9[%swap3A_1659, %swap3A_1660, %swap3A_1661] {strides = array<i32>} : memref<2x128x64xf32, #tpu.memory_space<vmem>>, vector<1x1x16xf32>,
        %swap3A_1663 = vector.shape_cast %swap3A_1662 : vector<1x1x16xf32> to vector<16xf32>
        %swap3A_1664 = vector.shape_cast %get3A_1658 : vector<16xf32> to vector<1x1x16xf32>
        tpu.vector_store %arg9[%swap3A_1659, %swap3A_1660, %swap3A_1661], %swap3A_1664 {strides = array<i32>} : memref<2x128x64xf32, #tpu.memory_space<vmem>>, vector<1x1x16xf32>,
        %add3A_1665 = arith.constant 48 : i32
        %add3A_1666 = arith.addi %squeeze3A_1625, %add3A_1665 : i32
        %get3A_1667 = arith.index_cast %and3A_932 : i32 to index
        %get3A_1668 = arith.index_cast %add3A_1623 : i32 to index
        %get3A_1669 = arith.index_cast %add3A_1666 : i32 to index
        %get3A_1670 = tpu.vector_load %arg8[%get3A_1667, %get3A_1668, %get3A_1669] {strides = array<i32>} : memref<4x128x128xf32, #tpu.memory_space<vmem>>, vector<1x1x16xf32>,
        %get3A_1671 = vector.shape_cast %get3A_1670 : vector<1x1x16xf32> to vector<16xf32>
        %swap3A_1672 = arith.index_cast %and3A_934 : i32 to index
        %swap3A_1673 = arith.index_cast %add3A_1623 : i32 to index
        %swap3A_1674 = arith.constant 48 : index
        %swap3A_1675 = tpu.vector_load %arg9[%swap3A_1672, %swap3A_1673, %swap3A_1674] {strides = array<i32>} : memref<2x128x64xf32, #tpu.memory_space<vmem>>, vector<1x1x16xf32>,
        %swap3A_1676 = vector.shape_cast %swap3A_1675 : vector<1x1x16xf32> to vector<16xf32>
        %swap3A_1677 = vector.shape_cast %get3A_1671 : vector<16xf32> to vector<1x1x16xf32>
        tpu.vector_store %arg9[%swap3A_1672, %swap3A_1673, %swap3A_1674], %swap3A_1677 {strides = array<i32>} : memref<2x128x64xf32, #tpu.memory_space<vmem>>, vector<1x1x16xf32>,
        %mul3A_1678 = arith.constant 16 : i32
        %mul3A_1679 = arith.muli %add3A_977, %mul3A_1678 : i32
        %add3A_1680 = arith.constant 12 : i32
        %add3A_1681 = arith.addi %mul3A_1679, %add3A_1680 : i32
        %slice3A_1682 = vector.extract_strided_slice %get3A_983 {offsets = [12], sizes = [1], strides = [1]} : vector<16xi32> to vector<1xi32>
        %squeeze3A_1683 = vector.extract %slice3A_1682[0] : i32 from vector<1xi32>
        %add3A_1684 = arith.constant 0 : i32
        %add3A_1685 = arith.addi %squeeze3A_1683, %add3A_1684 : i32
        %get3A_1686 = arith.index_cast %and3A_932 : i32 to index
        %get3A_1687 = arith.index_cast %add3A_1681 : i32 to index
        %get3A_1688 = arith.index_cast %add3A_1685 : i32 to index
        %get3A_1689 = tpu.vector_load %arg8[%get3A_1686, %get3A_1687, %get3A_1688] {strides = array<i32>} : memref<4x128x128xf32, #tpu.memory_space<vmem>>, vector<1x1x16xf32>,
        %get3A_1690 = vector.shape_cast %get3A_1689 : vector<1x1x16xf32> to vector<16xf32>
        %swap3A_1691 = arith.index_cast %and3A_934 : i32 to index
        %swap3A_1692 = arith.index_cast %add3A_1681 : i32 to index
        %swap3A_1693 = arith.constant 0 : index
        %swap3A_1694 = tpu.vector_load %arg9[%swap3A_1691, %swap3A_1692, %swap3A_1693] {strides = array<i32>} : memref<2x128x64xf32, #tpu.memory_space<vmem>>, vector<1x1x16xf32>,
        %swap3A_1695 = vector.shape_cast %swap3A_1694 : vector<1x1x16xf32> to vector<16xf32>
        %swap3A_1696 = vector.shape_cast %get3A_1690 : vector<16xf32> to vector<1x1x16xf32>
        tpu.vector_store %arg9[%swap3A_1691, %swap3A_1692, %swap3A_1693], %swap3A_1696 {strides = array<i32>} : memref<2x128x64xf32, #tpu.memory_space<vmem>>, vector<1x1x16xf32>,
        %add3A_1697 = arith.constant 16 : i32
        %add3A_1698 = arith.addi %squeeze3A_1683, %add3A_1697 : i32
        %get3A_1699 = arith.index_cast %and3A_932 : i32 to index
        %get3A_1700 = arith.index_cast %add3A_1681 : i32 to index
        %get3A_1701 = arith.index_cast %add3A_1698 : i32 to index
        %get3A_1702 = tpu.vector_load %arg8[%get3A_1699, %get3A_1700, %get3A_1701] {strides = array<i32>} : memref<4x128x128xf32, #tpu.memory_space<vmem>>, vector<1x1x16xf32>,
        %get3A_1703 = vector.shape_cast %get3A_1702 : vector<1x1x16xf32> to vector<16xf32>
        %swap3A_1704 = arith.index_cast %and3A_934 : i32 to index
        %swap3A_1705 = arith.index_cast %add3A_1681 : i32 to index
        %swap3A_1706 = arith.constant 16 : index
        %swap3A_1707 = tpu.vector_load %arg9[%swap3A_1704, %swap3A_1705, %swap3A_1706] {strides = array<i32>} : memref<2x128x64xf32, #tpu.memory_space<vmem>>, vector<1x1x16xf32>,
        %swap3A_1708 = vector.shape_cast %swap3A_1707 : vector<1x1x16xf32> to vector<16xf32>
        %swap3A_1709 = vector.shape_cast %get3A_1703 : vector<16xf32> to vector<1x1x16xf32>
        tpu.vector_store %arg9[%swap3A_1704, %swap3A_1705, %swap3A_1706], %swap3A_1709 {strides = array<i32>} : memref<2x128x64xf32, #tpu.memory_space<vmem>>, vector<1x1x16xf32>,
        %add3A_1710 = arith.constant 32 : i32
        %add3A_1711 = arith.addi %squeeze3A_1683, %add3A_1710 : i32
        %get3A_1712 = arith.index_cast %and3A_932 : i32 to index
        %get3A_1713 = arith.index_cast %add3A_1681 : i32 to index
        %get3A_1714 = arith.index_cast %add3A_1711 : i32 to index
        %get3A_1715 = tpu.vector_load %arg8[%get3A_1712, %get3A_1713, %get3A_1714] {strides = array<i32>} : memref<4x128x128xf32, #tpu.memory_space<vmem>>, vector<1x1x16xf32>,
        %get3A_1716 = vector.shape_cast %get3A_1715 : vector<1x1x16xf32> to vector<16xf32>
        %swap3A_1717 = arith.index_cast %and3A_934 : i32 to index
        %swap3A_1718 = arith.index_cast %add3A_1681 : i32 to index
        %swap3A_1719 = arith.constant 32 : index
        %swap3A_1720 = tpu.vector_load %arg9[%swap3A_1717, %swap3A_1718, %swap3A_1719] {strides = array<i32>} : memref<2x128x64xf32, #tpu.memory_space<vmem>>, vector<1x1x16xf32>,
        %swap3A_1721 = vector.shape_cast %swap3A_1720 : vector<1x1x16xf32> to vector<16xf32>
        %swap3A_1722 = vector.shape_cast %get3A_1716 : vector<16xf32> to vector<1x1x16xf32>
        tpu.vector_store %arg9[%swap3A_1717, %swap3A_1718, %swap3A_1719], %swap3A_1722 {strides = array<i32>} : memref<2x128x64xf32, #tpu.memory_space<vmem>>, vector<1x1x16xf32>,
        %add3A_1723 = arith.constant 48 : i32
        %add3A_1724 = arith.addi %squeeze3A_1683, %add3A_1723 : i32
        %get3A_1725 = arith.index_cast %and3A_932 : i32 to index
        %get3A_1726 = arith.index_cast %add3A_1681 : i32 to index
        %get3A_1727 = arith.index_cast %add3A_1724 : i32 to index
        %get3A_1728 = tpu.vector_load %arg8[%get3A_1725, %get3A_1726, %get3A_1727] {strides = array<i32>} : memref<4x128x128xf32, #tpu.memory_space<vmem>>, vector<1x1x16xf32>,
        %get3A_1729 = vector.shape_cast %get3A_1728 : vector<1x1x16xf32> to vector<16xf32>
        %swap3A_1730 = arith.index_cast %and3A_934 : i32 to index
        %swap3A_1731 = arith.index_cast %add3A_1681 : i32 to index
        %swap3A_1732 = arith.constant 48 : index
        %swap3A_1733 = tpu.vector_load %arg9[%swap3A_1730, %swap3A_1731, %swap3A_1732] {strides = array<i32>} : memref<2x128x64xf32, #tpu.memory_space<vmem>>, vector<1x1x16xf32>,
        %swap3A_1734 = vector.shape_cast %swap3A_1733 : vector<1x1x16xf32> to vector<16xf32>
        %swap3A_1735 = vector.shape_cast %get3A_1729 : vector<16xf32> to vector<1x1x16xf32>
        tpu.vector_store %arg9[%swap3A_1730, %swap3A_1731, %swap3A_1732], %swap3A_1735 {strides = array<i32>} : memref<2x128x64xf32, #tpu.memory_space<vmem>>, vector<1x1x16xf32>,
        %mul3A_1736 = arith.constant 16 : i32
        %mul3A_1737 = arith.muli %add3A_977, %mul3A_1736 : i32
        %add3A_1738 = arith.constant 13 : i32
        %add3A_1739 = arith.addi %mul3A_1737, %add3A_1738 : i32
        %slice3A_1740 = vector.extract_strided_slice %get3A_983 {offsets = [13], sizes = [1], strides = [1]} : vector<16xi32> to vector<1xi32>
        %squeeze3A_1741 = vector.extract %slice3A_1740[0] : i32 from vector<1xi32>
        %add3A_1742 = arith.constant 0 : i32
        %add3A_1743 = arith.addi %squeeze3A_1741, %add3A_1742 : i32
        %get3A_1744 = arith.index_cast %and3A_932 : i32 to index
        %get3A_1745 = arith.index_cast %add3A_1739 : i32 to index
        %get3A_1746 = arith.index_cast %add3A_1743 : i32 to index
        %get3A_1747 = tpu.vector_load %arg8[%get3A_1744, %get3A_1745, %get3A_1746] {strides = array<i32>} : memref<4x128x128xf32, #tpu.memory_space<vmem>>, vector<1x1x16xf32>,
        %get3A_1748 = vector.shape_cast %get3A_1747 : vector<1x1x16xf32> to vector<16xf32>
        %swap3A_1749 = arith.index_cast %and3A_934 : i32 to index
        %swap3A_1750 = arith.index_cast %add3A_1739 : i32 to index
        %swap3A_1751 = arith.constant 0 : index
        %swap3A_1752 = tpu.vector_load %arg9[%swap3A_1749, %swap3A_1750, %swap3A_1751] {strides = array<i32>} : memref<2x128x64xf32, #tpu.memory_space<vmem>>, vector<1x1x16xf32>,
        %swap3A_1753 = vector.shape_cast %swap3A_1752 : vector<1x1x16xf32> to vector<16xf32>
        %swap3A_1754 = vector.shape_cast %get3A_1748 : vector<16xf32> to vector<1x1x16xf32>
        tpu.vector_store %arg9[%swap3A_1749, %swap3A_1750, %swap3A_1751], %swap3A_1754 {strides = array<i32>} : memref<2x128x64xf32, #tpu.memory_space<vmem>>, vector<1x1x16xf32>,
        %add3A_1755 = arith.constant 16 : i32
        %add3A_1756 = arith.addi %squeeze3A_1741, %add3A_1755 : i32
        %get3A_1757 = arith.index_cast %and3A_932 : i32 to index
        %get3A_1758 = arith.index_cast %add3A_1739 : i32 to index
        %get3A_1759 = arith.index_cast %add3A_1756 : i32 to index
        %get3A_1760 = tpu.vector_load %arg8[%get3A_1757, %get3A_1758, %get3A_1759] {strides = array<i32>} : memref<4x128x128xf32, #tpu.memory_space<vmem>>, vector<1x1x16xf32>,
        %get3A_1761 = vector.shape_cast %get3A_1760 : vector<1x1x16xf32> to vector<16xf32>
        %swap3A_1762 = arith.index_cast %and3A_934 : i32 to index
        %swap3A_1763 = arith.index_cast %add3A_1739 : i32 to index
        %swap3A_1764 = arith.constant 16 : index
        %swap3A_1765 = tpu.vector_load %arg9[%swap3A_1762, %swap3A_1763, %swap3A_1764] {strides = array<i32>} : memref<2x128x64xf32, #tpu.memory_space<vmem>>, vector<1x1x16xf32>,
        %swap3A_1766 = vector.shape_cast %swap3A_1765 : vector<1x1x16xf32> to vector<16xf32>
        %swap3A_1767 = vector.shape_cast %get3A_1761 : vector<16xf32> to vector<1x1x16xf32>
        tpu.vector_store %arg9[%swap3A_1762, %swap3A_1763, %swap3A_1764], %swap3A_1767 {strides = array<i32>} : memref<2x128x64xf32, #tpu.memory_space<vmem>>, vector<1x1x16xf32>,
        %add3A_1768 = arith.constant 32 : i32
        %add3A_1769 = arith.addi %squeeze3A_1741, %add3A_1768 : i32
        %get3A_1770 = arith.index_cast %and3A_932 : i32 to index
        %get3A_1771 = arith.index_cast %add3A_1739 : i32 to index
        %get3A_1772 = arith.index_cast %add3A_1769 : i32 to index
        %get3A_1773 = tpu.vector_load %arg8[%get3A_1770, %get3A_1771, %get3A_1772] {strides = array<i32>} : memref<4x128x128xf32, #tpu.memory_space<vmem>>, vector<1x1x16xf32>,
        %get3A_1774 = vector.shape_cast %get3A_1773 : vector<1x1x16xf32> to vector<16xf32>
        %swap3A_1775 = arith.index_cast %and3A_934 : i32 to index
        %swap3A_1776 = arith.index_cast %add3A_1739 : i32 to index
        %swap3A_1777 = arith.constant 32 : index
        %swap3A_1778 = tpu.vector_load %arg9[%swap3A_1775, %swap3A_1776, %swap3A_1777] {strides = array<i32>} : memref<2x128x64xf32, #tpu.memory_space<vmem>>, vector<1x1x16xf32>,
        %swap3A_1779 = vector.shape_cast %swap3A_1778 : vector<1x1x16xf32> to vector<16xf32>
        %swap3A_1780 = vector.shape_cast %get3A_1774 : vector<16xf32> to vector<1x1x16xf32>
        tpu.vector_store %arg9[%swap3A_1775, %swap3A_1776, %swap3A_1777], %swap3A_1780 {strides = array<i32>} : memref<2x128x64xf32, #tpu.memory_space<vmem>>, vector<1x1x16xf32>,
        %add3A_1781 = arith.constant 48 : i32
        %add3A_1782 = arith.addi %squeeze3A_1741, %add3A_1781 : i32
        %get3A_1783 = arith.index_cast %and3A_932 : i32 to index
        %get3A_1784 = arith.index_cast %add3A_1739 : i32 to index
        %get3A_1785 = arith.index_cast %add3A_1782 : i32 to index
        %get3A_1786 = tpu.vector_load %arg8[%get3A_1783, %get3A_1784, %get3A_1785] {strides = array<i32>} : memref<4x128x128xf32, #tpu.memory_space<vmem>>, vector<1x1x16xf32>,
        %get3A_1787 = vector.shape_cast %get3A_1786 : vector<1x1x16xf32> to vector<16xf32>
        %swap3A_1788 = arith.index_cast %and3A_934 : i32 to index
        %swap3A_1789 = arith.index_cast %add3A_1739 : i32 to index
        %swap3A_1790 = arith.constant 48 : index
        %swap3A_1791 = tpu.vector_load %arg9[%swap3A_1788, %swap3A_1789, %swap3A_1790] {strides = array<i32>} : memref<2x128x64xf32, #tpu.memory_space<vmem>>, vector<1x1x16xf32>,
        %swap3A_1792 = vector.shape_cast %swap3A_1791 : vector<1x1x16xf32> to vector<16xf32>
        %swap3A_1793 = vector.shape_cast %get3A_1787 : vector<16xf32> to vector<1x1x16xf32>
        tpu.vector_store %arg9[%swap3A_1788, %swap3A_1789, %swap3A_1790], %swap3A_1793 {strides = array<i32>} : memref<2x128x64xf32, #tpu.memory_space<vmem>>, vector<1x1x16xf32>,
        %mul3A_1794 = arith.constant 16 : i32
        %mul3A_1795 = arith.muli %add3A_977, %mul3A_1794 : i32
        %add3A_1796 = arith.constant 14 : i32
        %add3A_1797 = arith.addi %mul3A_1795, %add3A_1796 : i32
        %slice3A_1798 = vector.extract_strided_slice %get3A_983 {offsets = [14], sizes = [1], strides = [1]} : vector<16xi32> to vector<1xi32>
        %squeeze3A_1799 = vector.extract %slice3A_1798[0] : i32 from vector<1xi32>
        %add3A_1800 = arith.constant 0 : i32
        %add3A_1801 = arith.addi %squeeze3A_1799, %add3A_1800 : i32
        %get3A_1802 = arith.index_cast %and3A_932 : i32 to index
        %get3A_1803 = arith.index_cast %add3A_1797 : i32 to index
        %get3A_1804 = arith.index_cast %add3A_1801 : i32 to index
        %get3A_1805 = tpu.vector_load %arg8[%get3A_1802, %get3A_1803, %get3A_1804] {strides = array<i32>} : memref<4x128x128xf32, #tpu.memory_space<vmem>>, vector<1x1x16xf32>,
        %get3A_1806 = vector.shape_cast %get3A_1805 : vector<1x1x16xf32> to vector<16xf32>
        %swap3A_1807 = arith.index_cast %and3A_934 : i32 to index
        %swap3A_1808 = arith.index_cast %add3A_1797 : i32 to index
        %swap3A_1809 = arith.constant 0 : index
        %swap3A_1810 = tpu.vector_load %arg9[%swap3A_1807, %swap3A_1808, %swap3A_1809] {strides = array<i32>} : memref<2x128x64xf32, #tpu.memory_space<vmem>>, vector<1x1x16xf32>,
        %swap3A_1811 = vector.shape_cast %swap3A_1810 : vector<1x1x16xf32> to vector<16xf32>
        %swap3A_1812 = vector.shape_cast %get3A_1806 : vector<16xf32> to vector<1x1x16xf32>
        tpu.vector_store %arg9[%swap3A_1807, %swap3A_1808, %swap3A_1809], %swap3A_1812 {strides = array<i32>} : memref<2x128x64xf32, #tpu.memory_space<vmem>>, vector<1x1x16xf32>,
        %add3A_1813 = arith.constant 16 : i32
        %add3A_1814 = arith.addi %squeeze3A_1799, %add3A_1813 : i32
        %get3A_1815 = arith.index_cast %and3A_932 : i32 to index
        %get3A_1816 = arith.index_cast %add3A_1797 : i32 to index
        %get3A_1817 = arith.index_cast %add3A_1814 : i32 to index
        %get3A_1818 = tpu.vector_load %arg8[%get3A_1815, %get3A_1816, %get3A_1817] {strides = array<i32>} : memref<4x128x128xf32, #tpu.memory_space<vmem>>, vector<1x1x16xf32>,
        %get3A_1819 = vector.shape_cast %get3A_1818 : vector<1x1x16xf32> to vector<16xf32>
        %swap3A_1820 = arith.index_cast %and3A_934 : i32 to index
        %swap3A_1821 = arith.index_cast %add3A_1797 : i32 to index
        %swap3A_1822 = arith.constant 16 : index
        %swap3A_1823 = tpu.vector_load %arg9[%swap3A_1820, %swap3A_1821, %swap3A_1822] {strides = array<i32>} : memref<2x128x64xf32, #tpu.memory_space<vmem>>, vector<1x1x16xf32>,
        %swap3A_1824 = vector.shape_cast %swap3A_1823 : vector<1x1x16xf32> to vector<16xf32>
        %swap3A_1825 = vector.shape_cast %get3A_1819 : vector<16xf32> to vector<1x1x16xf32>
        tpu.vector_store %arg9[%swap3A_1820, %swap3A_1821, %swap3A_1822], %swap3A_1825 {strides = array<i32>} : memref<2x128x64xf32, #tpu.memory_space<vmem>>, vector<1x1x16xf32>,
        %add3A_1826 = arith.constant 32 : i32
        %add3A_1827 = arith.addi %squeeze3A_1799, %add3A_1826 : i32
        %get3A_1828 = arith.index_cast %and3A_932 : i32 to index
        %get3A_1829 = arith.index_cast %add3A_1797 : i32 to index
        %get3A_1830 = arith.index_cast %add3A_1827 : i32 to index
        %get3A_1831 = tpu.vector_load %arg8[%get3A_1828, %get3A_1829, %get3A_1830] {strides = array<i32>} : memref<4x128x128xf32, #tpu.memory_space<vmem>>, vector<1x1x16xf32>,
        %get3A_1832 = vector.shape_cast %get3A_1831 : vector<1x1x16xf32> to vector<16xf32>
        %swap3A_1833 = arith.index_cast %and3A_934 : i32 to index
        %swap3A_1834 = arith.index_cast %add3A_1797 : i32 to index
        %swap3A_1835 = arith.constant 32 : index
        %swap3A_1836 = tpu.vector_load %arg9[%swap3A_1833, %swap3A_1834, %swap3A_1835] {strides = array<i32>} : memref<2x128x64xf32, #tpu.memory_space<vmem>>, vector<1x1x16xf32>,
        %swap3A_1837 = vector.shape_cast %swap3A_1836 : vector<1x1x16xf32> to vector<16xf32>
        %swap3A_1838 = vector.shape_cast %get3A_1832 : vector<16xf32> to vector<1x1x16xf32>
        tpu.vector_store %arg9[%swap3A_1833, %swap3A_1834, %swap3A_1835], %swap3A_1838 {strides = array<i32>} : memref<2x128x64xf32, #tpu.memory_space<vmem>>, vector<1x1x16xf32>,
        %add3A_1839 = arith.constant 48 : i32
        %add3A_1840 = arith.addi %squeeze3A_1799, %add3A_1839 : i32
        %get3A_1841 = arith.index_cast %and3A_932 : i32 to index
        %get3A_1842 = arith.index_cast %add3A_1797 : i32 to index
        %get3A_1843 = arith.index_cast %add3A_1840 : i32 to index
        %get3A_1844 = tpu.vector_load %arg8[%get3A_1841, %get3A_1842, %get3A_1843] {strides = array<i32>} : memref<4x128x128xf32, #tpu.memory_space<vmem>>, vector<1x1x16xf32>,
        %get3A_1845 = vector.shape_cast %get3A_1844 : vector<1x1x16xf32> to vector<16xf32>
        %swap3A_1846 = arith.index_cast %and3A_934 : i32 to index
        %swap3A_1847 = arith.index_cast %add3A_1797 : i32 to index
        %swap3A_1848 = arith.constant 48 : index
        %swap3A_1849 = tpu.vector_load %arg9[%swap3A_1846, %swap3A_1847, %swap3A_1848] {strides = array<i32>} : memref<2x128x64xf32, #tpu.memory_space<vmem>>, vector<1x1x16xf32>,
        %swap3A_1850 = vector.shape_cast %swap3A_1849 : vector<1x1x16xf32> to vector<16xf32>
        %swap3A_1851 = vector.shape_cast %get3A_1845 : vector<16xf32> to vector<1x1x16xf32>
        tpu.vector_store %arg9[%swap3A_1846, %swap3A_1847, %swap3A_1848], %swap3A_1851 {strides = array<i32>} : memref<2x128x64xf32, #tpu.memory_space<vmem>>, vector<1x1x16xf32>,
        %mul3A_1852 = arith.constant 16 : i32
        %mul3A_1853 = arith.muli %add3A_977, %mul3A_1852 : i32
        %add3A_1854 = arith.constant 15 : i32
        %add3A_1855 = arith.addi %mul3A_1853, %add3A_1854 : i32
        %slice3A_1856 = vector.extract_strided_slice %get3A_983 {offsets = [15], sizes = [1], strides = [1]} : vector<16xi32> to vector<1xi32>
        %squeeze3A_1857 = vector.extract %slice3A_1856[0] : i32 from vector<1xi32>
        %add3A_1858 = arith.constant 0 : i32
        %add3A_1859 = arith.addi %squeeze3A_1857, %add3A_1858 : i32
        %get3A_1860 = arith.index_cast %and3A_932 : i32 to index
        %get3A_1861 = arith.index_cast %add3A_1855 : i32 to index
        %get3A_1862 = arith.index_cast %add3A_1859 : i32 to index
        %get3A_1863 = tpu.vector_load %arg8[%get3A_1860, %get3A_1861, %get3A_1862] {strides = array<i32>} : memref<4x128x128xf32, #tpu.memory_space<vmem>>, vector<1x1x16xf32>,
        %get3A_1864 = vector.shape_cast %get3A_1863 : vector<1x1x16xf32> to vector<16xf32>
        %swap3A_1865 = arith.index_cast %and3A_934 : i32 to index
        %swap3A_1866 = arith.index_cast %add3A_1855 : i32 to index
        %swap3A_1867 = arith.constant 0 : index
        %swap3A_1868 = tpu.vector_load %arg9[%swap3A_1865, %swap3A_1866, %swap3A_1867] {strides = array<i32>} : memref<2x128x64xf32, #tpu.memory_space<vmem>>, vector<1x1x16xf32>,
        %swap3A_1869 = vector.shape_cast %swap3A_1868 : vector<1x1x16xf32> to vector<16xf32>
        %swap3A_1870 = vector.shape_cast %get3A_1864 : vector<16xf32> to vector<1x1x16xf32>
        tpu.vector_store %arg9[%swap3A_1865, %swap3A_1866, %swap3A_1867], %swap3A_1870 {strides = array<i32>} : memref<2x128x64xf32, #tpu.memory_space<vmem>>, vector<1x1x16xf32>,
        %add3A_1871 = arith.constant 16 : i32
        %add3A_1872 = arith.addi %squeeze3A_1857, %add3A_1871 : i32
        %get3A_1873 = arith.index_cast %and3A_932 : i32 to index
        %get3A_1874 = arith.index_cast %add3A_1855 : i32 to index
        %get3A_1875 = arith.index_cast %add3A_1872 : i32 to index
        %get3A_1876 = tpu.vector_load %arg8[%get3A_1873, %get3A_1874, %get3A_1875] {strides = array<i32>} : memref<4x128x128xf32, #tpu.memory_space<vmem>>, vector<1x1x16xf32>,
        %get3A_1877 = vector.shape_cast %get3A_1876 : vector<1x1x16xf32> to vector<16xf32>
        %swap3A_1878 = arith.index_cast %and3A_934 : i32 to index
        %swap3A_1879 = arith.index_cast %add3A_1855 : i32 to index
        %swap3A_1880 = arith.constant 16 : index
        %swap3A_1881 = tpu.vector_load %arg9[%swap3A_1878, %swap3A_1879, %swap3A_1880] {strides = array<i32>} : memref<2x128x64xf32, #tpu.memory_space<vmem>>, vector<1x1x16xf32>,
        %swap3A_1882 = vector.shape_cast %swap3A_1881 : vector<1x1x16xf32> to vector<16xf32>
        %swap3A_1883 = vector.shape_cast %get3A_1877 : vector<16xf32> to vector<1x1x16xf32>
        tpu.vector_store %arg9[%swap3A_1878, %swap3A_1879, %swap3A_1880], %swap3A_1883 {strides = array<i32>} : memref<2x128x64xf32, #tpu.memory_space<vmem>>, vector<1x1x16xf32>,
        %add3A_1884 = arith.constant 32 : i32
        %add3A_1885 = arith.addi %squeeze3A_1857, %add3A_1884 : i32
        %get3A_1886 = arith.index_cast %and3A_932 : i32 to index
        %get3A_1887 = arith.index_cast %add3A_1855 : i32 to index
        %get3A_1888 = arith.index_cast %add3A_1885 : i32 to index
        %get3A_1889 = tpu.vector_load %arg8[%get3A_1886, %get3A_1887, %get3A_1888] {strides = array<i32>} : memref<4x128x128xf32, #tpu.memory_space<vmem>>, vector<1x1x16xf32>,
        %get3A_1890 = vector.shape_cast %get3A_1889 : vector<1x1x16xf32> to vector<16xf32>
        %swap3A_1891 = arith.index_cast %and3A_934 : i32 to index
        %swap3A_1892 = arith.index_cast %add3A_1855 : i32 to index
        %swap3A_1893 = arith.constant 32 : index
        %swap3A_1894 = tpu.vector_load %arg9[%swap3A_1891, %swap3A_1892, %swap3A_1893] {strides = array<i32>} : memref<2x128x64xf32, #tpu.memory_space<vmem>>, vector<1x1x16xf32>,
        %swap3A_1895 = vector.shape_cast %swap3A_1894 : vector<1x1x16xf32> to vector<16xf32>
        %swap3A_1896 = vector.shape_cast %get3A_1890 : vector<16xf32> to vector<1x1x16xf32>
        tpu.vector_store %arg9[%swap3A_1891, %swap3A_1892, %swap3A_1893], %swap3A_1896 {strides = array<i32>} : memref<2x128x64xf32, #tpu.memory_space<vmem>>, vector<1x1x16xf32>,
        %add3A_1897 = arith.constant 48 : i32
        %add3A_1898 = arith.addi %squeeze3A_1857, %add3A_1897 : i32
        %get3A_1899 = arith.index_cast %and3A_932 : i32 to index
        %get3A_1900 = arith.index_cast %add3A_1855 : i32 to index
        %get3A_1901 = arith.index_cast %add3A_1898 : i32 to index
        %get3A_1902 = tpu.vector_load %arg8[%get3A_1899, %get3A_1900, %get3A_1901] {strides = array<i32>} : memref<4x128x128xf32, #tpu.memory_space<vmem>>, vector<1x1x16xf32>,
        %get3A_1903 = vector.shape_cast %get3A_1902 : vector<1x1x16xf32> to vector<16xf32>
        %swap3A_1904 = arith.index_cast %and3A_934 : i32 to index
        %swap3A_1905 = arith.index_cast %add3A_1855 : i32 to index
        %swap3A_1906 = arith.constant 48 : index
        %swap3A_1907 = tpu.vector_load %arg9[%swap3A_1904, %swap3A_1905, %swap3A_1906] {strides = array<i32>} : memref<2x128x64xf32, #tpu.memory_space<vmem>>, vector<1x1x16xf32>,
        %swap3A_1908 = vector.shape_cast %swap3A_1907 : vector<1x1x16xf32> to vector<16xf32>
        %swap3A_1909 = vector.shape_cast %get3A_1903 : vector<16xf32> to vector<1x1x16xf32>
        tpu.vector_store %arg9[%swap3A_1904, %swap3A_1905, %swap3A_1906], %swap3A_1909 {strides = array<i32>} : memref<2x128x64xf32, #tpu.memory_space<vmem>>, vector<1x1x16xf32>,
      }
      %scan3A_951 = arith.constant 8 : i32
      %mul3A_952 = arith.constant 128 : i32
      %mul3A_953 = arith.muli %add3A_930, %mul3A_952 : i32
      %add3A_954 = arith.addi %mul3A_2, %mul3A_953 : i32
      %dma_start3A_955 = arith.constant 0 : i32
      %dma_start3A_956 = arith.constant 0 : i32
      %dma_start3A_957 = tpu.memref_slice %arg9[%and3A_934, %dma_start3A_955, %dma_start3A_956] : memref<2x128x64xf32, #tpu.memory_space<vmem>> -> memref<1x128x64xf32, #tpu.memory_space<vmem>>
      %dma_start3A_958 = tpu.memref_squeeze %dma_start3A_957 : memref<1x128x64xf32, #tpu.memory_space<vmem>> -> memref<128x64xf32, #tpu.memory_space<vmem>>
      %dma_start3A_959 = arith.constant 0 : i32
      %dma_start3A_960 = tpu.memref_slice %arg4[%add3A_954, %dma_start3A_959] : memref<327680x64xf32, #tpu.memory_space<hbm>> -> memref<128x64xf32, #tpu.memory_space<hbm>>
      %dma_start3A_961 = arith.constant 0 : i32
      %dma_start3A_962 = tpu.memref_slice %arg4[%add3A_954, %dma_start3A_961] : memref<327680x64xf32, #tpu.memory_space<hbm>> -> memref<128x64xf32, #tpu.memory_space<hbm>>
      %dma_start3A_963 = arith.constant 0 : i32
      %dma_start3A_964 = arith.constant 0 : i32
      %dma_start3A_965 = tpu.memref_slice %arg9[%and3A_934, %dma_start3A_963, %dma_start3A_964] : memref<2x128x64xf32, #tpu.memory_space<vmem>> -> memref<1x128x64xf32, #tpu.memory_space<vmem>>
      %dma_start3A_966 = tpu.memref_squeeze %dma_start3A_965 : memref<1x128x64xf32, #tpu.memory_space<vmem>> -> memref<128x64xf32, #tpu.memory_space<vmem>>
      tpu.enqueue_dma source(%dma_start3A_966 : memref<128x64xf32, #tpu.memory_space<vmem>>) target(%dma_start3A_962 : memref<128x64xf32, #tpu.memory_space<hbm>>) target_semaphore(%arg11 : memref<!tpu.dma_semaphore, #tpu.memory_space<semaphore_mem>>)
      %add3A_967 = arith.constant 3 : i32
      %add3A_968 = arith.addi %add3A_930, %add3A_967 : i32
      %lt3A = arith.constant 80 : i32
      %lt3A_969 = arith.cmpi slt, %add3A_968, %lt3A : i32
      %convert_element_type3A_970 = arith.extui %lt3A_969 : i1 to i32
      %cond3A_971 = arith.constant 0 : i32
      %cond3A_972 = arith.cmpi ne, %convert_element_type3A_970, %cond3A_971 : i32
      scf.if %cond3A_972 {
        %add3A_973 = arith.constant 3 : i32
        %add3A_974 = arith.addi %add3A_930, %add3A_973 : i32
        %add3A_975 = arith.constant 3 : i32
        %add3A_976 = arith.addi %add3A_930, %add3A_975 : i32
        %and3A_977 = arith.constant 3 : i32
        %and3A_978 = arith.andi %add3A_976, %and3A_977 : i32
        %get3A_979 = arith.index_cast %add3A_974 : i32 to index
        %get3A_980 = arith.constant 0 : index
        %get3A_981 = tpu.vector_load %arg5[%get3A_979, %get3A_980] {strides = array<i32>} : memref<80x128xi32, #tpu.memory_space<vmem>>, vector<1x16xi32>,
        %get3A_982 = vector.shape_cast %get3A_981 : vector<1x16xi32> to vector<16xi32>
        %shift_right_logical3A_983 = arith.constant 14 : i32
        %shift_right_logical3A_984 = vector.broadcast %shift_right_logical3A_983 : i32 to vector<16xi32>
        %shift_right_logical3A_985 = arith.shrui %get3A_982, %shift_right_logical3A_984 : vector<16xi32>
        %shift_left3A_986 = arith.constant 13 : i32
        %shift_left3A_987 = vector.broadcast %shift_left3A_986 : i32 to vector<16xi32>
        %shift_left3A_988 = arith.shli %shift_right_logical3A_985, %shift_left3A_987 : vector<16xi32>
        %and3A_989 = arith.constant 8191 : i32
        %and3A_990 = vector.broadcast %and3A_989 : i32 to vector<16xi32>
        %and3A_991 = arith.andi %get3A_982, %and3A_990 : vector<16xi32>
        %add3A_992 = arith.addi %shift_left3A_988, %and3A_991 : vector<16xi32>
        %swap3A_993 = arith.index_cast %and3A_978 : i32 to index
        %swap3A_994 = arith.constant 0 : index
        %swap3A_995 = tpu.vector_load %arg6[%swap3A_993, %swap3A_994] {strides = array<i32>} : memref<4x128xi32, #tpu.memory_space<vmem>>, vector<1x16xi32>,
        %swap3A_996 = vector.shape_cast %swap3A_995 : vector<1x16xi32> to vector<16xi32>
        %swap3A_997 = vector.shape_cast %add3A_992 : vector<16xi32> to vector<1x16xi32>
        tpu.vector_store %arg6[%swap3A_993, %swap3A_994], %swap3A_997 {strides = array<i32>} : memref<4x128xi32, #tpu.memory_space<vmem>>, vector<1x16xi32>,
        %shift_right_logical3A_998 = arith.constant 13 : i32
        %shift_right_logical3A_999 = vector.broadcast %shift_right_logical3A_998 : i32 to vector<16xi32>
        %shift_right_logical3A_1000 = arith.shrui %get3A_982, %shift_right_logical3A_999 : vector<16xi32>
        %and3A_1001 = arith.constant 1 : i32
        %and3A_1002 = vector.broadcast %and3A_1001 : i32 to vector<16xi32>
        %and3A_1003 = arith.andi %shift_right_logical3A_1000, %and3A_1002 : vector<16xi32>
        %shift_left3A_1004 = arith.constant 6 : i32
        %shift_left3A_1005 = vector.broadcast %shift_left3A_1004 : i32 to vector<16xi32>
        %shift_left3A_1006 = arith.shli %and3A_1003, %shift_left3A_1005 : vector<16xi32>
        %swap3A_1007 = arith.index_cast %and3A_978 : i32 to index
        %swap3A_1008 = arith.constant 0 : index
        %swap3A_1009 = tpu.vector_load %arg7[%swap3A_1007, %swap3A_1008] {strides = array<i32>} : memref<4x128xi32, #tpu.memory_space<vmem>>, vector<1x16xi32>,
        %swap3A_1010 = vector.shape_cast %swap3A_1009 : vector<1x16xi32> to vector<16xi32>
        %swap3A_1011 = vector.shape_cast %shift_left3A_1006 : vector<16xi32> to vector<1x16xi32>
        tpu.vector_store %arg7[%swap3A_1007, %swap3A_1008], %swap3A_1011 {strides = array<i32>} : memref<4x128xi32, #tpu.memory_space<vmem>>, vector<1x16xi32>,
        %get3A_1012 = arith.index_cast %add3A_974 : i32 to index
        %get3A_1013 = arith.constant 16 : index
        %get3A_1014 = tpu.vector_load %arg5[%get3A_1012, %get3A_1013] {strides = array<i32>} : memref<80x128xi32, #tpu.memory_space<vmem>>, vector<1x16xi32>,
        %get3A_1015 = vector.shape_cast %get3A_1014 : vector<1x16xi32> to vector<16xi32>
        %shift_right_logical3A_1016 = arith.constant 14 : i32
        %shift_right_logical3A_1017 = vector.broadcast %shift_right_logical3A_1016 : i32 to vector<16xi32>
        %shift_right_logical3A_1018 = arith.shrui %get3A_1015, %shift_right_logical3A_1017 : vector<16xi32>
        %shift_left3A_1019 = arith.constant 13 : i32
        %shift_left3A_1020 = vector.broadcast %shift_left3A_1019 : i32 to vector<16xi32>
        %shift_left3A_1021 = arith.shli %shift_right_logical3A_1018, %shift_left3A_1020 : vector<16xi32>
        %and3A_1022 = arith.constant 8191 : i32
        %and3A_1023 = vector.broadcast %and3A_1022 : i32 to vector<16xi32>
        %and3A_1024 = arith.andi %get3A_1015, %and3A_1023 : vector<16xi32>
        %add3A_1025 = arith.addi %shift_left3A_1021, %and3A_1024 : vector<16xi32>
        %swap3A_1026 = arith.index_cast %and3A_978 : i32 to index
        %swap3A_1027 = arith.constant 16 : index
        %swap3A_1028 = tpu.vector_load %arg6[%swap3A_1026, %swap3A_1027] {strides = array<i32>} : memref<4x128xi32, #tpu.memory_space<vmem>>, vector<1x16xi32>,
        %swap3A_1029 = vector.shape_cast %swap3A_1028 : vector<1x16xi32> to vector<16xi32>
        %swap3A_1030 = vector.shape_cast %add3A_1025 : vector<16xi32> to vector<1x16xi32>
        tpu.vector_store %arg6[%swap3A_1026, %swap3A_1027], %swap3A_1030 {strides = array<i32>} : memref<4x128xi32, #tpu.memory_space<vmem>>, vector<1x16xi32>,
        %shift_right_logical3A_1031 = arith.constant 13 : i32
        %shift_right_logical3A_1032 = vector.broadcast %shift_right_logical3A_1031 : i32 to vector<16xi32>
        %shift_right_logical3A_1033 = arith.shrui %get3A_1015, %shift_right_logical3A_1032 : vector<16xi32>
        %and3A_1034 = arith.constant 1 : i32
        %and3A_1035 = vector.broadcast %and3A_1034 : i32 to vector<16xi32>
        %and3A_1036 = arith.andi %shift_right_logical3A_1033, %and3A_1035 : vector<16xi32>
        %shift_left3A_1037 = arith.constant 6 : i32
        %shift_left3A_1038 = vector.broadcast %shift_left3A_1037 : i32 to vector<16xi32>
        %shift_left3A_1039 = arith.shli %and3A_1036, %shift_left3A_1038 : vector<16xi32>
        %swap3A_1040 = arith.index_cast %and3A_978 : i32 to index
        %swap3A_1041 = arith.constant 16 : index
        %swap3A_1042 = tpu.vector_load %arg7[%swap3A_1040, %swap3A_1041] {strides = array<i32>} : memref<4x128xi32, #tpu.memory_space<vmem>>, vector<1x16xi32>,
        %swap3A_1043 = vector.shape_cast %swap3A_1042 : vector<1x16xi32> to vector<16xi32>
        %swap3A_1044 = vector.shape_cast %shift_left3A_1039 : vector<16xi32> to vector<1x16xi32>
        tpu.vector_store %arg7[%swap3A_1040, %swap3A_1041], %swap3A_1044 {strides = array<i32>} : memref<4x128xi32, #tpu.memory_space<vmem>>, vector<1x16xi32>,
        %get3A_1045 = arith.index_cast %add3A_974 : i32 to index
        %get3A_1046 = arith.constant 32 : index
        %get3A_1047 = tpu.vector_load %arg5[%get3A_1045, %get3A_1046] {strides = array<i32>} : memref<80x128xi32, #tpu.memory_space<vmem>>, vector<1x16xi32>,
        %get3A_1048 = vector.shape_cast %get3A_1047 : vector<1x16xi32> to vector<16xi32>
        %shift_right_logical3A_1049 = arith.constant 14 : i32
        %shift_right_logical3A_1050 = vector.broadcast %shift_right_logical3A_1049 : i32 to vector<16xi32>
        %shift_right_logical3A_1051 = arith.shrui %get3A_1048, %shift_right_logical3A_1050 : vector<16xi32>
        %shift_left3A_1052 = arith.constant 13 : i32
        %shift_left3A_1053 = vector.broadcast %shift_left3A_1052 : i32 to vector<16xi32>
        %shift_left3A_1054 = arith.shli %shift_right_logical3A_1051, %shift_left3A_1053 : vector<16xi32>
        %and3A_1055 = arith.constant 8191 : i32
        %and3A_1056 = vector.broadcast %and3A_1055 : i32 to vector<16xi32>
        %and3A_1057 = arith.andi %get3A_1048, %and3A_1056 : vector<16xi32>
        %add3A_1058 = arith.addi %shift_left3A_1054, %and3A_1057 : vector<16xi32>
        %swap3A_1059 = arith.index_cast %and3A_978 : i32 to index
        %swap3A_1060 = arith.constant 32 : index
        %swap3A_1061 = tpu.vector_load %arg6[%swap3A_1059, %swap3A_1060] {strides = array<i32>} : memref<4x128xi32, #tpu.memory_space<vmem>>, vector<1x16xi32>,
        %swap3A_1062 = vector.shape_cast %swap3A_1061 : vector<1x16xi32> to vector<16xi32>
        %swap3A_1063 = vector.shape_cast %add3A_1058 : vector<16xi32> to vector<1x16xi32>
        tpu.vector_store %arg6[%swap3A_1059, %swap3A_1060], %swap3A_1063 {strides = array<i32>} : memref<4x128xi32, #tpu.memory_space<vmem>>, vector<1x16xi32>,
        %shift_right_logical3A_1064 = arith.constant 13 : i32
        %shift_right_logical3A_1065 = vector.broadcast %shift_right_logical3A_1064 : i32 to vector<16xi32>
        %shift_right_logical3A_1066 = arith.shrui %get3A_1048, %shift_right_logical3A_1065 : vector<16xi32>
        %and3A_1067 = arith.constant 1 : i32
        %and3A_1068 = vector.broadcast %and3A_1067 : i32 to vector<16xi32>
        %and3A_1069 = arith.andi %shift_right_logical3A_1066, %and3A_1068 : vector<16xi32>
        %shift_left3A_1070 = arith.constant 6 : i32
        %shift_left3A_1071 = vector.broadcast %shift_left3A_1070 : i32 to vector<16xi32>
        %shift_left3A_1072 = arith.shli %and3A_1069, %shift_left3A_1071 : vector<16xi32>
        %swap3A_1073 = arith.index_cast %and3A_978 : i32 to index
        %swap3A_1074 = arith.constant 32 : index
        %swap3A_1075 = tpu.vector_load %arg7[%swap3A_1073, %swap3A_1074] {strides = array<i32>} : memref<4x128xi32, #tpu.memory_space<vmem>>, vector<1x16xi32>,
        %swap3A_1076 = vector.shape_cast %swap3A_1075 : vector<1x16xi32> to vector<16xi32>
        %swap3A_1077 = vector.shape_cast %shift_left3A_1072 : vector<16xi32> to vector<1x16xi32>
        tpu.vector_store %arg7[%swap3A_1073, %swap3A_1074], %swap3A_1077 {strides = array<i32>} : memref<4x128xi32, #tpu.memory_space<vmem>>, vector<1x16xi32>,
        %get3A_1078 = arith.index_cast %add3A_974 : i32 to index
        %get3A_1079 = arith.constant 48 : index
        %get3A_1080 = tpu.vector_load %arg5[%get3A_1078, %get3A_1079] {strides = array<i32>} : memref<80x128xi32, #tpu.memory_space<vmem>>, vector<1x16xi32>,
        %get3A_1081 = vector.shape_cast %get3A_1080 : vector<1x16xi32> to vector<16xi32>
        %shift_right_logical3A_1082 = arith.constant 14 : i32
        %shift_right_logical3A_1083 = vector.broadcast %shift_right_logical3A_1082 : i32 to vector<16xi32>
        %shift_right_logical3A_1084 = arith.shrui %get3A_1081, %shift_right_logical3A_1083 : vector<16xi32>
        %shift_left3A_1085 = arith.constant 13 : i32
        %shift_left3A_1086 = vector.broadcast %shift_left3A_1085 : i32 to vector<16xi32>
        %shift_left3A_1087 = arith.shli %shift_right_logical3A_1084, %shift_left3A_1086 : vector<16xi32>
        %and3A_1088 = arith.constant 8191 : i32
        %and3A_1089 = vector.broadcast %and3A_1088 : i32 to vector<16xi32>
        %and3A_1090 = arith.andi %get3A_1081, %and3A_1089 : vector<16xi32>
        %add3A_1091 = arith.addi %shift_left3A_1087, %and3A_1090 : vector<16xi32>
        %swap3A_1092 = arith.index_cast %and3A_978 : i32 to index
        %swap3A_1093 = arith.constant 48 : index
        %swap3A_1094 = tpu.vector_load %arg6[%swap3A_1092, %swap3A_1093] {strides = array<i32>} : memref<4x128xi32, #tpu.memory_space<vmem>>, vector<1x16xi32>,
        %swap3A_1095 = vector.shape_cast %swap3A_1094 : vector<1x16xi32> to vector<16xi32>
        %swap3A_1096 = vector.shape_cast %add3A_1091 : vector<16xi32> to vector<1x16xi32>
        tpu.vector_store %arg6[%swap3A_1092, %swap3A_1093], %swap3A_1096 {strides = array<i32>} : memref<4x128xi32, #tpu.memory_space<vmem>>, vector<1x16xi32>,
        %shift_right_logical3A_1097 = arith.constant 13 : i32
        %shift_right_logical3A_1098 = vector.broadcast %shift_right_logical3A_1097 : i32 to vector<16xi32>
        %shift_right_logical3A_1099 = arith.shrui %get3A_1081, %shift_right_logical3A_1098 : vector<16xi32>
        %and3A_1100 = arith.constant 1 : i32
        %and3A_1101 = vector.broadcast %and3A_1100 : i32 to vector<16xi32>
        %and3A_1102 = arith.andi %shift_right_logical3A_1099, %and3A_1101 : vector<16xi32>
        %shift_left3A_1103 = arith.constant 6 : i32
        %shift_left3A_1104 = vector.broadcast %shift_left3A_1103 : i32 to vector<16xi32>
        %shift_left3A_1105 = arith.shli %and3A_1102, %shift_left3A_1104 : vector<16xi32>
        %swap3A_1106 = arith.index_cast %and3A_978 : i32 to index
        %swap3A_1107 = arith.constant 48 : index
        %swap3A_1108 = tpu.vector_load %arg7[%swap3A_1106, %swap3A_1107] {strides = array<i32>} : memref<4x128xi32, #tpu.memory_space<vmem>>, vector<1x16xi32>,
        %swap3A_1109 = vector.shape_cast %swap3A_1108 : vector<1x16xi32> to vector<16xi32>
        %swap3A_1110 = vector.shape_cast %shift_left3A_1105 : vector<16xi32> to vector<1x16xi32>
        tpu.vector_store %arg7[%swap3A_1106, %swap3A_1107], %swap3A_1110 {strides = array<i32>} : memref<4x128xi32, #tpu.memory_space<vmem>>, vector<1x16xi32>,
        %get3A_1111 = arith.index_cast %add3A_974 : i32 to index
        %get3A_1112 = arith.constant 64 : index
        %get3A_1113 = tpu.vector_load %arg5[%get3A_1111, %get3A_1112] {strides = array<i32>} : memref<80x128xi32, #tpu.memory_space<vmem>>, vector<1x16xi32>,
        %get3A_1114 = vector.shape_cast %get3A_1113 : vector<1x16xi32> to vector<16xi32>
        %shift_right_logical3A_1115 = arith.constant 14 : i32
        %shift_right_logical3A_1116 = vector.broadcast %shift_right_logical3A_1115 : i32 to vector<16xi32>
        %shift_right_logical3A_1117 = arith.shrui %get3A_1114, %shift_right_logical3A_1116 : vector<16xi32>
        %shift_left3A_1118 = arith.constant 13 : i32
        %shift_left3A_1119 = vector.broadcast %shift_left3A_1118 : i32 to vector<16xi32>
        %shift_left3A_1120 = arith.shli %shift_right_logical3A_1117, %shift_left3A_1119 : vector<16xi32>
        %and3A_1121 = arith.constant 8191 : i32
        %and3A_1122 = vector.broadcast %and3A_1121 : i32 to vector<16xi32>
        %and3A_1123 = arith.andi %get3A_1114, %and3A_1122 : vector<16xi32>
        %add3A_1124 = arith.addi %shift_left3A_1120, %and3A_1123 : vector<16xi32>
        %swap3A_1125 = arith.index_cast %and3A_978 : i32 to index
        %swap3A_1126 = arith.constant 64 : index
        %swap3A_1127 = tpu.vector_load %arg6[%swap3A_1125, %swap3A_1126] {strides = array<i32>} : memref<4x128xi32, #tpu.memory_space<vmem>>, vector<1x16xi32>,
        %swap3A_1128 = vector.shape_cast %swap3A_1127 : vector<1x16xi32> to vector<16xi32>
        %swap3A_1129 = vector.shape_cast %add3A_1124 : vector<16xi32> to vector<1x16xi32>
        tpu.vector_store %arg6[%swap3A_1125, %swap3A_1126], %swap3A_1129 {strides = array<i32>} : memref<4x128xi32, #tpu.memory_space<vmem>>, vector<1x16xi32>,
        %shift_right_logical3A_1130 = arith.constant 13 : i32
        %shift_right_logical3A_1131 = vector.broadcast %shift_right_logical3A_1130 : i32 to vector<16xi32>
        %shift_right_logical3A_1132 = arith.shrui %get3A_1114, %shift_right_logical3A_1131 : vector<16xi32>
        %and3A_1133 = arith.constant 1 : i32
        %and3A_1134 = vector.broadcast %and3A_1133 : i32 to vector<16xi32>
        %and3A_1135 = arith.andi %shift_right_logical3A_1132, %and3A_1134 : vector<16xi32>
        %shift_left3A_1136 = arith.constant 6 : i32
        %shift_left3A_1137 = vector.broadcast %shift_left3A_1136 : i32 to vector<16xi32>
        %shift_left3A_1138 = arith.shli %and3A_1135, %shift_left3A_1137 : vector<16xi32>
        %swap3A_1139 = arith.index_cast %and3A_978 : i32 to index
        %swap3A_1140 = arith.constant 64 : index
        %swap3A_1141 = tpu.vector_load %arg7[%swap3A_1139, %swap3A_1140] {strides = array<i32>} : memref<4x128xi32, #tpu.memory_space<vmem>>, vector<1x16xi32>,
        %swap3A_1142 = vector.shape_cast %swap3A_1141 : vector<1x16xi32> to vector<16xi32>
        %swap3A_1143 = vector.shape_cast %shift_left3A_1138 : vector<16xi32> to vector<1x16xi32>
        tpu.vector_store %arg7[%swap3A_1139, %swap3A_1140], %swap3A_1143 {strides = array<i32>} : memref<4x128xi32, #tpu.memory_space<vmem>>, vector<1x16xi32>,
        %get3A_1144 = arith.index_cast %add3A_974 : i32 to index
        %get3A_1145 = arith.constant 80 : index
        %get3A_1146 = tpu.vector_load %arg5[%get3A_1144, %get3A_1145] {strides = array<i32>} : memref<80x128xi32, #tpu.memory_space<vmem>>, vector<1x16xi32>,
        %get3A_1147 = vector.shape_cast %get3A_1146 : vector<1x16xi32> to vector<16xi32>
        %shift_right_logical3A_1148 = arith.constant 14 : i32
        %shift_right_logical3A_1149 = vector.broadcast %shift_right_logical3A_1148 : i32 to vector<16xi32>
        %shift_right_logical3A_1150 = arith.shrui %get3A_1147, %shift_right_logical3A_1149 : vector<16xi32>
        %shift_left3A_1151 = arith.constant 13 : i32
        %shift_left3A_1152 = vector.broadcast %shift_left3A_1151 : i32 to vector<16xi32>
        %shift_left3A_1153 = arith.shli %shift_right_logical3A_1150, %shift_left3A_1152 : vector<16xi32>
        %and3A_1154 = arith.constant 8191 : i32
        %and3A_1155 = vector.broadcast %and3A_1154 : i32 to vector<16xi32>
        %and3A_1156 = arith.andi %get3A_1147, %and3A_1155 : vector<16xi32>
        %add3A_1157 = arith.addi %shift_left3A_1153, %and3A_1156 : vector<16xi32>
        %swap3A_1158 = arith.index_cast %and3A_978 : i32 to index
        %swap3A_1159 = arith.constant 80 : index
        %swap3A_1160 = tpu.vector_load %arg6[%swap3A_1158, %swap3A_1159] {strides = array<i32>} : memref<4x128xi32, #tpu.memory_space<vmem>>, vector<1x16xi32>,
        %swap3A_1161 = vector.shape_cast %swap3A_1160 : vector<1x16xi32> to vector<16xi32>
        %swap3A_1162 = vector.shape_cast %add3A_1157 : vector<16xi32> to vector<1x16xi32>
        tpu.vector_store %arg6[%swap3A_1158, %swap3A_1159], %swap3A_1162 {strides = array<i32>} : memref<4x128xi32, #tpu.memory_space<vmem>>, vector<1x16xi32>,
        %shift_right_logical3A_1163 = arith.constant 13 : i32
        %shift_right_logical3A_1164 = vector.broadcast %shift_right_logical3A_1163 : i32 to vector<16xi32>
        %shift_right_logical3A_1165 = arith.shrui %get3A_1147, %shift_right_logical3A_1164 : vector<16xi32>
        %and3A_1166 = arith.constant 1 : i32
        %and3A_1167 = vector.broadcast %and3A_1166 : i32 to vector<16xi32>
        %and3A_1168 = arith.andi %shift_right_logical3A_1165, %and3A_1167 : vector<16xi32>
        %shift_left3A_1169 = arith.constant 6 : i32
        %shift_left3A_1170 = vector.broadcast %shift_left3A_1169 : i32 to vector<16xi32>
        %shift_left3A_1171 = arith.shli %and3A_1168, %shift_left3A_1170 : vector<16xi32>
        %swap3A_1172 = arith.index_cast %and3A_978 : i32 to index
        %swap3A_1173 = arith.constant 80 : index
        %swap3A_1174 = tpu.vector_load %arg7[%swap3A_1172, %swap3A_1173] {strides = array<i32>} : memref<4x128xi32, #tpu.memory_space<vmem>>, vector<1x16xi32>,
        %swap3A_1175 = vector.shape_cast %swap3A_1174 : vector<1x16xi32> to vector<16xi32>
        %swap3A_1176 = vector.shape_cast %shift_left3A_1171 : vector<16xi32> to vector<1x16xi32>
        tpu.vector_store %arg7[%swap3A_1172, %swap3A_1173], %swap3A_1176 {strides = array<i32>} : memref<4x128xi32, #tpu.memory_space<vmem>>, vector<1x16xi32>,
        %get3A_1177 = arith.index_cast %add3A_974 : i32 to index
        %get3A_1178 = arith.constant 96 : index
        %get3A_1179 = tpu.vector_load %arg5[%get3A_1177, %get3A_1178] {strides = array<i32>} : memref<80x128xi32, #tpu.memory_space<vmem>>, vector<1x16xi32>,
        %get3A_1180 = vector.shape_cast %get3A_1179 : vector<1x16xi32> to vector<16xi32>
        %shift_right_logical3A_1181 = arith.constant 14 : i32
        %shift_right_logical3A_1182 = vector.broadcast %shift_right_logical3A_1181 : i32 to vector<16xi32>
        %shift_right_logical3A_1183 = arith.shrui %get3A_1180, %shift_right_logical3A_1182 : vector<16xi32>
        %shift_left3A_1184 = arith.constant 13 : i32
        %shift_left3A_1185 = vector.broadcast %shift_left3A_1184 : i32 to vector<16xi32>
        %shift_left3A_1186 = arith.shli %shift_right_logical3A_1183, %shift_left3A_1185 : vector<16xi32>
        %and3A_1187 = arith.constant 8191 : i32
        %and3A_1188 = vector.broadcast %and3A_1187 : i32 to vector<16xi32>
        %and3A_1189 = arith.andi %get3A_1180, %and3A_1188 : vector<16xi32>
        %add3A_1190 = arith.addi %shift_left3A_1186, %and3A_1189 : vector<16xi32>
        %swap3A_1191 = arith.index_cast %and3A_978 : i32 to index
        %swap3A_1192 = arith.constant 96 : index
        %swap3A_1193 = tpu.vector_load %arg6[%swap3A_1191, %swap3A_1192] {strides = array<i32>} : memref<4x128xi32, #tpu.memory_space<vmem>>, vector<1x16xi32>,
        %swap3A_1194 = vector.shape_cast %swap3A_1193 : vector<1x16xi32> to vector<16xi32>
        %swap3A_1195 = vector.shape_cast %add3A_1190 : vector<16xi32> to vector<1x16xi32>
        tpu.vector_store %arg6[%swap3A_1191, %swap3A_1192], %swap3A_1195 {strides = array<i32>} : memref<4x128xi32, #tpu.memory_space<vmem>>, vector<1x16xi32>,
        %shift_right_logical3A_1196 = arith.constant 13 : i32
        %shift_right_logical3A_1197 = vector.broadcast %shift_right_logical3A_1196 : i32 to vector<16xi32>
        %shift_right_logical3A_1198 = arith.shrui %get3A_1180, %shift_right_logical3A_1197 : vector<16xi32>
        %and3A_1199 = arith.constant 1 : i32
        %and3A_1200 = vector.broadcast %and3A_1199 : i32 to vector<16xi32>
        %and3A_1201 = arith.andi %shift_right_logical3A_1198, %and3A_1200 : vector<16xi32>
        %shift_left3A_1202 = arith.constant 6 : i32
        %shift_left3A_1203 = vector.broadcast %shift_left3A_1202 : i32 to vector<16xi32>
        %shift_left3A_1204 = arith.shli %and3A_1201, %shift_left3A_1203 : vector<16xi32>
        %swap3A_1205 = arith.index_cast %and3A_978 : i32 to index
        %swap3A_1206 = arith.constant 96 : index
        %swap3A_1207 = tpu.vector_load %arg7[%swap3A_1205, %swap3A_1206] {strides = array<i32>} : memref<4x128xi32, #tpu.memory_space<vmem>>, vector<1x16xi32>,
        %swap3A_1208 = vector.shape_cast %swap3A_1207 : vector<1x16xi32> to vector<16xi32>
        %swap3A_1209 = vector.shape_cast %shift_left3A_1204 : vector<16xi32> to vector<1x16xi32>
        tpu.vector_store %arg7[%swap3A_1205, %swap3A_1206], %swap3A_1209 {strides = array<i32>} : memref<4x128xi32, #tpu.memory_space<vmem>>, vector<1x16xi32>,
        %get3A_1210 = arith.index_cast %add3A_974 : i32 to index
        %get3A_1211 = arith.constant 112 : index
        %get3A_1212 = tpu.vector_load %arg5[%get3A_1210, %get3A_1211] {strides = array<i32>} : memref<80x128xi32, #tpu.memory_space<vmem>>, vector<1x16xi32>,
        %get3A_1213 = vector.shape_cast %get3A_1212 : vector<1x16xi32> to vector<16xi32>
        %shift_right_logical3A_1214 = arith.constant 14 : i32
        %shift_right_logical3A_1215 = vector.broadcast %shift_right_logical3A_1214 : i32 to vector<16xi32>
        %shift_right_logical3A_1216 = arith.shrui %get3A_1213, %shift_right_logical3A_1215 : vector<16xi32>
        %shift_left3A_1217 = arith.constant 13 : i32
        %shift_left3A_1218 = vector.broadcast %shift_left3A_1217 : i32 to vector<16xi32>
        %shift_left3A_1219 = arith.shli %shift_right_logical3A_1216, %shift_left3A_1218 : vector<16xi32>
        %and3A_1220 = arith.constant 8191 : i32
        %and3A_1221 = vector.broadcast %and3A_1220 : i32 to vector<16xi32>
        %and3A_1222 = arith.andi %get3A_1213, %and3A_1221 : vector<16xi32>
        %add3A_1223 = arith.addi %shift_left3A_1219, %and3A_1222 : vector<16xi32>
        %swap3A_1224 = arith.index_cast %and3A_978 : i32 to index
        %swap3A_1225 = arith.constant 112 : index
        %swap3A_1226 = tpu.vector_load %arg6[%swap3A_1224, %swap3A_1225] {strides = array<i32>} : memref<4x128xi32, #tpu.memory_space<vmem>>, vector<1x16xi32>,
        %swap3A_1227 = vector.shape_cast %swap3A_1226 : vector<1x16xi32> to vector<16xi32>
        %swap3A_1228 = vector.shape_cast %add3A_1223 : vector<16xi32> to vector<1x16xi32>
        tpu.vector_store %arg6[%swap3A_1224, %swap3A_1225], %swap3A_1228 {strides = array<i32>} : memref<4x128xi32, #tpu.memory_space<vmem>>, vector<1x16xi32>,
        %shift_right_logical3A_1229 = arith.constant 13 : i32
        %shift_right_logical3A_1230 = vector.broadcast %shift_right_logical3A_1229 : i32 to vector<16xi32>
        %shift_right_logical3A_1231 = arith.shrui %get3A_1213, %shift_right_logical3A_1230 : vector<16xi32>
        %and3A_1232 = arith.constant 1 : i32
        %and3A_1233 = vector.broadcast %and3A_1232 : i32 to vector<16xi32>
        %and3A_1234 = arith.andi %shift_right_logical3A_1231, %and3A_1233 : vector<16xi32>
        %shift_left3A_1235 = arith.constant 6 : i32
        %shift_left3A_1236 = vector.broadcast %shift_left3A_1235 : i32 to vector<16xi32>
        %shift_left3A_1237 = arith.shli %and3A_1234, %shift_left3A_1236 : vector<16xi32>
        %swap3A_1238 = arith.index_cast %and3A_978 : i32 to index
        %swap3A_1239 = arith.constant 112 : index
        %swap3A_1240 = tpu.vector_load %arg7[%swap3A_1238, %swap3A_1239] {strides = array<i32>} : memref<4x128xi32, #tpu.memory_space<vmem>>, vector<1x16xi32>,
        %swap3A_1241 = vector.shape_cast %swap3A_1240 : vector<1x16xi32> to vector<16xi32>
        %swap3A_1242 = vector.shape_cast %shift_left3A_1237 : vector<16xi32> to vector<1x16xi32>
        tpu.vector_store %arg7[%swap3A_1238, %swap3A_1239], %swap3A_1242 {strides = array<i32>} : memref<4x128xi32, #tpu.memory_space<vmem>>, vector<1x16xi32>,
        %add3A_1243 = arith.constant 3 : i32
        %add3A_1244 = arith.addi %add3A_930, %add3A_1243 : i32
        %and3A_1245 = arith.constant 3 : i32
        %and3A_1246 = arith.andi %add3A_1244, %and3A_1245 : i32
        %dma_start3A_1247 = arith.constant 0 : i32
        %dma_start3A_1248 = arith.constant 0 : i32
        %dma_start3A_1249 = tpu.memref_slice %arg8[%and3A_1246, %dma_start3A_1247, %dma_start3A_1248] : memref<4x128x128xf32, #tpu.memory_space<vmem>> -> memref<1x128x128xf32, #tpu.memory_space<vmem>>
        %dma_start3A_1250 = tpu.memref_squeeze %dma_start3A_1249 : memref<1x128x128xf32, #tpu.memory_space<vmem>> -> memref<128x128xf32, #tpu.memory_space<vmem>>
        %dma_start3A_1251 = arith.constant 0 : i32
        %dma_start3A_1252 = tpu.memref_slice %arg6[%and3A_1246, %dma_start3A_1251] : memref<4x128xi32, #tpu.memory_space<vmem>> -> memref<1x128xi32, #tpu.memory_space<vmem>>
        %dma_start3A_1253 = tpu.memref_squeeze %dma_start3A_1252 : memref<1x128xi32, #tpu.memory_space<vmem>> -> memref<128xi32, #tpu.memory_space<vmem>>
        %dma_start3A_1254 = arith.constant 0 : i32
        %dma_start3A_1255 = arith.constant 0 : i32
        %dma_start3A_1256 = tpu.memref_slice %arg2[%dma_start3A_1254, %dma_start3A_1255] : memref<507904x128xf32, #tpu.memory_space<hbm>> -> memref<507904x128xf32, #tpu.memory_space<hbm>>
        tpu.enqueue_indirect_dma source(%dma_start3A_1256 : memref<507904x128xf32, #tpu.memory_space<hbm>>) target(%dma_start3A_1250 : memref<128x128xf32, #tpu.memory_space<vmem>>) offsets(%dma_start3A_1253 : memref<128xi32, #tpu.memory_space<vmem>>) semaphore(%arg10 : memref<!tpu.dma_semaphore, #tpu.memory_space<semaphore_mem>>)
      } else {
      }
    }
    %scan3A_900 = arith.constant 80 : i32
    %dma_wait3A = arith.constant 0 : i32
    %dma_wait3A_901 = arith.constant 0 : i32
    %dma_wait3A_902 = arith.constant 0 : i32
    %dma_wait3A_903 = tpu.memref_slice %arg9[%dma_wait3A, %dma_wait3A_901, %dma_wait3A_902] : memref<2x128x64xf32, #tpu.memory_space<vmem>> -> memref<1x128x64xf32, #tpu.memory_space<vmem>>
    %dma_wait3A_904 = tpu.memref_squeeze %dma_wait3A_903 : memref<1x128x64xf32, #tpu.memory_space<vmem>> -> memref<128x64xf32, #tpu.memory_space<vmem>>
    %dma_wait3A_905 = arith.constant 0 : i32
    %dma_wait3A_906 = tpu.memref_slice %arg4[%mul3A_2, %dma_wait3A_905] : memref<327680x64xf32, #tpu.memory_space<hbm>> -> memref<128x64xf32, #tpu.memory_space<hbm>>
    %dma_wait3A_907 = arith.constant 0 : i32
    %dma_wait3A_908 = tpu.memref_slice %arg4[%mul3A_2, %dma_wait3A_907] : memref<327680x64xf32, #tpu.memory_space<hbm>> -> memref<128x64xf32, #tpu.memory_space<hbm>>
    %dma_wait3A_909 = arith.constant 0 : i32
    %dma_wait3A_910 = arith.constant 0 : i32
    %dma_wait3A_911 = tpu.memref_slice %arg9[%dma_wait3A, %dma_wait3A_909, %dma_wait3A_910] : memref<2x128x64xf32, #tpu.memory_space<vmem>> -> memref<1x128x64xf32, #tpu.memory_space<vmem>>
    %dma_wait3A_912 = tpu.memref_squeeze %dma_wait3A_911 : memref<1x128x64xf32, #tpu.memory_space<vmem>> -> memref<128x64xf32, #tpu.memory_space<vmem>>
    tpu.wait_dma2 semaphore(%arg11 : memref<!tpu.dma_semaphore, #tpu.memory_space<semaphore_mem>>) src(%dma_wait3A_912 : memref<128x64xf32, #tpu.memory_space<vmem>>) dst(%dma_wait3A_908 : memref<128x64xf32, #tpu.memory_space<hbm>>)
    %dma_wait3A_913 = arith.constant 1 : i32
    %dma_wait3A_914 = arith.constant 0 : i32
    %dma_wait3A_915 = arith.constant 0 : i32
    %dma_wait3A_916 = tpu.memref_slice %arg9[%dma_wait3A_913, %dma_wait3A_914, %dma_wait3A_915] : memref<2x128x64xf32, #tpu.memory_space<vmem>> -> memref<1x128x64xf32, #tpu.memory_space<vmem>>
    %dma_wait3A_917 = tpu.memref_squeeze %dma_wait3A_916 : memref<1x128x64xf32, #tpu.memory_space<vmem>> -> memref<128x64xf32, #tpu.memory_space<vmem>>
    %dma_wait3A_918 = arith.constant 0 : i32
    %dma_wait3A_919 = tpu.memref_slice %arg4[%mul3A_2, %dma_wait3A_918] : memref<327680x64xf32, #tpu.memory_space<hbm>> -> memref<128x64xf32, #tpu.memory_space<hbm>>
    %dma_wait3A_920 = arith.constant 0 : i32
    %dma_wait3A_921 = tpu.memref_slice %arg4[%mul3A_2, %dma_wait3A_920] : memref<327680x64xf32, #tpu.memory_space<hbm>> -> memref<128x64xf32, #tpu.memory_space<hbm>>
    %dma_wait3A_922 = arith.constant 0 : i32
    %dma_wait3A_923 = arith.constant 0 : i32
    %dma_wait3A_924 = tpu.memref_slice %arg9[%dma_wait3A_913, %dma_wait3A_922, %dma_wait3A_923] : memref<2x128x64xf32, #tpu.memory_space<vmem>> -> memref<1x128x64xf32, #tpu.memory_space<vmem>>
    %dma_wait3A_925 = tpu.memref_squeeze %dma_wait3A_924 : memref<1x128x64xf32, #tpu.memory_space<vmem>> -> memref<128x64xf32, #tpu.memory_space<vmem>>
    tpu.wait_dma2 semaphore(%arg11 : memref<!tpu.dma_semaphore, #tpu.memory_space<semaphore_mem>>) src(%dma_wait3A_925 : memref<128x64xf32, #tpu.memory_space<vmem>>) dst(%dma_wait3A_921 : memref<128x64xf32, #tpu.memory_space<hbm>>)
    return
  }
}

module attributes {stable_mosaic.version = 14 : i64} {
  func.func @_pair_body(%arg0: i32, %arg1: memref<64x16384xf32, #tpu.memory_space<vmem>>, %arg2: memref<8192x128xf32, #tpu.memory_space<vmem>>) attributes {dimension_semantics = [#tpu.dimension_semantics<arbitrary>], iteration_bounds = array<i64: 62>, scalar_prefetch = 0 : i64, scratch_operands = 0 : i64, tpu.core_type = #tpu.core_type<tc>, window_params = [{transform_indices = @transform_0, window_bounds = array<i64: 64, 16384>}, {transform_indices = @transform_1, window_bounds = array<i64: 8192, 128>}]} {
    %get3A = arith.constant 0 : index
    %get3A_0 = arith.constant 0 : index
    %get3A_1 = vector.load %arg1[%get3A, %get3A_0] : memref<64x16384xf32, #tpu.memory_space<vmem>>, vector<64x16384xf32>
    %transpose3A = tpu.transpose %get3A_1, [1, 0] : vector<64x16384xf32> -> vector<16384x64xf32>
    %slice3A = vector.extract_strided_slice %transpose3A {offsets = [0, 0], sizes = [8192, 64], strides = [1, 1]} : vector<16384x64xf32> to vector<8192x64xf32>
    %swap3A = arith.constant 0 : index
    %swap3A_2 = arith.constant 0 : index
    %swap3A_3 = vector.load %arg2[%swap3A, %swap3A_2] : memref<8192x128xf32, #tpu.memory_space<vmem>>, vector<8192x64xf32>
    tpu.vector_store %arg2[%swap3A, %swap3A_2], %slice3A {strides = array<i32>} : memref<8192x128xf32, #tpu.memory_space<vmem>>, vector<8192x64xf32>,
    %slice3A_4 = vector.extract_strided_slice %transpose3A {offsets = [8192, 0], sizes = [8192, 64], strides = [1, 1]} : vector<16384x64xf32> to vector<8192x64xf32>
    %swap3A_5 = arith.constant 0 : index
    %swap3A_6 = arith.constant 64 : index
    %swap3A_7 = vector.load %arg2[%swap3A_5, %swap3A_6] : memref<8192x128xf32, #tpu.memory_space<vmem>>, vector<8192x64xf32>
    tpu.vector_store %arg2[%swap3A_5, %swap3A_6], %slice3A_4 {strides = array<i32>} : memref<8192x128xf32, #tpu.memory_space<vmem>>, vector<8192x64xf32>,
    return
  }
  func.func @transform_0(%arg0: i32) -> (i32, i32) {
    %c0_i32 = arith.constant 0 : i32
    %c0_i32_0 = arith.constant 0 : i32
    return %c0_i32, %arg0 : i32, i32
  }
  func.func @transform_1(%arg0: i32) -> (i32, i32) {
    %c0_i32 = arith.constant 0 : i32
    %c0_i32_0 = arith.constant 0 : i32
    return %arg0, %c0_i32 : i32, i32
  }
}

</mosaic_0001>

<sc_bundles>
// kernel: kernel.4.cloned.1.call-start
scs
__scs_entry_jumppad:
0x0: {  	(pc) =	sbr.rel $0x88, $3  }
0x1: {  	(tag) =	ssettag $0x0;
	lr =	simm.s32 $0x1  }
0x2: {  	[smem:$0x3F9F] =	sst lr;
	_ =	strace $0xD0000000  }
0x3: {  	_ = 	snop  }
0x4: {  	_ = 	snop  }
0x5: {  	_ = 	snop  }
0x6: {  	_ = 	snop  }
0x7: {  	_ = 	snop  }
__scs_overlays_trampoline_lowered:
0x8: {  	[smem:$0x3FAE] =	sst s0  }
0x9: {  	[smem:$0x3FAF] =	sst s1  }
0xa: {  	[smem:$0x3FB0] =	sst s2  }
0xb: {  	[smem:$0x3FB1] =	sst s3  }
0xc: {  	[smem:$0x3FB2] =	sst s4  }
0xd: {  	[smem:$0x3FB3] =	sst s5  }
0xe: {  	[smem:$0x3FB4] =	sst s6  }
0xf: {  	[smem:$0x3FB5] =	sst s7  }
0x10: {  	[smem:$0x3FB6] =	sst s8  }
0x11: {  	[smem:$0x3FB7] =	sst s9;
	s0 =	simm.s32 @!p0 $0x0  }
0x12: {  	s1 =	sld [smem:$0x3F9D];
	s0 =	simm.s32 @p0 $0x1  }
0x13: {  	[smem:$0x3FB8] =	sst s0;
	s0 =	simm.s32 @!p1 $0x0  }
0x14: {  	s2 =	sld [smem:$0x3F9C];
	s0 =	simm.s32 @p1 $0x1  }
0x15: {  	[smem:$0x3FB9] =	sst s0;
	s0 =	simm.s32 @!p2 $0x0  }
0x16: {  	s3 =	sld [smem:$0x3FDB];
	s0 =	simm.s32 @p2 $0x1  }
0x17: {  	s4 =	simm.s32 $0x1BF5;
	[smem:$0x3FBB] =	sst s0  }
0x18: {  	s0 =	sld [smem:$0x3F9E];
	_ =	swait.ge [sflag:s4], $0x0  }
0x19: {  	s7 =	sld [smem:$0x3F9F]  }
0x1a: {  	s8 =	sadd.s32 $0xFFFFE003, lr  }
0x1b: {  	s9 =	sadd.s32 $0xFFFFFEF7, lr;
	s5 =	simm.s32 $0xFFFFFFFF;
	p2 =	slt.u32 s8, $0xFFFFF086  }
0x1c: {  	p1 =	slt.u32 s9, $0xF7A;
	s5 =	simm.s32 @!p2 $0x0  }
0x1d: {  	s5 =	simm.s32 @p1 $0x1;
	p0 =	seq.s32 s7, s2  }
0x1e: {  	s7 =	smul.u32 @!p0 $0xF7A, s2;
	p2 =	seq.s32 @!p0 s5, $0x0  }
0x1f: {  	s9 =	smul.u32 $0xF7A, s1;
	s8 =	simm.s32 @!p0 $0x1BF5;
	p2 =	por !p2, p0  }
0x20: {  	[sflag:s8] =	ssyncset.s32 @!p0 $0xFFFFF086;
	s6 =	sadd.s32 @!p0 s3, s7;
	s7 =	simm.s32 @!p0 $0x108  }
0x21: {  	s3 =	sadd.s32 s3, s9;
	s6 =	sadd.s32 @!p0 $0x88, s6;
	s7 =	simm.s32 @p2 $0x1082  }
0x22: {  	[simem:s7], [sflag:s8] =	dma.local @!p0 [hbm:s6], $0xF7A  }
0x23: {  	s9 =	sor.u32 $0xD0000000, s2;
	s6 =	simm.s32 $0x108;
	_ =	swait.ge @!p0 [sflag:s8], $0x0  }
0x24: {  	s3 =	sadd.s32 $0x88, s3;
	s6 =	simm.s32 @!p1 $0x1082;
	[sflag:s4] =	ssyncset.s32 $0xFFFFF086  }
0x25: {  	[simem:s6], [sflag:s4] =	dma.local [hbm:s3], $0xF7A  }
0x26: {  	[smem:$0x3F9F] =	sst s1;
	(tag) =	ssettag s2;
	_ =	strace s9  }
0x27: {  	s1 =	sld [smem:$0x3FAF]  }
0x28: {  	s2 =	sld [smem:$0x3FB0]  }
0x29: {  	s4 =	sld [smem:$0x3FB2]  }
0x2a: {  	p0 =	seq.s32 s5, $0x0;
	s5 =	sld [smem:$0x3FB3]  }
0x2b: {  	s6 =	sld [smem:$0x3FB4]  }
0x2c: {  	s7 =	sld [smem:$0x3FB5]  }
0x2d: {  	s3 =	simm.s32 $0x108;
	s8 =	sld [smem:$0x3FB6]  }
0x2e: {  	s3 =	simm.s32 @!p0 $0x1082;
	s9 =	sld [smem:$0x3FB7]  }
0x2f: {  	lr =	sadd.s32 s0, s3;
	s0 =	sld [smem:$0x3FAE]  }
0x30: {  	s3 =	sld [smem:$0x3FB1]  }
0x31: {  	[smem:$0x3FBA] =	sst s10  }
0x32: {  	s10 =	sld [smem:$0x3FB8];
	_ =	sdelay $0x3  }
0x33: {  	p0 =	seq.s32 s10, $0x1;
	s10 =	sld [smem:$0x3FBA];
	_ =	sdelay $0x3  }
0x34: {  	[smem:$0x3FBA] =	sst s10  }
0x35: {  	s10 =	sld [smem:$0x3FB9];
	_ =	sdelay $0x3  }
0x36: {  	p1 =	seq.s32 s10, $0x1;
	s10 =	sld [smem:$0x3FBA];
	_ =	sdelay $0x3  }
0x37: {  	[smem:$0x3FBA] =	sst s10  }
0x38: {  	s10 =	sld [smem:$0x3FBB]  }
0x39: {  	_ = 	snop;
	(pc) =	sbr.ind lr, $3  }
0x3a: {  	_ = 	snop  }
0x3b: {  	_ = 	snop  }
0x3c: {  	p2 =	seq.s32 s10, $0x1;
	s10 =	sld [smem:$0x3FBA]  }
0x3d: {  	_ =	shalt  }
0x3e: {  	_ =	shalt  }
0x3f: {  	_ =	shalt  }
0x40: {  	_ =	shalt  }
0x41: {  	_ =	shalt  }
0x42: {  	_ =	shalt  }
0x43: {  	_ =	shalt  }
0x44: {  	_ =	shalt  }
0x45: {  	_ =	shalt  }
0x46: {  	_ =	shalt  }
0x47: {  	_ =	shalt  }
0x48: {  	_ =	shalt  }
0x49: {  	_ =	shalt  }
0x4a: {  	_ =	shalt  }
0x4b: {  	_ =	shalt  }
0x4c: {  	_ =	shalt  }
0x4d: {  	_ =	shalt  }
0x4e: {  	_ =	shalt  }
0x4f: {  	_ =	shalt  }
0x50: {  	_ =	shalt  }
0x51: {  	_ =	shalt  }
0x52: {  	_ =	shalt  }
0x53: {  	_ =	shalt  }
0x54: {  	_ =	shalt  }
0x55: {  	_ =	shalt  }
0x56: {  	_ =	shalt  }
0x57: {  	_ =	shalt  }
0x58: {  	_ =	shalt  }
0x59: {  	_ =	shalt  }
0x5a: {  	_ =	shalt  }
0x5b: {  	_ =	shalt  }
0x5c: {  	_ =	shalt  }
0x5d: {  	_ =	shalt  }
0x5e: {  	_ =	shalt  }
0x5f: {  	_ =	shalt  }
0x60: {  	_ =	shalt  }
0x61: {  	_ =	shalt  }
0x62: {  	_ =	shalt  }
0x63: {  	_ =	shalt  }
0x64: {  	_ =	shalt  }
0x65: {  	_ =	shalt  }
0x66: {  	_ =	shalt  }
0x67: {  	_ =	shalt  }
0x68: {  	_ =	shalt  }
0x69: {  	_ =	shalt  }
0x6a: {  	_ =	shalt  }
0x6b: {  	_ =	shalt  }
0x6c: {  	_ =	shalt  }
0x6d: {  	_ =	shalt  }
0x6e: {  	_ =	shalt  }
0x6f: {  	_ =	shalt  }
0x70: {  	_ =	shalt  }
0x71: {  	_ =	shalt  }
0x72: {  	_ =	shalt  }
0x73: {  	_ =	shalt  }
0x74: {  	_ =	shalt  }
0x75: {  	_ =	shalt  }
0x76: {  	_ =	shalt  }
0x77: {  	_ =	shalt  }
0x78: {  	_ =	shalt  }
0x79: {  	_ =	shalt  }
0x7a: {  	_ =	shalt  }
0x7b: {  	_ =	shalt  }
0x7c: {  	_ =	shalt  }
0x7d: {  	_ =	shalt  }
0x7e: {  	_ =	shalt  }
0x7f: {  	_ =	shalt  }
0x80: {  	_ =	shalt  }
0x81: {  	_ =	shalt  }
0x82: {  	_ =	shalt  }
0x83: {  	_ =	shalt  }
0x84: {  	_ =	shalt  }
0x85: {  	_ =	shalt  }
0x86: {  	_ =	shalt  }
0x87: {  	_ =	shalt  }
.Lfunc_end0:
.L_simem_size_0:
called_computation.1_lowered:
.L_overlay_start_0:
0x88: {  	s2 =	sld [smem:$0x3FD9]  }
0x89: {  	s3 =	sld [smem:$0x3FFE];
	_ =	sdelay $0x1  }
0x8a: {  	s1 =	srdreg.scid  }
0x8b: {  	s0 =	sand.u32 $0x1, s1  }
0x8c: {  	s17 =	sshll.u32 s0, $0xA;
	s2 =	sadd.s32 s3, s2  }
0x8d: {  	s2 =	sadd.s32 s2, s17  }
0x8e: {  	[smem:$0x3FC6] =	sst s2  }
0x8f: {  	_ = 	snop  }
0x90: {  	s2 =	sld [smem:$0x3FD0];
	(tm) =	ssettm $0x1  }
0x91: {  	s18 =	sld [smem:$0x3FFB];
	_ =	sdelay $0x3  }
0x92: {  	_ =	strace s18  }
0x93: {  	s3 =	sld [smem:$0x3FFC];
	_ =	sdelay $0x3  }
0x94: {  	_ =	strace s3  }
0x95: {  	s3 =	sld [smem:$0x3FFD];
	_ =	sdelay $0x3  }
0x96: {  	_ =	strace s3  }
0x97: {  	_ =	strace $0x8FFFFFFF  }
0x98: {  	s19 =	sld [smem:$0x3FDB];
	_ =	sdelay $0x1  }
0x99: {  	s4 =	simm.s32 $_scs_section_size  }
0x9a: {  	s5 =	simm.s32 $_size__tile_overlayer_lowered;
	s6 =	simm.s32 $_tile_overlayer_lowered  }
0x9b: {  	s22 =	simm.s32 $0x1BFF;
	s21 =	sshll.u32 s6, $0x1;
	s3 =	sadd.s32 s4, s19  }
0x9c: {  	s7 =	simm.s32 $0x0;
	s20 =	sshll.u32 s5, $0x1;
	s5 =	sadd.s32 s21, s3  }
0x9d: {  	[timem:s7], [sflag:s22] =	dma.local [hbm:s5], s20  }
0x9e: {  	_ =	swait.ge [sflag:s22], s20  }
0x9f: {  	s4 =	ssub.s32 $0x0, s20;
	[sflag:s22] =	ssyncset.done $0x0  }
0xa0: {  	[sflag:s22] =	ssyncadd.s32 s4;
	_ =	sdelay $0x1  }
0xa1: {  	s23 =	simm.s32 $0x1B8B  }
0xa2: {  	_ =	swait.ge [sflag:s23], $0x1  }
0xa3: {  	[sflag:s23] =	ssyncset.done $0x0  }
0xa4: {  	s25 =	simm.s32 $0x1B8E;
	s24 =	sld [smem:$0x3FFE];
	[sflag:s23] =	ssyncadd.s32 $0xFFFFFFFF  }
0xa5: {  	s26 =	simm.s32 $execute0_lowered;
	[smem:$0x3FD2] =	sst s25  }
0xa6: {  	s5 =	sshll.u32 s26, $0x1;
	_ =	strace $0x80000046;
	[dreg:$0x1] =	wrdreg $0xFFFFFFFF  }
0xa7: {  	s28 =	simm.s32 $_size_execute0_lowered;
	s3 =	sadd.s32 s3, s5;
	[dreg:$0x0] =	wrdreg $0x0  }
0xa8: {  	s5 =	sshll.u32 s28, $0x1;
	[dreg:$0x2] =	wrdreg s3  }
0xa9: {  	[dreg:$0x3] =	wrdreg s5  }
0xaa: {  	[dreg:$0x4] =	wrdreg $0xC0  }
0xab: {  	_ =	task [dreg:s7], $0x5FFFF  }
0xac: {  	[dreg:$0x1] =	wrdreg $0xFFFFFFFF  }
0xad: {  	[dreg:$0x0] =	wrdreg $0x60  }
0xae: {  	[dreg:$0x2] =	wrdreg s24  }
0xaf: {  	[dreg:$0x3] =	wrdreg s2  }
0xb0: {  	[dreg:$0x4] =	wrdreg $0x9  }
0xb1: {  	_ =	task.clear_ibuf [dreg:s7], $0x5FFFF;
	_ =	strace $0x90000046  }
0xb2: {  	s29 =	simm.s32 $0x9;
	_ =	strace $0x80000048  }
0xb3: {  	_ =	swait.ge [sflag:s29], $0x1  }
0xb4: {  	[sflag:s29] =	ssyncadd.s32 $0xFFFFFFFF  }
0xb5: {  	_ =	strace $0x90000048  }
0xb6: {  	_ =	sfence  }
0xb7: {  	s30 =	sld [smem:$0x0];
	_ =	sdelay $0x2  }
0xb8: {  	s31 =	sshll.u32 s1, $0xD;
	s1 =	sshrl.u32 s1, $0x2  }
0xb9: {  	s3 =	sand.u32 $0x4000, s31;
	s1 =	sadd.s32 s1, s30  }
0xba: {  	s0 =	sor.u32 s3, s0;
	s1 =	sshll.u32 s1, $0x11  }
0xbb: {  	s0 =	sor.u32 s1, s0  }
0xbc: {  	s0 =	sadd.s32 $0x8F2B, s0  }
0xbd: {  	[sflag:s0] =	ssyncadd.remote.s32 $0x1  }
0xbe: {  	_ =	sfence.sel $0xFFFF  }
0xbf: {  	[dreg:$0x0] =	wrdreg $0xFFFFFFFF;
	(pc) =	sbr.abs _section_cstart, $3  }
0xc0: {  	[dreg:$0x1] =	wrdreg $0xFFFFFFFF  }
0xc1: {  	_ =	task.clear_ibuf [dreg:s7], $0x2FFFF;
	_ =	strace $0x9FFFFFFF  }
0xc2: {  	(tm) =	ssettm $0x7FFFFFFF  }
0xc3: {  	_ =	shalt  }
tec
execute0_lowered:
.L_overlay_start_1:
0x0: {  	(tag) =	ssettag $0x1  }
0x1: {  	s0 =	rddreg [dreg:$0x0]  }
0x2: {  	s2 =	srdreg.scid;
	s3 =	stileid.u32  }
0x3: {  	s4 =	simm.s32 $0x0;
	s2 =	sand.u32 $0x1, s2;
	s3 =	sshll.u32 s3, $0x1  }
0x4: {  	[smem:$0x7FF] =	sst s4;
	s3 =	sor.u32 s2, s3  }
0x5: {  	s5 =	sadd.s32 $0x800, s0;
	s0 =	sadd.s32 $0x7C0800, s0;
	s29 =	smul.u32 $0x500, s3  }
0x6: {  	s1 =	rddreg [dreg:$0x1];
	_ =	strace $0x80000047;
	s31 =	smul.u32 $0x140000, s3  }
.Ltmp0:
0x7: {  	s2 =	ssub.s32 $0x2, s2;
	[dreg:$0xb] =	wrdreg s5;
	(pc) =	sbr.rel .LBB2_1-.Ltmp0, $4  }
0x8: {  	[dreg:$0xc] =	wrdreg s0;
	s30 =	sshrl.u32 s2, $0x1  }
0x9: {  	s0 =	ssub.s32 s2, s30;
	s1 =	sadd.s32 s1, s29;
	[dreg:$0xe] =	wrdreg s31  }
0xa: {  	s0 =	smax.u32 s0, $0x1;
	[dreg:$0xd] =	wrdreg s1  }
0xb: {  	s2 =	simm.s32 $0x0;
	[dreg:$0xf] =	wrdreg s0  }
.LBB2_7:
0xc: {  	s1 =	simm.s32 $0x2  }
0xd: {  	_ =	swait.ge [sflag:s1], $0x4000  }
0xe: {  	[sflag:s1] =	ssyncset.done $0x0  }
0xf: {  	[sflag:s1] =	ssyncadd.s32 $0xFFFFC000  }
0x10: {  	_ =	swait.ge [sflag:s1], $0x4000  }
0x11: {  	s2 =	rddreg [dreg:$0x10]  }
0x12: {  	s0 =	rddreg [dreg:$0xf];
	s2 =	sadd.s32 $0x1, s2  }
0x13: {  	p0 =	sne.s32 s2, s0  }
.Ltmp1:
0x14: {  	_ = 	snop;
	(pc) =	sbr.rel @!p0 .LBB2_8-.Ltmp1, $3  }
0x15: {  	_ =	sdelay $0x1  }
0x16: {  	[sflag:s1] =	ssyncset.done $0x0  }
0x17: {  	[sflag:s1] =	ssyncadd.s32 $0xFFFFC000  }
.LBB2_1:
0x18: {  	[dreg:$0x10] =	wrdreg s2  }
0x19: {  	s0 =	simm.s32 $0x0;
	s1 =	rddreg [dreg:$0xd];
	s23 =	simm.s32 $0x3  }
0x1a: {  	[tilespmem:s0], [sflag:$0x3] =	stream.linear.gather [hbm4b:s1+s0], $0x2800, $0x38;
	[tilespmem:$0x1AC00] =	vst v63  }
0x1b: {  	_ =	swait.ge [sflag:s23], $0x2800  }
0x1c: {  	[sflag:s23] =	ssyncset.done $0x0  }
0x1d: {  	[sflag:s23] =	ssyncadd.s32 $0xFFFFD800  }
0x1e: {  	v0 =	vld [tilespmem:$0x0]  }
0x1f: {  	v1 =	vld [tilespmem:$0x10];
	_ =	sdelay $0x1  }
0x20: {  	v2 =	vld [tilespmem:$0x20]  }
0x21: {  	v5 =	vld [tilespmem:$0x30]  }
0x22: {  	v6 =	vld [tilespmem:$0x40];
	v3 =	vshrl.u32 v0, $0x1  }
0x23: {  	v43 =	vld [tilespmem:$0x50];
	v4 =	vand.u32 $0x1FFF, v0;
	v0 =	vshrl.u32 v0, $0x7;
	v35 =	vshrl.u32 v1, $0x1  }
0x24: {  	v50 =	vld [tilespmem:$0x60];
	v37 =	vand.u32 $0x1FFF, v1;
	v1 =	vshrl.u32 v1, $0x7;
	v0 =	vand.u32 $0x40, v0  }
0x25: {  	v57 =	vld [tilespmem:$0x70];
	v45 =	vshrl.u32 v2, $0x7;
	v40 =	vand.u32 $0x40, v1;
	[tilespmem:$0x2A00] =	vst v0  }
0x26: {  	v52 =	vshrl.u32 v5, $0x7;
	v47 =	vand.u32 $0x40, v45;
	[tilespmem:$0x2A10] =	vst v40  }
0x27: {  	v39 =	vshrl.u32 v2, $0x1;
	v59 =	vshrl.u32 v6, $0x7;
	v54 =	vand.u32 $0x40, v52;
	[tilespmem:$0x2A20] =	vst v47  }
0x28: {  	v42 =	vand.u32 $0x1FFF, v2;
	v7 =	vshrl.u32 v43, $0x7;
	v61 =	vand.u32 $0x40, v59;
	[tilespmem:$0x2A30] =	vst v54  }
0x29: {  	v46 =	vshrl.u32 v5, $0x1;
	v13 =	vshrl.u32 v50, $0x7;
	v9 =	vand.u32 $0x40, v7;
	[tilespmem:$0x2A40] =	vst v61  }
0x2a: {  	v49 =	vand.u32 $0x1FFF, v5;
	v19 =	vshrl.u32 v57, $0x7;
	v15 =	vand.u32 $0x40, v13;
	[tilespmem:$0x2A50] =	vst v9  }
0x2b: {  	v53 =	vshrl.u32 v6, $0x1;
	v3 =	vand.u32 $0x7FFFE000, v3;
	v20 =	vand.u32 $0x40, v19;
	[tilespmem:$0x2A60] =	vst v15  }
0x2c: {  	v56 =	vand.u32 $0x1FFF, v6;
	v36 =	vand.u32 $0x7FFFE000, v35;
	v3 =	vor.u32 v4, v3;
	[tilespmem:$0x2A70] =	vst v20  }
0x2d: {  	v60 =	vshrl.u32 v43, $0x1;
	v41 =	vand.u32 $0x7FFFE000, v39;
	v38 =	vor.u32 v37, v36;
	[tilespmem:$0x2800] =	vst v3  }
0x2e: {  	v63 =	vand.u32 $0x1FFF, v43;
	v48 =	vand.u32 $0x7FFFE000, v46;
	v44 =	vor.u32 v42, v41;
	[tilespmem:$0x2810] =	vst v38  }
0x2f: {  	v8 =	vshrl.u32 v50, $0x1;
	v55 =	vand.u32 $0x7FFFE000, v53;
	v51 =	vor.u32 v49, v48;
	[tilespmem:$0x2820] =	vst v44  }
0x30: {  	v11 =	vand.u32 $0x1FFF, v50;
	v62 =	vand.u32 $0x7FFFE000, v60;
	v58 =	vor.u32 v56, v55;
	[tilespmem:$0x2830] =	vst v51  }
0x31: {  	v14 =	vshrl.u32 v57, $0x1;
	v10 =	vand.u32 $0x7FFFE000, v8;
	v6 =	vor.u32 v63, v62;
	[tilespmem:$0x2840] =	vst v58  }
0x32: {  	v17 =	vand.u32 $0x1FFF, v57;
	v16 =	vand.u32 $0x7FFFE000, v14;
	v12 =	vor.u32 v11, v10;
	[tilespmem:$0x2850] =	vst v6  }
0x33: {  	s25 =	simm.s32 $0x80;
	v18 =	vor.u32 v17, v16;
	[tilespmem:$0x2860] =	vst v12  }
0x34: {  	s26 =	simm.s32 $0x2800;
	s3 =	simm.s32 $0x2C00;
	s24 =	rddreg [dreg:$0xb];
	[tilespmem:$0x2870] =	vst v18  }
0x35: {  	[tilespmem:s3], [sflag:$0x1] =	stream.indirect.gather [hbm4b:s24+s25], $0x80, s26, s25, $0xb8;
	[tilespmem:$0x1AC00] =	vst v63  }
0x36: {  	v21 =	vld [tilespmem:$0x80]  }
0x37: {  	v22 =	vld [tilespmem:$0x90]  }
0x38: {  	v23 =	vld [tilespmem:$0xA0]  }
0x39: {  	v26 =	vld [tilespmem:$0xB0]  }
0x3a: {  	v30 =	vld [tilespmem:$0xC0]  }
0x3b: {  	v36 =	vld [tilespmem:$0xD0];
	v24 =	vshrl.u32 v21, $0x1;
	v0 =	vshrl.u32 v21, $0x7  }
0x3c: {  	v43 =	vld [tilespmem:$0xE0];
	v25 =	vand.u32 $0x1FFF, v21;
	v1 =	vshrl.u32 v22, $0x7;
	v0 =	vand.u32 $0x40, v0  }
0x3d: {  	v50 =	vld [tilespmem:$0xF0];
	v27 =	vshrl.u32 v22, $0x1;
	v38 =	vshrl.u32 v23, $0x7;
	v33 =	vand.u32 $0x40, v1;
	[tilespmem:$0x2A80] =	vst v0  }
0x3e: {  	v29 =	vand.u32 $0x1FFF, v22;
	v45 =	vshrl.u32 v26, $0x7;
	v40 =	vand.u32 $0x40, v38;
	[tilespmem:$0x2A90] =	vst v33  }
0x3f: {  	v32 =	vshrl.u32 v23, $0x1;
	v52 =	vshrl.u32 v30, $0x7;
	v47 =	vand.u32 $0x40, v45;
	[tilespmem:$0x2AA0] =	vst v40  }
0x40: {  	v35 =	vand.u32 $0x1FFF, v23;
	v58 =	vshrl.u32 v36, $0x7;
	v54 =	vand.u32 $0x40, v52;
	[tilespmem:$0x2AB0] =	vst v47  }
0x41: {  	v39 =	vshrl.u32 v26, $0x1;
	v4 =	vshrl.u32 v43, $0x7;
	v60 =	vand.u32 $0x40, v58;
	[tilespmem:$0x2AC0] =	vst v54  }
0x42: {  	v42 =	vand.u32 $0x1FFF, v26;
	v11 =	vshrl.u32 v50, $0x7;
	v7 =	vand.u32 $0x40, v4;
	[tilespmem:$0x2AD0] =	vst v60  }
0x43: {  	v46 =	vshrl.u32 v30, $0x1;
	v3 =	vand.u32 $0x7FFFE000, v24;
	v12 =	vand.u32 $0x40, v11;
	[tilespmem:$0x2AE0] =	vst v7  }
0x44: {  	v49 =	vand.u32 $0x1FFF, v30;
	v28 =	vand.u32 $0x7FFFE000, v27;
	v3 =	vor.u32 v25, v3;
	[tilespmem:$0x2AF0] =	vst v12  }
0x45: {  	v53 =	vshrl.u32 v36, $0x1;
	v34 =	vand.u32 $0x7FFFE000, v32;
	v31 =	vor.u32 v29, v28;
	[tilespmem:$0x2880] =	vst v3  }
0x46: {  	v56 =	vand.u32 $0x1FFF, v36;
	v41 =	vand.u32 $0x7FFFE000, v39;
	v37 =	vor.u32 v35, v34;
	[tilespmem:$0x2890] =	vst v31  }
0x47: {  	v59 =	vshrl.u32 v43, $0x1;
	v48 =	vand.u32 $0x7FFFE000, v46;
	v44 =	vor.u32 v42, v41;
	[tilespmem:$0x28A0] =	vst v37  }
0x48: {  	v62 =	vand.u32 $0x1FFF, v43;
	v55 =	vand.u32 $0x7FFFE000, v53;
	v51 =	vor.u32 v49, v48;
	[tilespmem:$0x28B0] =	vst v44  }
0x49: {  	v6 =	vshrl.u32 v50, $0x1;
	v61 =	vand.u32 $0x7FFFE000, v59;
	v57 =	vor.u32 v56, v55;
	[tilespmem:$0x28C0] =	vst v51  }
0x4a: {  	v9 =	vand.u32 $0x1FFF, v50;
	v8 =	vand.u32 $0x7FFFE000, v6;
	v63 =	vor.u32 v62, v61;
	[tilespmem:$0x28D0] =	vst v57  }
0x4b: {  	v10 =	vor.u32 v9, v8;
	[tilespmem:$0x28E0] =	vst v63  }
0x4c: {  	s28 =	simm.s32 $0x2880;
	s29 =	simm.s32 $0x6C00;
	[tilespmem:$0x28F0] =	vst v10  }
0x4d: {  	[tilespmem:s29], [sflag:$0x1] =	stream.indirect.gather [hbm4b:s24+s25], $0x80, s28, s25, $0xb8;
	[tilespmem:$0x1AC00] =	vst v63  }
0x4e: {  	v13 =	vld [tilespmem:$0x100]  }
0x4f: {  	v14 =	vld [tilespmem:$0x110]  }
0x50: {  	v15 =	vld [tilespmem:$0x120]  }
0x51: {  	v18 =	vld [tilespmem:$0x130]  }
0x52: {  	v22 =	vld [tilespmem:$0x140]  }
0x53: {  	v28 =	vld [tilespmem:$0x150];
	v16 =	vshrl.u32 v13, $0x1;
	v0 =	vshrl.u32 v13, $0x7  }
0x54: {  	v35 =	vld [tilespmem:$0x160];
	v17 =	vand.u32 $0x1FFF, v13;
	v1 =	vshrl.u32 v14, $0x7;
	v0 =	vand.u32 $0x40, v0  }
0x55: {  	v42 =	vld [tilespmem:$0x170];
	v19 =	vshrl.u32 v14, $0x1;
	v30 =	vshrl.u32 v15, $0x7;
	v25 =	vand.u32 $0x40, v1;
	[tilespmem:$0x2B00] =	vst v0  }
0x56: {  	v21 =	vand.u32 $0x1FFF, v14;
	v37 =	vshrl.u32 v18, $0x7;
	v32 =	vand.u32 $0x40, v30;
	[tilespmem:$0x2B10] =	vst v25  }
0x57: {  	v24 =	vshrl.u32 v15, $0x1;
	v44 =	vshrl.u32 v22, $0x7;
	v39 =	vand.u32 $0x40, v37;
	[tilespmem:$0x2B20] =	vst v32  }
0x58: {  	v27 =	vand.u32 $0x1FFF, v15;
	v50 =	vshrl.u32 v28, $0x7;
	v46 =	vand.u32 $0x40, v44;
	[tilespmem:$0x2B30] =	vst v39  }
0x59: {  	v31 =	vshrl.u32 v18, $0x1;
	v56 =	vshrl.u32 v35, $0x7;
	v52 =	vand.u32 $0x40, v50;
	[tilespmem:$0x2B40] =	vst v46  }
0x5a: {  	v34 =	vand.u32 $0x1FFF, v18;
	v62 =	vshrl.u32 v42, $0x7;
	v58 =	vand.u32 $0x40, v56;
	[tilespmem:$0x2B50] =	vst v52  }
0x5b: {  	v38 =	vshrl.u32 v22, $0x1;
	v3 =	vand.u32 $0x7FFFE000, v16;
	v63 =	vand.u32 $0x40, v62;
	[tilespmem:$0x2B60] =	vst v58  }
0x5c: {  	v41 =	vand.u32 $0x1FFF, v22;
	v20 =	vand.u32 $0x7FFFE000, v19;
	v3 =	vor.u32 v17, v3;
	[tilespmem:$0x2B70] =	vst v63  }
0x5d: {  	v45 =	vshrl.u32 v28, $0x1;
	v26 =	vand.u32 $0x7FFFE000, v24;
	v23 =	vor.u32 v21, v20;
	[tilespmem:$0x2900] =	vst v3  }
0x5e: {  	v48 =	vand.u32 $0x1FFF, v28;
	v33 =	vand.u32 $0x7FFFE000, v31;
	v29 =	vor.u32 v27, v26;
	[tilespmem:$0x2910] =	vst v23  }
0x5f: {  	v51 =	vshrl.u32 v35, $0x1;
	v40 =	vand.u32 $0x7FFFE000, v38;
	v36 =	vor.u32 v34, v33;
	[tilespmem:$0x2920] =	vst v29  }
0x60: {  	v54 =	vand.u32 $0x1FFF, v35;
	v47 =	vand.u32 $0x7FFFE000, v45;
	v43 =	vor.u32 v41, v40;
	[tilespmem:$0x2930] =	vst v36  }
.Ltmp2:
0x61: {  	v57 =	vshrl.u32 v42, $0x1;
	v53 =	vand.u32 $0x7FFFE000, v51;
	v49 =	vor.u32 v48, v47;
	[tilespmem:$0x2940] =	vst v43;
	(pc) =	sbr.rel .LBB2_2-.Ltmp2, $4  }
0x62: {  	v60 =	vand.u32 $0x1FFF, v42;
	v59 =	vand.u32 $0x7FFFE000, v57;
	v55 =	vor.u32 v54, v53;
	[tilespmem:$0x2950] =	vst v49  }
0x63: {  	s30 =	simm.s32 $0x2900;
	s31 =	simm.s32 $0xAC00;
	v61 =	vor.u32 v60, v59;
	[tilespmem:$0x2960] =	vst v55  }
0x64: {  	p0 =	por $0x0, $0x0;
	s5 =	simm.s32 $0x0;
	s1 =	simm.s32 $0x0;
	[tilespmem:$0x2970] =	vst v61  }
0x65: {  	[tilespmem:s31], [sflag:$0x1] =	stream.indirect.gather [hbm4b:s24+s25], $0x80, s30, s25, $0xb8;
	[tilespmem:$0x1AC00] =	vst v63  }
.LBB2_6:
0x66: {  	s5 =	sadd.s32 $0x1, s5  }
0x67: {  	p1 =	sne.s32 s5, $0x50  }
.Ltmp3:
0x68: {  	_ = 	snop;
	(pc) =	sbr.rel @!p1 .LBB2_7-.Ltmp3, $3  }
0x69: {  	_ =	sdelay $0x1  }
0x6a: {  	s1 =	rddreg [dreg:$0x11]  }
0x6b: {  	p0 =	por !p0, !p0;
	s1 =	sadd.s32 $0x1, s1  }
.LBB2_2:
0x6c: {  	s0 =	simm.s32 $0x1  }
0x6d: {  	_ =	swait.ge [sflag:s0], $0x4000  }
0x6e: {  	p1 =	slt.u32 s5, $0x2;
	[sflag:s0] =	ssyncset.done $0x0  }
0x6f: {  	[dreg:$0x11] =	wrdreg s1;
	[sflag:s0] =	ssyncadd.s32 $0xFFFFC000;
	s0 =	simm.s32 @!p1 $0x2  }
0x70: {  	s29 =	sand.u32 $0x3, s1;
	_ =	swait.ge @!p1 [sflag:s0], $0x4000  }
0x71: {  	s2 =	sshll.u32 s29, $0x7;
	[sflag:s0] =	ssyncset.done @!p1 $0x0  }
0x72: {  	s6 =	sor.u32 $0x2A00, s2;
	[sflag:s0] =	ssyncadd.s32 @!p1 $0xFFFFC000  }
0x73: {  	v1 =	vld [tilespmem:s6+$0x0];
	_ =	sdelay $0x4  }
0x74: {  	(v2sf) =	vpush v1, $0x0;
	_ =	sdelay $0xe  }
0x75: {  	s30 =	spop (v2sf)  }
0x76: {  	s31 =	sand.u32 $0x7F, s30;
	s3 =	sshll.u32 s30, $0x2  }
0x77: {  	s3 =	sand.u32 $0xFFFFFE00, s3;
	s2 =	sshll.u32 s31, $0x2  }
0x78: {  	s4 =	simm.s32 $0x1;
	s1 =	sshll.u32 s29, $0xE;
	s2 =	sor.u32 s2, s3  }
0x79: {  	s4 =	simm.s32 @!p0 $0x0;
	s22 =	sor.u32 $0x2C00, s1;
	s3 =	sshra.s32 s2, $0x2  }
0x7a: {  	s7 =	sshll.u32 s4, $0xE;
	s1 =	sadd.s32 s3, s22  }
0x7b: {  	s8 =	sadd.s32 $0x10, s30;
	s2 =	sor.u32 $0x13000, s7;
	s1 =	sadd.s32 $0x0, s1  }
0x7c: {  	s9 =	sand.u32 $0x7F, s8;
	v0 =	vmov s2;
	s3 =	sshll.u32 s8, $0x2;
	v2 =	vld [tilespmem:s1+$0x0]  }
0x7d: {  	s10 =	sshll.u32 s9, $0x2;
	s11 =	sand.u32 $0xFFFFFE00, s3  }
0x7e: {  	(v2sf) =	vpush v1, $0x1;
	s1 =	sor.u32 s10, s11  }
0x7f: {  	s1 =	sshra.s32 s1, $0x2  }
0x80: {  	s23 =	simm.s32 $0x0;
	s1 =	sadd.s32 s1, s22  }
0x81: {  	s12 =	sadd.s32 $0x20, s30;
	s1 =	sadd.s32 $0x0, s1;
	[tilespmem:v0+s23+$0xFFFFFC00 ss:$0x1] =	vst.idx.msk $0xffff, v2  }
0x82: {  	s13 =	sand.u32 $0x7F, s12;
	s2 =	sshll.u32 s12, $0x2;
	v2 =	vld [tilespmem:s1+$0x0]  }
0x83: {  	s2 =	sand.u32 $0xFFFFFE00, s2;
	s1 =	sshll.u32 s13, $0x2  }
0x84: {  	s1 =	sor.u32 s1, s2  }
0x85: {  	s1 =	sshra.s32 s1, $0x2  }
0x86: {  	s1 =	sadd.s32 s1, s22  }
0x87: {  	s0 =	sadd.s32 $0x30, s30;
	s1 =	sadd.s32 $0x0, s1;
	[tilespmem:v0+s23+$0xFFFFFC10 ss:$0x1] =	vst.idx.msk $0xffff, v2  }
0x88: {  	s14 =	sand.u32 $0x7F, s0;
	s0 =	sshll.u32 s0, $0x2;
	v2 =	vld [tilespmem:s1+$0x0]  }
0x89: {  	s0 =	sand.u32 $0xFFFFFE00, s0;
	s15 =	sshll.u32 s14, $0x2  }
0x8a: {  	s0 =	sor.u32 s15, s0  }
0x8b: {  	s0 =	sshra.s32 s0, $0x2  }
0x8c: {  	s0 =	sadd.s32 s0, s22  }
0x8d: {  	s0 =	sadd.s32 $0x0, s0;
	s16 =	spop (v2sf);
	[tilespmem:v0+s23+$0xFFFFFC20 ss:$0x1] =	vst.idx.msk $0xffff, v2  }
0x8e: {  	s17 =	sand.u32 $0x7F, s16;
	s18 =	sshll.u32 s16, $0x2;
	v2 =	vld [tilespmem:s0+$0x0]  }
0x8f: {  	s2 =	sshll.u32 s17, $0x2;
	s0 =	sand.u32 $0xFFFFFE00, s18  }
0x90: {  	s0 =	sor.u32 s2, s0  }
0x91: {  	s0 =	sshra.s32 s0, $0x2  }
0x92: {  	s0 =	sadd.s32 s0, s22  }
0x93: {  	s19 =	sadd.s32 $0x10, s16;
	s0 =	sadd.s32 $0x0, s0;
	[tilespmem:v0+s23+$0xFFFFFC30 ss:$0x1] =	vst.idx.msk $0xffff, v2  }
0x94: {  	s20 =	sand.u32 $0x7F, s19;
	s2 =	sshll.u32 s19, $0x2;
	v2 =	vld [tilespmem:s0+$0x80]  }
0x95: {  	s2 =	sand.u32 $0xFFFFFE00, s2;
	s0 =	sshll.u32 s20, $0x2  }
0x96: {  	(v2sf) =	vpush v1, $0x2;
	s0 =	sor.u32 s0, s2  }
0x97: {  	s0 =	sshra.s32 s0, $0x2  }
0x98: {  	s0 =	sadd.s32 s0, s22  }
0x99: {  	s21 =	sadd.s32 $0x20, s16;
	s0 =	sadd.s32 $0x0, s0;
	[tilespmem:v0+s23+$0xFFFFFC80 ss:$0x1] =	vst.idx.msk $0xffff, v2  }
0x9a: {  	s24 =	sand.u32 $0x7F, s21;
	s2 =	sshll.u32 s21, $0x2;
	v2 =	vld [tilespmem:s0+$0x80]  }
0x9b: {  	s2 =	sand.u32 $0xFFFFFE00, s2;
	s0 =	sshll.u32 s24, $0x2  }
0x9c: {  	s0 =	sor.u32 s0, s2  }
0x9d: {  	s0 =	sshra.s32 s0, $0x2  }
0x9e: {  	s0 =	sadd.s32 s0, s22  }
0x9f: {  	s1 =	sadd.s32 $0x30, s16;
	s0 =	sadd.s32 $0x0, s0;
	[tilespmem:v0+s23+$0xFFFFFC90 ss:$0x1] =	vst.idx.msk $0xffff, v2  }
0xa0: {  	s25 =	sand.u32 $0x7F, s1;
	s1 =	sshll.u32 s1, $0x2;
	v2 =	vld [tilespmem:s0+$0x80]  }
0xa1: {  	s26 =	sand.u32 $0xFFFFFE00, s1;
	s29 =	sshll.u32 s25, $0x2  }
0xa2: {  	s0 =	sor.u32 s29, s26  }
0xa3: {  	s0 =	sshra.s32 s0, $0x2  }
0xa4: {  	s0 =	sadd.s32 s0, s22  }
0xa5: {  	s30 =	spop (v2sf);
	s0 =	sadd.s32 $0x0, s0;
	[tilespmem:v0+s23+$0xFFFFFCA0 ss:$0x1] =	vst.idx.msk $0xffff, v2  }
0xa6: {  	s31 =	sand.u32 $0x7F, s30;
	s3 =	sshll.u32 s30, $0x2;
	v2 =	vld [tilespmem:s0+$0x80]  }
0xa7: {  	s2 =	sshll.u32 s31, $0x2;
	s0 =	sand.u32 $0xFFFFFE00, s3  }
0xa8: {  	s0 =	sor.u32 s2, s0  }
0xa9: {  	s0 =	sshra.s32 s0, $0x2  }
0xaa: {  	s0 =	sadd.s32 s0, s22  }
0xab: {  	s4 =	sadd.s32 $0x10, s30;
	s0 =	sadd.s32 $0x0, s0;
	[tilespmem:v0+s23+$0xFFFFFCB0 ss:$0x1] =	vst.idx.msk $0xffff, v2  }
0xac: {  	s7 =	sand.u32 $0x7F, s4;
	s2 =	sshll.u32 s4, $0x2;
	v2 =	vld [tilespmem:s0+$0x100]  }
0xad: {  	s2 =	sand.u32 $0xFFFFFE00, s2;
	s0 =	sshll.u32 s7, $0x2  }
0xae: {  	(v2sf) =	vpush v1, $0x3;
	s0 =	sor.u32 s0, s2  }
0xaf: {  	s0 =	sshra.s32 s0, $0x2  }
0xb0: {  	s0 =	sadd.s32 s0, s22  }
0xb1: {  	s8 =	sadd.s32 $0x20, s30;
	s0 =	sadd.s32 $0x0, s0;
	[tilespmem:v0+s23+$0xFFFFFD00 ss:$0x1] =	vst.idx.msk $0xffff, v2  }
0xb2: {  	s9 =	sand.u32 $0x7F, s8;
	s2 =	sshll.u32 s8, $0x2;
	v2 =	vld [tilespmem:s0+$0x100]  }
0xb3: {  	s2 =	sand.u32 $0xFFFFFE00, s2;
	s0 =	sshll.u32 s9, $0x2  }
0xb4: {  	s0 =	sor.u32 s0, s2  }
0xb5: {  	s0 =	sshra.s32 s0, $0x2  }
0xb6: {  	s0 =	sadd.s32 s0, s22  }
0xb7: {  	s1 =	sadd.s32 $0x30, s30;
	s0 =	sadd.s32 $0x0, s0;
	[tilespmem:v0+s23+$0xFFFFFD10 ss:$0x1] =	vst.idx.msk $0xffff, v2  }
0xb8: {  	s10 =	sand.u32 $0x7F, s1;
	s1 =	sshll.u32 s1, $0x2;
	v2 =	vld [tilespmem:s0+$0x100]  }
0xb9: {  	s11 =	sand.u32 $0xFFFFFE00, s1;
	s12 =	sshll.u32 s10, $0x2  }
0xba: {  	s0 =	sor.u32 s12, s11  }
0xbb: {  	s0 =	sshra.s32 s0, $0x2  }
0xbc: {  	s0 =	sadd.s32 s0, s22  }
0xbd: {  	s13 =	spop (v2sf);
	s0 =	sadd.s32 $0x0, s0;
	[tilespmem:v0+s23+$0xFFFFFD20 ss:$0x1] =	vst.idx.msk $0xffff, v2  }
0xbe: {  	s14 =	sand.u32 $0x7F, s13;
	s15 =	sshll.u32 s13, $0x2;
	v2 =	vld [tilespmem:s0+$0x100]  }
0xbf: {  	s2 =	sshll.u32 s14, $0x2;
	s0 =	sand.u32 $0xFFFFFE00, s15  }
0xc0: {  	s0 =	sor.u32 s2, s0  }
0xc1: {  	s0 =	sshra.s32 s0, $0x2  }
0xc2: {  	s0 =	sadd.s32 s0, s22  }
0xc3: {  	s16 =	sadd.s32 $0x10, s13;
	s0 =	sadd.s32 $0x0, s0;
	[tilespmem:v0+s23+$0xFFFFFD30 ss:$0x1] =	vst.idx.msk $0xffff, v2  }
0xc4: {  	s17 =	sand.u32 $0x7F, s16;
	s2 =	sshll.u32 s16, $0x2;
	v2 =	vld [tilespmem:s0+$0x180]  }
0xc5: {  	s2 =	sand.u32 $0xFFFFFE00, s2;
	s0 =	sshll.u32 s17, $0x2  }
0xc6: {  	(v2sf) =	vpush v1, $0x4;
	s0 =	sor.u32 s0, s2  }
0xc7: {  	s0 =	sshra.s32 s0, $0x2  }
0xc8: {  	s0 =	sadd.s32 s0, s22  }
0xc9: {  	s18 =	sadd.s32 $0x20, s13;
	s0 =	sadd.s32 $0x0, s0;
	[tilespmem:v0+s23+$0xFFFFFD80 ss:$0x1] =	vst.idx.msk $0xffff, v2  }
0xca: {  	s19 =	sand.u32 $0x7F, s18;
	s2 =	sshll.u32 s18, $0x2;
	v2 =	vld [tilespmem:s0+$0x180]  }
0xcb: {  	s2 =	sand.u32 $0xFFFFFE00, s2;
	s0 =	sshll.u32 s19, $0x2  }
0xcc: {  	s0 =	sor.u32 s0, s2  }
0xcd: {  	s0 =	sshra.s32 s0, $0x2  }
0xce: {  	s0 =	sadd.s32 s0, s22  }
0xcf: {  	s1 =	sadd.s32 $0x30, s13;
	s0 =	sadd.s32 $0x0, s0;
	[tilespmem:v0+s23+$0xFFFFFD90 ss:$0x1] =	vst.idx.msk $0xffff, v2  }
0xd0: {  	s20 =	sand.u32 $0x7F, s1;
	s1 =	sshll.u32 s1, $0x2;
	v2 =	vld [tilespmem:s0+$0x180]  }
0xd1: {  	s21 =	sand.u32 $0xFFFFFE00, s1;
	s24 =	sshll.u32 s20, $0x2  }
0xd2: {  	s0 =	sor.u32 s24, s21  }
0xd3: {  	s0 =	sshra.s32 s0, $0x2  }
0xd4: {  	s0 =	sadd.s32 s0, s22  }
0xd5: {  	s25 =	spop (v2sf);
	s0 =	sadd.s32 $0x0, s0;
	[tilespmem:v0+s23+$0xFFFFFDA0 ss:$0x1] =	vst.idx.msk $0xffff, v2  }
0xd6: {  	s26 =	sand.u32 $0x7F, s25;
	s29 =	sshll.u32 s25, $0x2;
	v2 =	vld [tilespmem:s0+$0x180]  }
0xd7: {  	s2 =	sshll.u32 s26, $0x2;
	s0 =	sand.u32 $0xFFFFFE00, s29  }
0xd8: {  	s0 =	sor.u32 s2, s0  }
0xd9: {  	s0 =	sshra.s32 s0, $0x2  }
0xda: {  	s0 =	sadd.s32 s0, s22  }
0xdb: {  	s30 =	sadd.s32 $0x10, s25;
	s0 =	sadd.s32 $0x0, s0;
	[tilespmem:v0+s23+$0xFFFFFDB0 ss:$0x1] =	vst.idx.msk $0xffff, v2  }
0xdc: {  	s31 =	sand.u32 $0x7F, s30;
	s2 =	sshll.u32 s30, $0x2;
	v2 =	vld [tilespmem:s0+$0x200]  }
0xdd: {  	s2 =	sand.u32 $0xFFFFFE00, s2;
	s0 =	sshll.u32 s31, $0x2  }
0xde: {  	(v2sf) =	vpush v1, $0x5;
	s0 =	sor.u32 s0, s2  }
0xdf: {  	s0 =	sshra.s32 s0, $0x2  }
0xe0: {  	s0 =	sadd.s32 s0, s22  }
0xe1: {  	s3 =	sadd.s32 $0x20, s25;
	s0 =	sadd.s32 $0x0, s0;
	[tilespmem:v0+s23+$0xFFFFFE00 ss:$0x1] =	vst.idx.msk $0xffff, v2  }
0xe2: {  	s4 =	sand.u32 $0x7F, s3;
	s2 =	sshll.u32 s3, $0x2;
	v2 =	vld [tilespmem:s0+$0x200]  }
0xe3: {  	s2 =	sand.u32 $0xFFFFFE00, s2;
	s0 =	sshll.u32 s4, $0x2  }
0xe4: {  	s0 =	sor.u32 s0, s2  }
0xe5: {  	s0 =	sshra.s32 s0, $0x2  }
0xe6: {  	s0 =	sadd.s32 s0, s22  }
0xe7: {  	s1 =	sadd.s32 $0x30, s25;
	s0 =	sadd.s32 $0x0, s0;
	[tilespmem:v0+s23+$0xFFFFFE10 ss:$0x1] =	vst.idx.msk $0xffff, v2  }
0xe8: {  	s7 =	sand.u32 $0x7F, s1;
	s1 =	sshll.u32 s1, $0x2;
	v2 =	vld [tilespmem:s0+$0x200]  }
0xe9: {  	s8 =	sand.u32 $0xFFFFFE00, s1;
	s9 =	sshll.u32 s7, $0x2  }
0xea: {  	s0 =	sor.u32 s9, s8  }
0xeb: {  	s0 =	sshra.s32 s0, $0x2  }
0xec: {  	s0 =	sadd.s32 s0, s22  }
0xed: {  	s10 =	spop (v2sf);
	s0 =	sadd.s32 $0x0, s0;
	[tilespmem:v0+s23+$0xFFFFFE20 ss:$0x1] =	vst.idx.msk $0xffff, v2  }
0xee: {  	s11 =	sand.u32 $0x7F, s10;
	s12 =	sshll.u32 s10, $0x2;
	v2 =	vld [tilespmem:s0+$0x200]  }
0xef: {  	s2 =	sshll.u32 s11, $0x2;
	s0 =	sand.u32 $0xFFFFFE00, s12  }
0xf0: {  	s0 =	sor.u32 s2, s0  }
0xf1: {  	s0 =	sshra.s32 s0, $0x2  }
0xf2: {  	s0 =	sadd.s32 s0, s22  }
0xf3: {  	s13 =	sadd.s32 $0x10, s10;
	s0 =	sadd.s32 $0x0, s0;
	[tilespmem:v0+s23+$0xFFFFFE30 ss:$0x1] =	vst.idx.msk $0xffff, v2  }
0xf4: {  	s14 =	sand.u32 $0x7F, s13;
	s2 =	sshll.u32 s13, $0x2;
	v2 =	vld [tilespmem:s0+$0x280]  }
0xf5: {  	s2 =	sand.u32 $0xFFFFFE00, s2;
	s0 =	sshll.u32 s14, $0x2  }
0xf6: {  	(v2sf) =	vpush v1, $0x6;
	s0 =	sor.u32 s0, s2  }
0xf7: {  	s0 =	sshra.s32 s0, $0x2  }
0xf8: {  	s0 =	sadd.s32 s0, s22  }
0xf9: {  	s15 =	sadd.s32 $0x20, s10;
	s0 =	sadd.s32 $0x0, s0;
	[tilespmem:v0+s23+$0xFFFFFE80 ss:$0x1] =	vst.idx.msk $0xffff, v2  }
0xfa: {  	s16 =	sand.u32 $0x7F, s15;
	s2 =	sshll.u32 s15, $0x2;
	v2 =	vld [tilespmem:s0+$0x280]  }
0xfb: {  	s2 =	sand.u32 $0xFFFFFE00, s2;
	s0 =	sshll.u32 s16, $0x2  }
0xfc: {  	s0 =	sor.u32 s0, s2  }
0xfd: {  	s0 =	sshra.s32 s0, $0x2  }
0xfe: {  	s0 =	sadd.s32 s0, s22  }
0xff: {  	s1 =	sadd.s32 $0x30, s10;
	s0 =	sadd.s32 $0x0, s0;
	[tilespmem:v0+s23+$0xFFFFFE90 ss:$0x1] =	vst.idx.msk $0xffff, v2  }
0x100: {  	s17 =	sand.u32 $0x7F, s1;
	s1 =	sshll.u32 s1, $0x2;
	v2 =	vld [tilespmem:s0+$0x280]  }
0x101: {  	s18 =	sand.u32 $0xFFFFFE00, s1;
	s19 =	sshll.u32 s17, $0x2  }
0x102: {  	s0 =	sor.u32 s19, s18  }
0x103: {  	s0 =	sshra.s32 s0, $0x2  }
0x104: {  	s0 =	sadd.s32 s0, s22  }
0x105: {  	s20 =	spop (v2sf);
	s0 =	sadd.s32 $0x0, s0;
	[tilespmem:v0+s23+$0xFFFFFEA0 ss:$0x1] =	vst.idx.msk $0xffff, v2  }
0x106: {  	s21 =	sand.u32 $0x7F, s20;
	s24 =	sshll.u32 s20, $0x2;
	v2 =	vld [tilespmem:s0+$0x280]  }
0x107: {  	s2 =	sshll.u32 s21, $0x2;
	s0 =	sand.u32 $0xFFFFFE00, s24  }
0x108: {  	s0 =	sor.u32 s2, s0  }
0x109: {  	s0 =	sshra.s32 s0, $0x2  }
0x10a: {  	s0 =	sadd.s32 s0, s22  }
0x10b: {  	s25 =	sadd.s32 $0x10, s20;
	s0 =	sadd.s32 $0x0, s0;
	[tilespmem:v0+s23+$0xFFFFFEB0 ss:$0x1] =	vst.idx.msk $0xffff, v2  }
0x10c: {  	s26 =	sand.u32 $0x7F, s25;
	s2 =	sshll.u32 s25, $0x2;
	v2 =	vld [tilespmem:s0+$0x300]  }
0x10d: {  	s2 =	sand.u32 $0xFFFFFE00, s2;
	s0 =	sshll.u32 s26, $0x2  }
0x10e: {  	(v2sf) =	vpush v1, $0x7;
	s0 =	sor.u32 s0, s2  }
0x10f: {  	s0 =	sshra.s32 s0, $0x2  }
0x110: {  	s0 =	sadd.s32 s0, s22  }
0x111: {  	s29 =	sadd.s32 $0x20, s20;
	s0 =	sadd.s32 $0x0, s0;
	[tilespmem:v0+s23+$0xFFFFFF00 ss:$0x1] =	vst.idx.msk $0xffff, v2  }
0x112: {  	s30 =	sand.u32 $0x7F, s29;
	s2 =	sshll.u32 s29, $0x2;
	v2 =	vld [tilespmem:s0+$0x300]  }
0x113: {  	s2 =	sand.u32 $0xFFFFFE00, s2;
	s0 =	sshll.u32 s30, $0x2  }
0x114: {  	s0 =	sor.u32 s0, s2  }
0x115: {  	s0 =	sshra.s32 s0, $0x2  }
0x116: {  	s0 =	sadd.s32 s0, s22  }
0x117: {  	s1 =	sadd.s32 $0x30, s20;
	s0 =	sadd.s32 $0x0, s0;
	[tilespmem:v0+s23+$0xFFFFFF10 ss:$0x1] =	vst.idx.msk $0xffff, v2  }
0x118: {  	s31 =	sand.u32 $0x7F, s1;
	s1 =	sshll.u32 s1, $0x2;
	v2 =	vld [tilespmem:s0+$0x300]  }
0x119: {  	s1 =	sand.u32 $0xFFFFFE00, s1;
	s3 =	sshll.u32 s31, $0x2  }
0x11a: {  	s0 =	sor.u32 s3, s1  }
0x11b: {  	s0 =	sshra.s32 s0, $0x2  }
0x11c: {  	s0 =	sadd.s32 s0, s22  }
0x11d: {  	s4 =	spop (v2sf);
	s0 =	sadd.s32 $0x0, s0;
	[tilespmem:v0+s23+$0xFFFFFF20 ss:$0x1] =	vst.idx.msk $0xffff, v2  }
0x11e: {  	s7 =	sand.u32 $0x7F, s4;
	s8 =	sshll.u32 s4, $0x2;
	v2 =	vld [tilespmem:s0+$0x300]  }
0x11f: {  	s2 =	sshll.u32 s7, $0x2;
	s0 =	sand.u32 $0xFFFFFE00, s8  }
0x120: {  	s0 =	sor.u32 s2, s0  }
0x121: {  	s0 =	sshra.s32 s0, $0x2  }
0x122: {  	s0 =	sadd.s32 s0, s22  }
0x123: {  	s9 =	sadd.s32 $0x10, s4;
	s0 =	sadd.s32 $0x0, s0;
	[tilespmem:v0+s23+$0xFFFFFF30 ss:$0x1] =	vst.idx.msk $0xffff, v2  }
0x124: {  	s10 =	sand.u32 $0x7F, s9;
	s2 =	sshll.u32 s9, $0x2;
	v2 =	vld [tilespmem:s0+$0x380]  }
0x125: {  	s2 =	sand.u32 $0xFFFFFE00, s2;
	s0 =	sshll.u32 s10, $0x2  }
0x126: {  	(v2sf) =	vpush v1, $0x8;
	s0 =	sor.u32 s0, s2  }
0x127: {  	s0 =	sshra.s32 s0, $0x2  }
0x128: {  	s0 =	sadd.s32 s0, s22  }
0x129: {  	s11 =	sadd.s32 $0x20, s4;
	s0 =	sadd.s32 $0x0, s0;
	[tilespmem:v0+s23+$0xFFFFFF80 ss:$0x1] =	vst.idx.msk $0xffff, v2  }
0x12a: {  	s12 =	sand.u32 $0x7F, s11;
	s2 =	sshll.u32 s11, $0x2;
	v2 =	vld [tilespmem:s0+$0x380]  }
0x12b: {  	s2 =	sand.u32 $0xFFFFFE00, s2;
	s0 =	sshll.u32 s12, $0x2  }
0x12c: {  	s0 =	sor.u32 s0, s2  }
0x12d: {  	s0 =	sshra.s32 s0, $0x2  }
0x12e: {  	s0 =	sadd.s32 s0, s22  }
0x12f: {  	s1 =	sadd.s32 $0x30, s4;
	s0 =	sadd.s32 $0x0, s0;
	[tilespmem:v0+s23+$0xFFFFFF90 ss:$0x1] =	vst.idx.msk $0xffff, v2  }
0x130: {  	s13 =	sand.u32 $0x7F, s1;
	s1 =	sshll.u32 s1, $0x2;
	v2 =	vld [tilespmem:s0+$0x380]  }
0x131: {  	s14 =	sand.u32 $0xFFFFFE00, s1;
	s15 =	sshll.u32 s13, $0x2  }
0x132: {  	s0 =	sor.u32 s15, s14  }
0x133: {  	s0 =	sshra.s32 s0, $0x2  }
0x134: {  	s0 =	sadd.s32 s0, s22  }
0x135: {  	s16 =	spop (v2sf);
	s0 =	sadd.s32 $0x0, s0;
	[tilespmem:v0+s23+$0xFFFFFFA0 ss:$0x1] =	vst.idx.msk $0xffff, v2  }
0x136: {  	s17 =	sand.u32 $0x7F, s16;
	s18 =	sshll.u32 s16, $0x2;
	v2 =	vld [tilespmem:s0+$0x380]  }
0x137: {  	s2 =	sshll.u32 s17, $0x2;
	s0 =	sand.u32 $0xFFFFFE00, s18  }
0x138: {  	s0 =	sor.u32 s2, s0  }
0x139: {  	s0 =	sshra.s32 s0, $0x2  }
0x13a: {  	s0 =	sadd.s32 s0, s22  }
0x13b: {  	s19 =	sadd.s32 $0x10, s16;
	s0 =	sadd.s32 $0x0, s0;
	[tilespmem:v0+s23+$0xFFFFFFB0 ss:$0x1] =	vst.idx.msk $0xffff, v2  }
0x13c: {  	s20 =	sand.u32 $0x7F, s19;
	s2 =	sshll.u32 s19, $0x2;
	v2 =	vld [tilespmem:s0+$0x400]  }
0x13d: {  	s2 =	sand.u32 $0xFFFFFE00, s2;
	s0 =	sshll.u32 s20, $0x2  }
0x13e: {  	(v2sf) =	vpush v1, $0x9;
	s0 =	sor.u32 s0, s2  }
0x13f: {  	s0 =	sshra.s32 s0, $0x2  }
0x140: {  	s0 =	sadd.s32 s0, s22  }
0x141: {  	s21 =	sadd.s32 $0x20, s16;
	s0 =	sadd.s32 $0x0, s0;
	[tilespmem:v0+s23+$0x0 ss:$0x1] =	vst.idx.msk $0xffff, v2  }
0x142: {  	s24 =	sand.u32 $0x7F, s21;
	s2 =	sshll.u32 s21, $0x2;
	v2 =	vld [tilespmem:s0+$0x400]  }
0x143: {  	s2 =	sand.u32 $0xFFFFFE00, s2;
	s0 =	sshll.u32 s24, $0x2  }
0x144: {  	s0 =	sor.u32 s0, s2  }
0x145: {  	s0 =	sshra.s32 s0, $0x2  }
0x146: {  	s0 =	sadd.s32 s0, s22  }
0x147: {  	s1 =	sadd.s32 $0x30, s16;
	s0 =	sadd.s32 $0x0, s0;
	[tilespmem:v0+s23+$0x10 ss:$0x1] =	vst.idx.msk $0xffff, v2  }
0x148: {  	s25 =	sand.u32 $0x7F, s1;
	s1 =	sshll.u32 s1, $0x2;
	v2 =	vld [tilespmem:s0+$0x400]  }
0x149: {  	s26 =	sand.u32 $0xFFFFFE00, s1;
	s29 =	sshll.u32 s25, $0x2  }
0x14a: {  	s0 =	sor.u32 s29, s26  }
0x14b: {  	s0 =	sshra.s32 s0, $0x2  }
0x14c: {  	s0 =	sadd.s32 s0, s22  }
0x14d: {  	s30 =	spop (v2sf);
	s0 =	sadd.s32 $0x0, s0;
	[tilespmem:v0+s23+$0x20 ss:$0x1] =	vst.idx.msk $0xffff, v2  }
0x14e: {  	s31 =	sand.u32 $0x7F, s30;
	s3 =	sshll.u32 s30, $0x2;
	v2 =	vld [tilespmem:s0+$0x400]  }
0x14f: {  	s2 =	sshll.u32 s31, $0x2;
	s0 =	sand.u32 $0xFFFFFE00, s3  }
0x150: {  	s0 =	sor.u32 s2, s0  }
0x151: {  	s0 =	sshra.s32 s0, $0x2  }
0x152: {  	s0 =	sadd.s32 s0, s22  }
0x153: {  	s4 =	sadd.s32 $0x10, s30;
	s0 =	sadd.s32 $0x0, s0;
	[tilespmem:v0+s23+$0x30 ss:$0x1] =	vst.idx.msk $0xffff, v2  }
0x154: {  	s7 =	sand.u32 $0x7F, s4;
	s2 =	sshll.u32 s4, $0x2;
	v2 =	vld [tilespmem:s0+$0x480]  }
0x155: {  	s2 =	sand.u32 $0xFFFFFE00, s2;
	s0 =	sshll.u32 s7, $0x2  }
0x156: {  	(v2sf) =	vpush v1, $0xA;
	s0 =	sor.u32 s0, s2  }
0x157: {  	s0 =	sshra.s32 s0, $0x2  }
0x158: {  	s0 =	sadd.s32 s0, s22  }
0x159: {  	s8 =	sadd.s32 $0x20, s30;
	s0 =	sadd.s32 $0x0, s0;
	[tilespmem:v0+s23+$0x80 ss:$0x1] =	vst.idx.msk $0xffff, v2  }
0x15a: {  	s9 =	sand.u32 $0x7F, s8;
	s2 =	sshll.u32 s8, $0x2;
	v2 =	vld [tilespmem:s0+$0x480]  }
0x15b: {  	s2 =	sand.u32 $0xFFFFFE00, s2;
	s0 =	sshll.u32 s9, $0x2  }
0x15c: {  	s0 =	sor.u32 s0, s2  }
0x15d: {  	s0 =	sshra.s32 s0, $0x2  }
0x15e: {  	s0 =	sadd.s32 s0, s22  }
0x15f: {  	s1 =	sadd.s32 $0x30, s30;
	s0 =	sadd.s32 $0x0, s0;
	[tilespmem:v0+s23+$0x90 ss:$0x1] =	vst.idx.msk $0xffff, v2  }
0x160: {  	s10 =	sand.u32 $0x7F, s1;
	s1 =	sshll.u32 s1, $0x2;
	v2 =	vld [tilespmem:s0+$0x480]  }
0x161: {  	s11 =	sand.u32 $0xFFFFFE00, s1;
	s12 =	sshll.u32 s10, $0x2  }
0x162: {  	s0 =	sor.u32 s12, s11  }
0x163: {  	s0 =	sshra.s32 s0, $0x2  }
0x164: {  	s0 =	sadd.s32 s0, s22  }
0x165: {  	s13 =	spop (v2sf);
	s0 =	sadd.s32 $0x0, s0;
	[tilespmem:v0+s23+$0xA0 ss:$0x1] =	vst.idx.msk $0xffff, v2  }
0x166: {  	s14 =	sand.u32 $0x7F, s13;
	s15 =	sshll.u32 s13, $0x2;
	v2 =	vld [tilespmem:s0+$0x480]  }
0x167: {  	s2 =	sshll.u32 s14, $0x2;
	s0 =	sand.u32 $0xFFFFFE00, s15  }
0x168: {  	s0 =	sor.u32 s2, s0  }
0x169: {  	s0 =	sshra.s32 s0, $0x2  }
0x16a: {  	s0 =	sadd.s32 s0, s22  }
0x16b: {  	s16 =	sadd.s32 $0x10, s13;
	s0 =	sadd.s32 $0x0, s0;
	[tilespmem:v0+s23+$0xB0 ss:$0x1] =	vst.idx.msk $0xffff, v2  }
0x16c: {  	s17 =	sand.u32 $0x7F, s16;
	s2 =	sshll.u32 s16, $0x2;
	v2 =	vld [tilespmem:s0+$0x500]  }
0x16d: {  	s2 =	sand.u32 $0xFFFFFE00, s2;
	s0 =	sshll.u32 s17, $0x2  }
0x16e: {  	(v2sf) =	vpush v1, $0xB;
	s0 =	sor.u32 s0, s2  }
0x16f: {  	s0 =	sshra.s32 s0, $0x2  }
0x170: {  	s0 =	sadd.s32 s0, s22  }
0x171: {  	s18 =	sadd.s32 $0x20, s13;
	s0 =	sadd.s32 $0x0, s0;
	[tilespmem:v0+s23+$0x100 ss:$0x1] =	vst.idx.msk $0xffff, v2  }
0x172: {  	s19 =	sand.u32 $0x7F, s18;
	s2 =	sshll.u32 s18, $0x2;
	v2 =	vld [tilespmem:s0+$0x500]  }
0x173: {  	s2 =	sand.u32 $0xFFFFFE00, s2;
	s0 =	sshll.u32 s19, $0x2  }
0x174: {  	s0 =	sor.u32 s0, s2  }
0x175: {  	s0 =	sshra.s32 s0, $0x2  }
0x176: {  	s0 =	sadd.s32 s0, s22  }
0x177: {  	s1 =	sadd.s32 $0x30, s13;
	s0 =	sadd.s32 $0x0, s0;
	[tilespmem:v0+s23+$0x110 ss:$0x1] =	vst.idx.msk $0xffff, v2  }
0x178: {  	s20 =	sand.u32 $0x7F, s1;
	s1 =	sshll.u32 s1, $0x2;
	v2 =	vld [tilespmem:s0+$0x500]  }
0x179: {  	s21 =	sand.u32 $0xFFFFFE00, s1;
	s24 =	sshll.u32 s20, $0x2  }
0x17a: {  	s0 =	sor.u32 s24, s21  }
0x17b: {  	s0 =	sshra.s32 s0, $0x2  }
0x17c: {  	s0 =	sadd.s32 s0, s22  }
0x17d: {  	s25 =	spop (v2sf);
	s0 =	sadd.s32 $0x0, s0;
	[tilespmem:v0+s23+$0x120 ss:$0x1] =	vst.idx.msk $0xffff, v2  }
0x17e: {  	s26 =	sand.u32 $0x7F, s25;
	s29 =	sshll.u32 s25, $0x2;
	v2 =	vld [tilespmem:s0+$0x500]  }
0x17f: {  	s2 =	sshll.u32 s26, $0x2;
	s0 =	sand.u32 $0xFFFFFE00, s29  }
0x180: {  	s0 =	sor.u32 s2, s0  }
0x181: {  	s0 =	sshra.s32 s0, $0x2  }
0x182: {  	s0 =	sadd.s32 s0, s22  }
0x183: {  	s30 =	sadd.s32 $0x10, s25;
	s0 =	sadd.s32 $0x0, s0;
	[tilespmem:v0+s23+$0x130 ss:$0x1] =	vst.idx.msk $0xffff, v2  }
0x184: {  	s31 =	sand.u32 $0x7F, s30;
	s2 =	sshll.u32 s30, $0x2;
	v2 =	vld [tilespmem:s0+$0x580]  }
0x185: {  	s2 =	sand.u32 $0xFFFFFE00, s2;
	s0 =	sshll.u32 s31, $0x2  }
0x186: {  	(v2sf) =	vpush v1, $0xC;
	s0 =	sor.u32 s0, s2  }
0x187: {  	s0 =	sshra.s32 s0, $0x2  }
0x188: {  	s0 =	sadd.s32 s0, s22  }
0x189: {  	s3 =	sadd.s32 $0x20, s25;
	s0 =	sadd.s32 $0x0, s0;
	[tilespmem:v0+s23+$0x180 ss:$0x1] =	vst.idx.msk $0xffff, v2  }
0x18a: {  	s4 =	sand.u32 $0x7F, s3;
	s2 =	sshll.u32 s3, $0x2;
	v2 =	vld [tilespmem:s0+$0x580]  }
0x18b: {  	s2 =	sand.u32 $0xFFFFFE00, s2;
	s0 =	sshll.u32 s4, $0x2  }
0x18c: {  	s0 =	sor.u32 s0, s2  }
0x18d: {  	s0 =	sshra.s32 s0, $0x2  }
0x18e: {  	s0 =	sadd.s32 s0, s22  }
0x18f: {  	s1 =	sadd.s32 $0x30, s25;
	s0 =	sadd.s32 $0x0, s0;
	[tilespmem:v0+s23+$0x190 ss:$0x1] =	vst.idx.msk $0xffff, v2  }
0x190: {  	s7 =	sand.u32 $0x7F, s1;
	s1 =	sshll.u32 s1, $0x2;
	v2 =	vld [tilespmem:s0+$0x580]  }
0x191: {  	s8 =	sand.u32 $0xFFFFFE00, s1;
	s9 =	sshll.u32 s7, $0x2  }
0x192: {  	s0 =	sor.u32 s9, s8  }
0x193: {  	s0 =	sshra.s32 s0, $0x2  }
0x194: {  	s0 =	sadd.s32 s0, s22  }
0x195: {  	s10 =	spop (v2sf);
	s0 =	sadd.s32 $0x0, s0;
	[tilespmem:v0+s23+$0x1A0 ss:$0x1] =	vst.idx.msk $0xffff, v2  }
0x196: {  	s11 =	sand.u32 $0x7F, s10;
	s12 =	sshll.u32 s10, $0x2;
	v2 =	vld [tilespmem:s0+$0x580]  }
0x197: {  	s2 =	sshll.u32 s11, $0x2;
	s0 =	sand.u32 $0xFFFFFE00, s12  }
0x198: {  	s0 =	sor.u32 s2, s0  }
0x199: {  	s0 =	sshra.s32 s0, $0x2  }
0x19a: {  	s0 =	sadd.s32 s0, s22  }
0x19b: {  	s13 =	sadd.s32 $0x10, s10;
	s0 =	sadd.s32 $0x0, s0;
	[tilespmem:v0+s23+$0x1B0 ss:$0x1] =	vst.idx.msk $0xffff, v2  }
0x19c: {  	s14 =	sand.u32 $0x7F, s13;
	s2 =	sshll.u32 s13, $0x2;
	v2 =	vld [tilespmem:s0+$0x600]  }
0x19d: {  	s2 =	sand.u32 $0xFFFFFE00, s2;
	s0 =	sshll.u32 s14, $0x2  }
0x19e: {  	(v2sf) =	vpush v1, $0xD;
	s0 =	sor.u32 s0, s2  }
0x19f: {  	s0 =	sshra.s32 s0, $0x2  }
0x1a0: {  	s0 =	sadd.s32 s0, s22  }
0x1a1: {  	s15 =	sadd.s32 $0x20, s10;
	s0 =	sadd.s32 $0x0, s0;
	[tilespmem:v0+s23+$0x200 ss:$0x1] =	vst.idx.msk $0xffff, v2  }
0x1a2: {  	s16 =	sand.u32 $0x7F, s15;
	s2 =	sshll.u32 s15, $0x2;
	v2 =	vld [tilespmem:s0+$0x600]  }
0x1a3: {  	s2 =	sand.u32 $0xFFFFFE00, s2;
	s0 =	sshll.u32 s16, $0x2  }
0x1a4: {  	s0 =	sor.u32 s0, s2  }
0x1a5: {  	s0 =	sshra.s32 s0, $0x2  }
0x1a6: {  	s0 =	sadd.s32 s0, s22  }
0x1a7: {  	s1 =	sadd.s32 $0x30, s10;
	s0 =	sadd.s32 $0x0, s0;
	[tilespmem:v0+s23+$0x210 ss:$0x1] =	vst.idx.msk $0xffff, v2  }
0x1a8: {  	s17 =	sand.u32 $0x7F, s1;
	s1 =	sshll.u32 s1, $0x2;
	v2 =	vld [tilespmem:s0+$0x600]  }
0x1a9: {  	s18 =	sand.u32 $0xFFFFFE00, s1;
	s19 =	sshll.u32 s17, $0x2  }
0x1aa: {  	s0 =	sor.u32 s19, s18  }
0x1ab: {  	s0 =	sshra.s32 s0, $0x2  }
0x1ac: {  	s0 =	sadd.s32 s0, s22  }
0x1ad: {  	s20 =	spop (v2sf);
	s0 =	sadd.s32 $0x0, s0;
	[tilespmem:v0+s23+$0x220 ss:$0x1] =	vst.idx.msk $0xffff, v2  }
0x1ae: {  	s21 =	sand.u32 $0x7F, s20;
	s24 =	sshll.u32 s20, $0x2;
	v2 =	vld [tilespmem:s0+$0x600]  }
0x1af: {  	s2 =	sshll.u32 s21, $0x2;
	s0 =	sand.u32 $0xFFFFFE00, s24  }
0x1b0: {  	s0 =	sor.u32 s2, s0  }
0x1b1: {  	s0 =	sshra.s32 s0, $0x2  }
0x1b2: {  	s0 =	sadd.s32 s0, s22  }
0x1b3: {  	s25 =	sadd.s32 $0x10, s20;
	s0 =	sadd.s32 $0x0, s0;
	[tilespmem:v0+s23+$0x230 ss:$0x1] =	vst.idx.msk $0xffff, v2  }
0x1b4: {  	s26 =	sand.u32 $0x7F, s25;
	s2 =	sshll.u32 s25, $0x2;
	v2 =	vld [tilespmem:s0+$0x680]  }
0x1b5: {  	s2 =	sand.u32 $0xFFFFFE00, s2;
	s0 =	sshll.u32 s26, $0x2  }
0x1b6: {  	(v2sf) =	vpush v1, $0xE;
	s0 =	sor.u32 s0, s2  }
0x1b7: {  	s0 =	sshra.s32 s0, $0x2  }
0x1b8: {  	s0 =	sadd.s32 s0, s22  }
0x1b9: {  	s29 =	sadd.s32 $0x20, s20;
	s0 =	sadd.s32 $0x0, s0;
	[tilespmem:v0+s23+$0x280 ss:$0x1] =	vst.idx.msk $0xffff, v2  }
0x1ba: {  	s30 =	sand.u32 $0x7F, s29;
	s2 =	sshll.u32 s29, $0x2;
	v2 =	vld [tilespmem:s0+$0x680]  }
0x1bb: {  	s2 =	sand.u32 $0xFFFFFE00, s2;
	s0 =	sshll.u32 s30, $0x2  }
0x1bc: {  	s0 =	sor.u32 s0, s2  }
0x1bd: {  	s0 =	sshra.s32 s0, $0x2  }
0x1be: {  	s0 =	sadd.s32 s0, s22  }
0x1bf: {  	s1 =	sadd.s32 $0x30, s20;
	s0 =	sadd.s32 $0x0, s0;
	[tilespmem:v0+s23+$0x290 ss:$0x1] =	vst.idx.msk $0xffff, v2  }
0x1c0: {  	s31 =	sand.u32 $0x7F, s1;
	s1 =	sshll.u32 s1, $0x2;
	v2 =	vld [tilespmem:s0+$0x680]  }
0x1c1: {  	s3 =	sand.u32 $0xFFFFFE00, s1;
	s4 =	sshll.u32 s31, $0x2  }
0x1c2: {  	s0 =	sor.u32 s4, s3  }
0x1c3: {  	s0 =	sshra.s32 s0, $0x2  }
0x1c4: {  	s0 =	sadd.s32 s0, s22  }
0x1c5: {  	s7 =	spop (v2sf);
	s0 =	sadd.s32 $0x0, s0;
	[tilespmem:v0+s23+$0x2A0 ss:$0x1] =	vst.idx.msk $0xffff, v2  }
0x1c6: {  	s8 =	sand.u32 $0x7F, s7;
	s9 =	sshll.u32 s7, $0x2;
	v2 =	vld [tilespmem:s0+$0x680]  }
0x1c7: {  	s2 =	sshll.u32 s8, $0x2;
	s0 =	sand.u32 $0xFFFFFE00, s9  }
0x1c8: {  	s0 =	sor.u32 s2, s0  }
0x1c9: {  	s0 =	sshra.s32 s0, $0x2  }
0x1ca: {  	s0 =	sadd.s32 s0, s22  }
0x1cb: {  	s10 =	sadd.s32 $0x10, s7;
	s0 =	sadd.s32 $0x0, s0;
	[tilespmem:v0+s23+$0x2B0 ss:$0x1] =	vst.idx.msk $0xffff, v2  }
0x1cc: {  	s11 =	sand.u32 $0x7F, s10;
	s2 =	sshll.u32 s10, $0x2;
	v2 =	vld [tilespmem:s0+$0x700]  }
0x1cd: {  	s2 =	sand.u32 $0xFFFFFE00, s2;
	s0 =	sshll.u32 s11, $0x2  }
0x1ce: {  	(v2sf) =	vpush v1, $0xF;
	s0 =	sor.u32 s0, s2  }
0x1cf: {  	s0 =	sshra.s32 s0, $0x2  }
0x1d0: {  	s0 =	sadd.s32 s0, s22  }
0x1d1: {  	s12 =	sadd.s32 $0x20, s7;
	s0 =	sadd.s32 $0x0, s0;
	[tilespmem:v0+s23+$0x300 ss:$0x1] =	vst.idx.msk $0xffff, v2  }
0x1d2: {  	s13 =	sand.u32 $0x7F, s12;
	s2 =	sshll.u32 s12, $0x2;
	v1 =	vld [tilespmem:s0+$0x700]  }
0x1d3: {  	s2 =	sand.u32 $0xFFFFFE00, s2;
	s0 =	sshll.u32 s13, $0x2  }
0x1d4: {  	s0 =	sor.u32 s0, s2  }
0x1d5: {  	s0 =	sshra.s32 s0, $0x2  }
0x1d6: {  	s0 =	sadd.s32 s0, s22  }
0x1d7: {  	s1 =	sadd.s32 $0x30, s7;
	s0 =	sadd.s32 $0x0, s0;
	[tilespmem:v0+s23+$0x310 ss:$0x1] =	vst.idx.msk $0xffff, v1  }
0x1d8: {  	s14 =	sand.u32 $0x7F, s1;
	s1 =	sshll.u32 s1, $0x2;
	v1 =	vld [tilespmem:s0+$0x700]  }
0x1d9: {  	s15 =	sand.u32 $0xFFFFFE00, s1;
	s16 =	sshll.u32 s14, $0x2  }
0x1da: {  	s0 =	sor.u32 s16, s15  }
0x1db: {  	s0 =	sshra.s32 s0, $0x2  }
0x1dc: {  	s0 =	sadd.s32 s0, s22  }
0x1dd: {  	s17 =	spop (v2sf);
	s0 =	sadd.s32 $0x0, s0;
	[tilespmem:v0+s23+$0x320 ss:$0x1] =	vst.idx.msk $0xffff, v1  }
0x1de: {  	s18 =	sand.u32 $0x7F, s17;
	s19 =	sshll.u32 s17, $0x2;
	v1 =	vld [tilespmem:s0+$0x700]  }
0x1df: {  	s2 =	sshll.u32 s18, $0x2;
	s0 =	sand.u32 $0xFFFFFE00, s19  }
0x1e0: {  	s0 =	sor.u32 s2, s0  }
0x1e1: {  	s0 =	sshra.s32 s0, $0x2  }
0x1e2: {  	s0 =	sadd.s32 s0, s22  }
0x1e3: {  	s20 =	sadd.s32 $0x10, s17;
	s0 =	sadd.s32 $0x0, s0;
	[tilespmem:v0+s23+$0x330 ss:$0x1] =	vst.idx.msk $0xffff, v1  }
0x1e4: {  	s21 =	sand.u32 $0x7F, s20;
	s2 =	sshll.u32 s20, $0x2;
	v1 =	vld [tilespmem:s0+$0x780]  }
0x1e5: {  	s2 =	sand.u32 $0xFFFFFE00, s2;
	s0 =	sshll.u32 s21, $0x2  }
0x1e6: {  	s0 =	sor.u32 s0, s2  }
0x1e7: {  	s0 =	sshra.s32 s0, $0x2  }
0x1e8: {  	s0 =	sadd.s32 s0, s22  }
0x1e9: {  	s24 =	sadd.s32 $0x20, s17;
	s0 =	sadd.s32 $0x0, s0;
	[tilespmem:v0+s23+$0x380 ss:$0x1] =	vst.idx.msk $0xffff, v1  }
0x1ea: {  	s25 =	sand.u32 $0x7F, s24;
	s2 =	sshll.u32 s24, $0x2;
	v1 =	vld [tilespmem:s0+$0x780]  }
0x1eb: {  	s2 =	sand.u32 $0xFFFFFE00, s2;
	s0 =	sshll.u32 s25, $0x2  }
0x1ec: {  	s0 =	sor.u32 s0, s2  }
0x1ed: {  	s0 =	sshra.s32 s0, $0x2  }
0x1ee: {  	s0 =	sadd.s32 s0, s22  }
0x1ef: {  	s1 =	sadd.s32 $0x30, s17;
	s0 =	sadd.s32 $0x0, s0;
	[tilespmem:v0+s23+$0x390 ss:$0x1] =	vst.idx.msk $0xffff, v1  }
0x1f0: {  	s26 =	sand.u32 $0x7F, s1;
	s1 =	sshll.u32 s1, $0x2;
	v1 =	vld [tilespmem:s0+$0x780]  }
0x1f1: {  	s29 =	sand.u32 $0xFFFFFE00, s1;
	s30 =	sshll.u32 s26, $0x2  }
0x1f2: {  	s0 =	sor.u32 s30, s29  }
0x1f3: {  	s31 =	sshll.u32 s5, $0xE;
	s0 =	sshra.s32 s0, $0x2  }
0x1f4: {  	[dreg:$0x12] =	wrdreg s5;
	s1 =	sand.u32 $0x4000, s31;
	s0 =	sadd.s32 s0, s22  }
0x1f5: {  	[dreg:$0x13] =	wrdreg s31;
	s1 =	sor.u32 $0x12C00, s1;
	s0 =	sadd.s32 $0x0, s0;
	[tilespmem:v0+s23+$0x3A0 ss:$0x1] =	vst.idx.msk $0xffff, v1  }
0x1f6: {  	s28 =	simm.s32 $0x2000;
	[dreg:$0x14] =	wrdreg s1;
	v1 =	vld [tilespmem:s0+$0x780]  }
.LBB2_3:
0x1f7: {  	_ =	sdelay $0x3  }
0x1f8: {  	s6 =	sadd.s32 $0x10, s6;
	[tilespmem:v0+s23+$0x3B0 ss:$0x1] =	vst.idx.msk $0xffff, v1  }
0x1f9: {  	v1 =	vld [tilespmem:s6+$0x0];
	_ =	sdelay $0x4  }
0x1fa: {  	(v2sf) =	vpush v1, $0x0;
	_ =	sdelay $0x1  }
0x1fb: {  	(v2sf) =	vpush v1, $0x1;
	_ =	sdelay $0xb  }
0x1fc: {  	s0 =	smov.u32 s28  }
0x1fd: {  	[dreg:$0x3] =	wrdreg s6;
	s23 =	sshra.s32 s0, $0x2;
	s14 =	spop (v2sf)  }
0x1fe: {  	s1 =	sand.u32 $0x7F, s14;
	s2 =	sshll.u32 s14, $0x2;
	s3 =	sadd.s32 $0x10, s14  }
0x1ff: {  	s17 =	sadd.s32 $0x20, s14;
	s0 =	sadd.s32 $0x30, s14;
	s21 =	spop (v2sf)  }
0x200: {  	s2 =	sand.u32 $0xFFFFFE00, s2;
	s1 =	sshll.u32 s1, $0x2;
	s4 =	sand.u32 $0x7F, s3  }
0x201: {  	s15 =	sshll.u32 s3, $0x2;
	s18 =	sand.u32 $0x7F, s17;
	s1 =	sor.u32 s1, s2  }
0x202: {  	(v2sf) =	vpush v1, $0x2;
	s24 =	sand.u32 $0x7F, s0;
	s0 =	sshll.u32 s0, $0x2;
	s1 =	sshra.s32 s1, $0x2  }
0x203: {  	s25 =	sand.u32 $0x7F, s21;
	s5 =	sshll.u32 s21, $0x2;
	s1 =	sadd.s32 s1, s22  }
0x204: {  	s29 =	sadd.s32 $0x10, s21;
	s10 =	sadd.s32 $0x20, s21;
	s1 =	sadd.s32 s23, s1  }
0x205: {  	(v2sf) =	vpush v1, $0x3;
	s14 =	sadd.s32 $0x30, s21;
	s16 =	sshll.u32 s4, $0x2;
	s2 =	sand.u32 $0xFFFFFE00, s15;
	v2 =	vld [tilespmem:s1+$0x0]  }
0x206: {  	s4 =	sshll.u32 s17, $0x2;
	s3 =	sshll.u32 s18, $0x2;
	s0 =	sand.u32 $0xFFFFFE00, s0  }
0x207: {  	s5 =	sand.u32 $0xFFFFFE00, s5;
	s26 =	sshll.u32 s25, $0x2;
	s2 =	sor.u32 s16, s2  }
0x208: {  	s30 =	sand.u32 $0x7F, s29;
	s11 =	sand.u32 $0x7F, s10;
	s2 =	sshra.s32 s2, $0x2  }
0x209: {  	s20 =	sand.u32 $0xFFFFFE00, s4;
	s4 =	sshll.u32 s24, $0x2;
	s19 =	sadd.s32 s2, s22  }
0x20a: {  	s13 =	sshll.u32 s11, $0x2;
	s0 =	sor.u32 s4, s0;
	s1 =	sadd.s32 s23, s19;
	[tilespmem:v0+s23+$0xFFFFFC00 ss:$0x1] =	vst.idx.msk $0xffff, v2  }
0x20b: {  	s4 =	sshll.u32 s29, $0x2;
	s2 =	sor.u32 s3, s20;
	s0 =	sshra.s32 s0, $0x2;
	v2 =	vld [tilespmem:s1+$0x0]  }
0x20c: {  	s4 =	sand.u32 $0xFFFFFE00, s4;
	s3 =	sand.u32 $0x7F, s14;
	s2 =	sshra.s32 s2, $0x2  }
0x20d: {  	s0 =	sadd.s32 s0, s22;
	s3 =	sshll.u32 s3, $0x2;
	s2 =	sadd.s32 s2, s22  }
0x20e: {  	s0 =	sadd.s32 s23, s0;
	s1 =	sor.u32 s26, s5;
	s5 =	sshll.u32 s30, $0x2  }
0x20f: {  	s2 =	sadd.s32 s23, s2;
	s1 =	sshra.s32 s1, $0x2;
	s9 =	sor.u32 s5, s4  }
0x210: {  	s4 =	sshll.u32 s10, $0x2;
	s31 =	sadd.s32 s1, s22;
	s1 =	sshra.s32 s9, $0x2;
	[tilespmem:v0+s23+$0xFFFFFC10 ss:$0x1] =	vst.idx.msk $0xffff, v2  }
0x211: {  	s7 =	sand.u32 $0xFFFFFE00, s4;
	s15 =	spop (v2sf);
	s1 =	sadd.s32 s1, s22;
	v2 =	vld [tilespmem:s2+$0x0]  }
0x212: {  	s17 =	sand.u32 $0x7F, s15;
	s8 =	sshll.u32 s15, $0x2;
	s20 =	sadd.s32 $0x10, s15  }
0x213: {  	s21 =	sadd.s32 $0x20, s15;
	s6 =	sadd.s32 s23, s31;
	s30 =	sadd.s32 $0x30, s15  }
0x214: {  	s31 =	spop (v2sf);
	s12 =	sadd.s32 s23, s1;
	s1 =	sor.u32 s13, s7  }
0x215: {  	s18 =	sand.u32 $0xFFFFFE00, s8;
	s19 =	sshll.u32 s17, $0x2;
	s24 =	sand.u32 $0x7F, s20  }
0x216: {  	s26 =	sand.u32 $0x7F, s21;
	s7 =	sand.u32 $0x7F, s30;
	s10 =	sand.u32 $0x7F, s31;
	[tilespmem:v0+s23+$0xFFFFFC20 ss:$0x1] =	vst.idx.msk $0xffff, v2  }
0x217: {  	s11 =	sshll.u32 s31, $0x2;
	s15 =	sadd.s32 $0x10, s31;
	s17 =	sadd.s32 $0x20, s31;
	v2 =	vld [tilespmem:s0+$0x0]  }
0x218: {  	s1 =	sshra.s32 s1, $0x2;
	s8 =	sshll.u32 s24, $0x2;
	s2 =	sshll.u32 s14, $0x2  }
0x219: {  	(v2sf) =	vpush v1, $0x4;
	s29 =	sshll.u32 s26, $0x2;
	s7 =	sshll.u32 s7, $0x2;
	s2 =	sand.u32 $0xFFFFFE00, s2  }
0x21a: {  	s13 =	sand.u32 $0xFFFFFE00, s11;
	s24 =	sadd.s32 $0x30, s31;
	s2 =	sor.u32 s3, s2  }
0x21b: {  	s1 =	sadd.s32 s1, s22;
	s16 =	sshra.s32 s2, $0x2;
	s2 =	sshll.u32 s21, $0x2  }
0x21c: {  	s5 =	sadd.s32 s23, s1;
	s1 =	sadd.s32 s16, s22;
	s2 =	sand.u32 $0xFFFFFE00, s2;
	[tilespmem:v0+s23+$0xFFFFFC30 ss:$0x1] =	vst.idx.msk $0xffff, v2  }
0x21d: {  	s16 =	sand.u32 $0x7F, s15;
	s3 =	sadd.s32 s23, s1;
	s1 =	sshll.u32 s20, $0x2;
	v2 =	vld [tilespmem:s6+$0x80]  }
0x21e: {  	s2 =	sor.u32 s29, s2;
	s0 =	sor.u32 s19, s18;
	s9 =	sand.u32 $0xFFFFFE00, s1  }
0x21f: {  	s2 =	sshra.s32 s2, $0x2;
	s18 =	sand.u32 $0x7F, s17;
	s0 =	sshra.s32 s0, $0x2  }
0x220: {  	s25 =	sor.u32 s8, s9;
	s2 =	sadd.s32 s2, s22;
	s9 =	sshll.u32 s18, $0x2  }
0x221: {  	s8 =	sand.u32 $0x7F, s24;
	s0 =	sadd.s32 s0, s22;
	s6 =	sshll.u32 s30, $0x2  }
0x222: {  	s2 =	sadd.s32 s23, s2;
	s1 =	sadd.s32 s23, s0;
	s6 =	sand.u32 $0xFFFFFE00, s6;
	[tilespmem:v0+s23+$0xFFFFFC80 ss:$0x1] =	vst.idx.msk $0xffff, v2  }
0x223: {  	s0 =	sshra.s32 s25, $0x2;
	s6 =	sor.u32 s7, s6;
	s7 =	sshll.u32 s10, $0x2;
	v2 =	vld [tilespmem:s12+$0x80]  }
0x224: {  	(v2sf) =	vpush v1, $0x5;
	s8 =	sshll.u32 s8, $0x2;
	s0 =	sadd.s32 s0, s22;
	s14 =	sor.u32 s7, s13  }
0x225: {  	s0 =	sadd.s32 s23, s0;
	s6 =	sshra.s32 s6, $0x2;
	s4 =	sshra.s32 s14, $0x2  }
0x226: {  	s4 =	sadd.s32 s4, s22;
	s12 =	sadd.s32 s6, s22;
	s6 =	sshll.u32 s15, $0x2  }
0x227: {  	s7 =	sshll.u32 s16, $0x2;
	s4 =	sadd.s32 s23, s4;
	s6 =	sand.u32 $0xFFFFFE00, s6  }
0x228: {  	s11 =	sadd.s32 s23, s12;
	s12 =	spop (v2sf);
	s6 =	sor.u32 s7, s6;
	[tilespmem:v0+s23+$0xFFFFFC90 ss:$0x1] =	vst.idx.msk $0xffff, v2  }
0x229: {  	s7 =	sshll.u32 s17, $0x2;
	s26 =	sand.u32 $0x7F, s12;
	s29 =	sshll.u32 s12, $0x2;
	v2 =	vld [tilespmem:s5+$0x80]  }
0x22a: {  	s13 =	sadd.s32 $0x10, s12;
	s16 =	sadd.s32 $0x20, s12;
	s6 =	sshra.s32 s6, $0x2  }
0x22b: {  	s20 =	sand.u32 $0xFFFFFE00, s7;
	s31 =	sand.u32 $0xFFFFFE00, s29;
	s14 =	sand.u32 $0x7F, s13  }
0x22c: {  	s17 =	sand.u32 $0x7F, s16;
	s19 =	sadd.s32 s6, s22;
	s21 =	sor.u32 s9, s20  }
0x22d: {  	(v2sf) =	vpush v1, $0x6;
	s6 =	sshll.u32 s24, $0x2;
	s20 =	sshll.u32 s17, $0x2;
	s24 =	sadd.s32 $0x30, s12  }
0x22e: {  	s7 =	sadd.s32 s23, s19;
	s6 =	sand.u32 $0xFFFFFE00, s6;
	s5 =	sshra.s32 s21, $0x2;
	[tilespmem:v0+s23+$0xFFFFFCA0 ss:$0x1] =	vst.idx.msk $0xffff, v2  }
0x22f: {  	s25 =	sor.u32 s8, s6;
	s6 =	sshll.u32 s26, $0x2;
	s5 =	sadd.s32 s5, s22;
	v2 =	vld [tilespmem:s3+$0x80]  }
0x230: {  	s8 =	sor.u32 s6, s31;
	s10 =	sadd.s32 s23, s5;
	s5 =	sshra.s32 s25, $0x2  }
0x231: {  	s25 =	sand.u32 $0x7F, s24;
	s30 =	sadd.s32 s5, s22;
	s5 =	sshll.u32 s13, $0x2  }
0x232: {  	s6 =	sshll.u32 s14, $0x2;
	s26 =	sshll.u32 s25, $0x2;
	s5 =	sand.u32 $0xFFFFFE00, s5  }
0x233: {  	s9 =	sadd.s32 s23, s30;
	s30 =	spop (v2sf);
	s15 =	sor.u32 s6, s5  }
0x234: {  	s5 =	sshll.u32 s16, $0x2;
	s31 =	sand.u32 $0x7F, s30;
	s13 =	sshll.u32 s30, $0x2;
	[tilespmem:v0+s23+$0xFFFFFCB0 ss:$0x1] =	vst.idx.msk $0xffff, v2  }
0x235: {  	s17 =	sadd.s32 $0x20, s30;
	s3 =	sshra.s32 s8, $0x2;
	s19 =	sand.u32 $0xFFFFFE00, s5;
	v2 =	vld [tilespmem:s1+$0x100]  }
0x236: {  	s13 =	sand.u32 $0xFFFFFE00, s13;
	s12 =	sshll.u32 s31, $0x2;
	s3 =	sadd.s32 s3, s22  }
0x237: {  	s21 =	sor.u32 s20, s19;
	s8 =	sadd.s32 s23, s3;
	s3 =	sshra.s32 s15, $0x2  }
0x238: {  	s14 =	sor.u32 s12, s13;
	s15 =	sadd.s32 $0x10, s30;
	s18 =	sadd.s32 s3, s22  }
0x239: {  	s3 =	sshll.u32 s24, $0x2;
	s16 =	sand.u32 $0x7F, s15;
	s12 =	sshll.u32 s15, $0x2  }
0x23a: {  	s3 =	sand.u32 $0xFFFFFE00, s3;
	s12 =	sand.u32 $0xFFFFFE00, s12;
	s13 =	sshll.u32 s16, $0x2;
	[tilespmem:v0+s23+$0xFFFFFD00 ss:$0x1] =	vst.idx.msk $0xffff, v2  }
0x23b: {  	s6 =	sadd.s32 s23, s18;
	s29 =	sor.u32 s26, s3;
	s12 =	sor.u32 s13, s12;
	v2 =	vld [tilespmem:s0+$0x100]  }
0x23c: {  	s13 =	sshll.u32 s17, $0x2;
	s3 =	sadd.s32 $0x30, s30;
	s26 =	spop (v2sf)  }
0x23d: {  	s1 =	sshra.s32 s21, $0x2;
	s12 =	sshra.s32 s12, $0x2;
	s19 =	sand.u32 $0xFFFFFE00, s13  }
0x23e: {  	s21 =	sand.u32 $0x7F, s3;
	s3 =	sshll.u32 s3, $0x2;
	s15 =	sshll.u32 s26, $0x2  }
0x23f: {  	s1 =	sadd.s32 s1, s22;
	s18 =	sadd.s32 s12, s22;
	s24 =	sand.u32 $0xFFFFFE00, s3  }
0x240: {  	(v2sf) =	vpush v1, $0x7;
	s13 =	sshll.u32 s21, $0x2;
	s0 =	sshra.s32 s14, $0x2;
	s14 =	sand.u32 $0x7F, s17;
	[tilespmem:v0+s23+$0xFFFFFD10 ss:$0x1] =	vst.idx.msk $0xffff, v2  }
0x241: {  	s31 =	sand.u32 $0xFFFFFE00, s15;
	s5 =	sadd.s32 s23, s1;
	s20 =	sshll.u32 s14, $0x2;
	v2 =	vld [tilespmem:s2+$0x100]  }
0x242: {  	s1 =	sshra.s32 s29, $0x2;
	s25 =	sor.u32 s13, s24;
	s12 =	sor.u32 s20, s19  }
0x243: {  	s29 =	sand.u32 $0x7F, s26;
	s1 =	sadd.s32 s1, s22;
	s12 =	sshra.s32 s12, $0x2  }
0x244: {  	s1 =	sadd.s32 s23, s1;
	s14 =	sshll.u32 s29, $0x2;
	s12 =	sadd.s32 s12, s22  }
0x245: {  	s3 =	sadd.s32 s23, s12;
	s12 =	sshra.s32 s25, $0x2;
	s2 =	sadd.s32 s23, s18  }
0x246: {  	s30 =	sadd.s32 s12, s22;
	s12 =	sor.u32 s14, s31;
	s18 =	sadd.s32 $0x20, s26;
	[tilespmem:v0+s23+$0xFFFFFD20 ss:$0x1] =	vst.idx.msk $0xffff, v2  }
0x247: {  	s14 =	sadd.s32 $0x10, s26;
	s26 =	sadd.s32 $0x30, s26;
	s19 =	sand.u32 $0x7F, s18;
	v2 =	vld [tilespmem:s11+$0x100]  }
0x248: {  	s15 =	sand.u32 $0x7F, s14;
	s13 =	sand.u32 $0x7F, s26;
	s25 =	sshll.u32 s19, $0x2  }
0x249: {  	s13 =	sshll.u32 s13, $0x2;
	s11 =	sshra.s32 s12, $0x2;
	s12 =	sshll.u32 s14, $0x2  }
0x24a: {  	s14 =	sshll.u32 s15, $0x2;
	s11 =	sadd.s32 s11, s22;
	s12 =	sand.u32 $0xFFFFFE00, s12  }
0x24b: {  	(v2sf) =	vpush v1, $0x8;
	s24 =	sadd.s32 s23, s11;
	s17 =	sor.u32 s14, s12;
	s12 =	sshll.u32 s18, $0x2  }
0x24c: {  	s11 =	sshra.s32 s17, $0x2;
	s21 =	sand.u32 $0xFFFFFE00, s12;
	s12 =	sshll.u32 s26, $0x2;
	[tilespmem:v0+s23+$0xFFFFFD30 ss:$0x1] =	vst.idx.msk $0xffff, v2  }
0x24d: {  	s20 =	sadd.s32 s11, s22;
	s11 =	sor.u32 s25, s21;
	s12 =	sand.u32 $0xFFFFFE00, s12;
	v2 =	vld [tilespmem:s4+$0x180]  }
0x24e: {  	s16 =	sadd.s32 s23, s30;
	s11 =	sshra.s32 s11, $0x2;
	s29 =	sor.u32 s13, s12  }
0x24f: {  	s12 =	spop (v2sf);
	s4 =	sadd.s32 s23, s20;
	s11 =	sadd.s32 s11, s22  }
0x250: {  	s30 =	sand.u32 $0x7F, s12;
	s31 =	sshll.u32 s12, $0x2;
	s17 =	sadd.s32 $0x10, s12  }
0x251: {  	s25 =	sadd.s32 $0x20, s12;
	s12 =	sadd.s32 $0x30, s12;
	s18 =	sadd.s32 s23, s11  }
0x252: {  	s11 =	sshra.s32 s29, $0x2;
	s15 =	sand.u32 $0xFFFFFE00, s31;
	s13 =	sshll.u32 s30, $0x2;
	[tilespmem:v0+s23+$0xFFFFFD80 ss:$0x1] =	vst.idx.msk $0xffff, v2  }
0x253: {  	s19 =	sand.u32 $0x7F, s17;
	s26 =	sand.u32 $0x7F, s25;
	s11 =	sadd.s32 s11, s22;
	v2 =	vld [tilespmem:s7+$0x180]  }
0x254: {  	s14 =	sshll.u32 s19, $0x2;
	s31 =	sshll.u32 s26, $0x2;
	s7 =	sadd.s32 s23, s11  }
0x255: {  	s11 =	sor.u32 s13, s15;
	s13 =	sshll.u32 s17, $0x2;
	s15 =	sand.u32 $0x7F, s12  }
0x256: {  	s12 =	sshll.u32 s12, $0x2;
	s11 =	sshra.s32 s11, $0x2;
	s20 =	sand.u32 $0xFFFFFE00, s13  }
0x257: {  	s12 =	sand.u32 $0xFFFFFE00, s12;
	s11 =	sadd.s32 s11, s22;
	s21 =	sor.u32 s14, s20  }
0x258: {  	s14 =	sshll.u32 s25, $0x2;
	s13 =	sadd.s32 s23, s11;
	s11 =	sshra.s32 s21, $0x2;
	[tilespmem:v0+s23+$0xFFFFFD90 ss:$0x1] =	vst.idx.msk $0xffff, v2  }
0x259: {  	(v2sf) =	vpush v1, $0x9;
	s30 =	sand.u32 $0xFFFFFE00, s14;
	s14 =	sshll.u32 s15, $0x2;
	s29 =	sadd.s32 s11, s22;
	v2 =	vld [tilespmem:s10+$0x180]  }
0x25a: {  	s11 =	sor.u32 s31, s30;
	s17 =	sor.u32 s14, s12;
	s12 =	spop (v2sf)  }
0x25b: {  	s0 =	sadd.s32 s0, s22;
	s11 =	sshra.s32 s11, $0x2;
	s19 =	sand.u32 $0x7F, s12  }
0x25c: {  	s20 =	sshll.u32 s12, $0x2;
	s10 =	sadd.s32 s23, s29;
	s11 =	sadd.s32 s11, s22  }
0x25d: {  	s25 =	sand.u32 $0xFFFFFE00, s20;
	s14 =	sshll.u32 s19, $0x2;
	s29 =	sadd.s32 $0x10, s12  }
0x25e: {  	s31 =	sadd.s32 s23, s11;
	s11 =	sshra.s32 s17, $0x2;
	s26 =	sor.u32 s14, s25;
	[tilespmem:v0+s23+$0xFFFFFDA0 ss:$0x1] =	vst.idx.msk $0xffff, v2  }
0x25f: {  	s30 =	sand.u32 $0x7F, s29;
	s17 =	sadd.s32 $0x20, s12;
	s21 =	sadd.s32 s11, s22;
	v2 =	vld [tilespmem:s9+$0x180]  }
0x260: {  	s11 =	sshll.u32 s29, $0x2;
	s14 =	sshll.u32 s30, $0x2;
	s9 =	sadd.s32 s23, s21  }
0x261: {  	s19 =	sand.u32 $0x7F, s17;
	[dreg:$0x4] =	wrdreg s9;
	s9 =	sshra.s32 s26, $0x2  }
0x262: {  	s29 =	sadd.s32 $0x30, s12;
	s11 =	sand.u32 $0xFFFFFE00, s11;
	s9 =	sadd.s32 s9, s22  }
0x263: {  	s25 =	sshll.u32 s19, $0x2;
	s15 =	sor.u32 s14, s11;
	s9 =	sadd.s32 s23, s9  }
0x264: {  	s11 =	sshll.u32 s17, $0x2;
	[dreg:$0x5] =	wrdreg s9;
	s9 =	sshra.s32 s15, $0x2;
	[tilespmem:v0+s23+$0xFFFFFDB0 ss:$0x1] =	vst.idx.msk $0xffff, v2  }
0x265: {  	s30 =	sand.u32 $0x7F, s29;
	s21 =	sand.u32 $0xFFFFFE00, s11;
	s20 =	sadd.s32 s9, s22;
	v2 =	vld [tilespmem:s8+$0x200]  }
0x266: {  	s11 =	sshll.u32 s30, $0x2;
	s9 =	sshll.u32 s29, $0x2;
	s8 =	sadd.s32 s23, s20  }
0x267: {  	(v2sf) =	vpush v1, $0xA;
	s26 =	sor.u32 s25, s21;
	s9 =	sand.u32 $0xFFFFFE00, s9;
	[dreg:$0x6] =	wrdreg s8  }
0x268: {  	s8 =	sshra.s32 s26, $0x2;
	s12 =	sor.u32 s11, s9;
	s9 =	spop (v2sf)  }
0x269: {  	s0 =	sadd.s32 s23, s0;
	s8 =	sadd.s32 s8, s22;
	s14 =	sand.u32 $0x7F, s9  }
0x26a: {  	s15 =	sshll.u32 s9, $0x2;
	s21 =	sadd.s32 $0x10, s9;
	s29 =	sadd.s32 $0x20, s9;
	[tilespmem:v0+s23+$0xFFFFFE00 ss:$0x1] =	vst.idx.msk $0xffff, v2  }
0x26b: {  	s8 =	sadd.s32 s23, s8;
	s19 =	sand.u32 $0xFFFFFE00, s15;
	s11 =	sshll.u32 s14, $0x2;
	v2 =	vld [tilespmem:s6+$0x200]  }
0x26c: {  	s25 =	sand.u32 $0x7F, s21;
	[dreg:$0x7] =	wrdreg s8;
	s8 =	sshra.s32 s12, $0x2  }
0x26d: {  	s30 =	sand.u32 $0x7F, s29;
	s20 =	sor.u32 s11, s19;
	s17 =	sadd.s32 s8, s22  }
0x26e: {  	s11 =	sshll.u32 s25, $0x2;
	s8 =	sshll.u32 s21, $0x2;
	s6 =	sadd.s32 s23, s17  }
0x26f: {  	s8 =	sand.u32 $0xFFFFFE00, s8;
	[dreg:$0x8] =	wrdreg s6;
	s6 =	sshra.s32 s20, $0x2  }
0x270: {  	s14 =	sadd.s32 $0x30, s9;
	s26 =	sor.u32 s11, s8;
	s6 =	sadd.s32 s6, s22;
	[tilespmem:v0+s23+$0xFFFFFE10 ss:$0x1] =	vst.idx.msk $0xffff, v2  }
0x271: {  	s8 =	sshll.u32 s29, $0x2;
	s11 =	sshll.u32 s30, $0x2;
	s6 =	sadd.s32 s23, s6;
	v2 =	vld [tilespmem:s5+$0x200]  }
0x272: {  	(v2sf) =	vpush v1, $0xB;
	s8 =	sand.u32 $0xFFFFFE00, s8;
	[dreg:$0x9] =	wrdreg s6;
	s6 =	sshra.s32 s26, $0x2  }
0x273: {  	s15 =	sand.u32 $0x7F, s14;
	s12 =	sor.u32 s11, s8;
	s6 =	sadd.s32 s6, s22  }
0x274: {  	s8 =	sshll.u32 s15, $0x2;
	s5 =	sadd.s32 s23, s6;
	s6 =	sshll.u32 s14, $0x2  }
0x275: {  	[dreg:$0xa] =	wrdreg s5;
	s5 =	sshra.s32 s12, $0x2;
	s6 =	sand.u32 $0xFFFFFE00, s6  }
0x276: {  	s5 =	sadd.s32 s5, s22;
	s17 =	sor.u32 s8, s6;
	s6 =	spop (v2sf);
	[tilespmem:v0+s23+$0xFFFFFE20 ss:$0x1] =	vst.idx.msk $0xffff, v2  }
0x277: {  	s14 =	sadd.s32 s23, s5;
	s5 =	sshra.s32 s17, $0x2;
	s19 =	sand.u32 $0x7F, s6;
	v2 =	vld [tilespmem:s1+$0x200]  }
0x278: {  	s20 =	sshll.u32 s6, $0x2;
	s29 =	sadd.s32 $0x10, s6;
	s21 =	sadd.s32 s5, s22  }
0x279: {  	s25 =	sand.u32 $0xFFFFFE00, s20;
	s8 =	sshll.u32 s19, $0x2;
	s30 =	sand.u32 $0x7F, s29  }
0x27a: {  	s5 =	sshll.u32 s29, $0x2;
	s15 =	sadd.s32 s23, s21;
	s26 =	sor.u32 s8, s25  }
0x27b: {  	s5 =	sand.u32 $0xFFFFFE00, s5;
	s8 =	sshll.u32 s30, $0x2;
	s21 =	sadd.s32 $0x30, s6  }
0x27c: {  	s1 =	sshra.s32 s26, $0x2;
	s5 =	sor.u32 s8, s5;
	s8 =	sadd.s32 $0x20, s6;
	[tilespmem:v0+s23+$0xFFFFFE30 ss:$0x1] =	vst.idx.msk $0xffff, v2  }
0x27d: {  	s25 =	sand.u32 $0x7F, s21;
	s1 =	sadd.s32 s1, s22;
	s9 =	sand.u32 $0x7F, s8;
	v2 =	vld [tilespmem:s0+$0x280]  }
0x27e: {  	s12 =	sadd.s32 s23, s1;
	s1 =	sshra.s32 s5, $0x2;
	s5 =	sshll.u32 s8, $0x2  }
0x27f: {  	(v2sf) =	vpush v1, $0xC;
	s19 =	sshll.u32 s9, $0x2;
	s11 =	sadd.s32 s1, s22;
	s1 =	sshll.u32 s21, $0x2  }
0x280: {  	s17 =	sand.u32 $0xFFFFFE00, s5;
	s5 =	sshll.u32 s25, $0x2;
	s1 =	sand.u32 $0xFFFFFE00, s1  }
0x281: {  	s20 =	sor.u32 s19, s17;
	s26 =	sor.u32 s5, s1;
	s1 =	spop (v2sf)  }
0x282: {  	s0 =	sshra.s32 s20, $0x2;
	s29 =	sand.u32 $0x7F, s1;
	[tilespmem:v0+s23+$0xFFFFFE80 ss:$0x1] =	vst.idx.msk $0xffff, v2  }
0x283: {  	s30 =	sshll.u32 s1, $0x2;
	s20 =	sadd.s32 $0x10, s1;
	s0 =	sadd.s32 s0, s22;
	v2 =	vld [tilespmem:s2+$0x280]  }
0x284: {  	s8 =	sand.u32 $0xFFFFFE00, s30;
	s5 =	sshll.u32 s29, $0x2;
	s21 =	sand.u32 $0x7F, s20  }
0x285: {  	s17 =	sadd.s32 s23, s0;
	s0 =	sshra.s32 s26, $0x2;
	s19 =	sor.u32 s5, s8  }
0x286: {  	s5 =	sshll.u32 s21, $0x2;
	s26 =	sadd.s32 $0x20, s1;
	s0 =	sadd.s32 s0, s22  }
0x287: {  	s1 =	sadd.s32 $0x30, s1;
	s29 =	sand.u32 $0x7F, s26;
	s9 =	sadd.s32 s23, s0  }
0x288: {  	s0 =	sshra.s32 s19, $0x2;
	s30 =	sshll.u32 s29, $0x2;
	s2 =	sshll.u32 s20, $0x2;
	[tilespmem:v0+s23+$0xFFFFFE90 ss:$0x1] =	vst.idx.msk $0xffff, v2  }
0x289: {  	s19 =	sand.u32 $0x7F, s1;
	s1 =	sshll.u32 s1, $0x2;
	s2 =	sand.u32 $0xFFFFFE00, s2;
	v2 =	vld [tilespmem:s3+$0x280]  }
0x28a: {  	(v2sf) =	vpush v1, $0xD;
	s0 =	sadd.s32 s0, s22;
	s25 =	sor.u32 s5, s2;
	s2 =	sshll.u32 s26, $0x2  }
0x28b: {  	s8 =	sadd.s32 s23, s0;
	s0 =	sshra.s32 s25, $0x2;
	s2 =	sand.u32 $0xFFFFFE00, s2  }
0x28c: {  	s1 =	sand.u32 $0xFFFFFE00, s1;
	s0 =	sadd.s32 s0, s22;
	s6 =	sor.u32 s30, s2  }
0x28d: {  	s2 =	sshll.u32 s19, $0x2;
	s5 =	sadd.s32 s23, s0;
	s0 =	sshra.s32 s6, $0x2  }
0x28e: {  	s20 =	sor.u32 s2, s1;
	s1 =	spop (v2sf);
	s0 =	sadd.s32 s0, s22;
	[tilespmem:v0+s23+$0xFFFFFEA0 ss:$0x1] =	vst.idx.msk $0xffff, v2  }
0x28f: {  	s21 =	sand.u32 $0x7F, s1;
	s25 =	sshll.u32 s1, $0x2;
	s29 =	sadd.s32 $0x10, s1;
	v2 =	vld [tilespmem:s16+$0x280]  }
0x290: {  	s6 =	sadd.s32 s23, s0;
	s3 =	sand.u32 $0xFFFFFE00, s25;
	s2 =	sshll.u32 s21, $0x2  }
0x291: {  	s30 =	sand.u32 $0x7F, s29;
	s26 =	sor.u32 s2, s3;
	s2 =	sshll.u32 s29, $0x2  }
0x292: {  	s0 =	sshra.s32 s20, $0x2;
	s3 =	sshll.u32 s30, $0x2;
	s2 =	sand.u32 $0xFFFFFE00, s2  }
0x293: {  	s0 =	sadd.s32 s0, s22;
	s2 =	sor.u32 s3, s2;
	s3 =	sadd.s32 $0x20, s1  }
0x294: {  	s1 =	sadd.s32 $0x30, s1;
	s16 =	sadd.s32 s23, s0;
	s0 =	sshra.s32 s26, $0x2;
	[tilespmem:v0+s23+$0xFFFFFEB0 ss:$0x1] =	vst.idx.msk $0xffff, v2  }
0x295: {  	s19 =	sand.u32 $0x7F, s3;
	s21 =	sand.u32 $0x7F, s1;
	s0 =	sadd.s32 s0, s22;
	v2 =	vld [tilespmem:s24+$0x300]  }
0x296: {  	(v2sf) =	vpush v1, $0xE;
	s25 =	sadd.s32 s23, s0;
	s0 =	sshra.s32 s2, $0x2;
	s2 =	sshll.u32 s3, $0x2  }
0x297: {  	s1 =	sshll.u32 s1, $0x2;
	s3 =	sshll.u32 s19, $0x2;
	s2 =	sand.u32 $0xFFFFFE00, s2  }
0x298: {  	s1 =	sand.u32 $0xFFFFFE00, s1;
	s20 =	sor.u32 s3, s2;
	s2 =	sshll.u32 s21, $0x2  }
0x299: {  	s0 =	sadd.s32 s0, s22;
	s26 =	sor.u32 s2, s1;
	s1 =	spop (v2sf)  }
0x29a: {  	s24 =	sadd.s32 s23, s0;
	s0 =	sshra.s32 s20, $0x2;
	s29 =	sand.u32 $0x7F, s1;
	[tilespmem:v0+s23+$0xFFFFFF00 ss:$0x1] =	vst.idx.msk $0xffff, v2  }
0x29b: {  	s30 =	sshll.u32 s1, $0x2;
	s20 =	sadd.s32 $0x10, s1;
	s0 =	sadd.s32 s0, s22;
	v2 =	vld [tilespmem:s4+$0x300]  }
0x29c: {  	s3 =	sand.u32 $0xFFFFFE00, s30;
	s2 =	sshll.u32 s29, $0x2;
	s21 =	sand.u32 $0x7F, s20  }
0x29d: {  	s29 =	sadd.s32 $0x20, s1;
	s1 =	sadd.s32 $0x30, s1;
	s19 =	sadd.s32 s23, s0  }
0x29e: {  	s0 =	sshra.s32 s26, $0x2;
	s3 =	sor.u32 s2, s3;
	s2 =	sshll.u32 s20, $0x2  }
0x29f: {  	s30 =	sand.u32 $0x7F, s29;
	s0 =	sadd.s32 s0, s22;
	s2 =	sand.u32 $0xFFFFFE00, s2  }
0x2a0: {  	s4 =	sadd.s32 s23, s0;
	s0 =	sshra.s32 s3, $0x2;
	s3 =	sshll.u32 s21, $0x2;
	[tilespmem:v0+s23+$0xFFFFFF10 ss:$0x1] =	vst.idx.msk $0xffff, v2  }
0x2a1: {  	s21 =	sand.u32 $0x7F, s1;
	s1 =	sshll.u32 s1, $0x2;
	s0 =	sadd.s32 s0, s22;
	v2 =	vld [tilespmem:s18+$0x300]  }
0x2a2: {  	s26 =	sor.u32 s3, s2;
	s2 =	sshll.u32 s29, $0x2;
	s3 =	sshll.u32 s30, $0x2  }
0x2a3: {  	(v2sf) =	vpush v1, $0xF;
	s1 =	sand.u32 $0xFFFFFE00, s1;
	s20 =	sadd.s32 s23, s0;
	s2 =	sand.u32 $0xFFFFFE00, s2  }
0x2a4: {  	s0 =	sshra.s32 s26, $0x2;
	s3 =	sor.u32 s3, s2;
	s2 =	sshll.u32 s21, $0x2  }
0x2a5: {  	s0 =	sadd.s32 s0, s22;
	s26 =	sor.u32 s2, s1;
	s1 =	spop (v2sf)  }
0x2a6: {  	s29 =	sand.u32 $0x7F, s1;
	s30 =	sshll.u32 s1, $0x2;
	s18 =	sadd.s32 s23, s0;
	[tilespmem:v0+s23+$0xFFFFFF20 ss:$0x1] =	vst.idx.msk $0xffff, v2  }
0x2a7: {  	s0 =	sshra.s32 s3, $0x2;
	s2 =	sshll.u32 s29, $0x2;
	s29 =	sadd.s32 $0x10, s1;
	v1 =	vld [tilespmem:s7+$0x300]  }
0x2a8: {  	s3 =	sand.u32 $0xFFFFFE00, s30;
	s0 =	sadd.s32 s0, s22;
	s30 =	sand.u32 $0x7F, s29  }
0x2a9: {  	s21 =	sadd.s32 s23, s0;
	s0 =	sshra.s32 s26, $0x2;
	s26 =	sor.u32 s2, s3  }
0x2aa: {  	s2 =	sshll.u32 s29, $0x2;
	s29 =	sadd.s32 $0x20, s1;
	s0 =	sadd.s32 s0, s22  }
0x2ab: {  	s1 =	sadd.s32 $0x30, s1;
	s2 =	sand.u32 $0xFFFFFE00, s2;
	s7 =	sadd.s32 s23, s0  }
0x2ac: {  	s0 =	sshra.s32 s26, $0x2;
	s26 =	sshll.u32 s30, $0x2;
	s30 =	sand.u32 $0x7F, s29;
	[tilespmem:v0+s23+$0xFFFFFF30 ss:$0x1] =	vst.idx.msk $0xffff, v1  }
0x2ad: {  	s0 =	sadd.s32 s0, s22;
	s26 =	sor.u32 s26, s2;
	s2 =	sshll.u32 s29, $0x2;
	v1 =	vld [tilespmem:s13+$0x380]  }
0x2ae: {  	s29 =	sand.u32 $0x7F, s1;
	s1 =	sshll.u32 s1, $0x2;
	s3 =	sadd.s32 s23, s0  }
0x2af: {  	s0 =	sshra.s32 s26, $0x2;
	s2 =	sand.u32 $0xFFFFFE00, s2;
	s26 =	sshll.u32 s30, $0x2  }
0x2b0: {  	s1 =	sand.u32 $0xFFFFFE00, s1;
	s0 =	sadd.s32 s0, s22;
	s26 =	sor.u32 s26, s2  }
0x2b1: {  	s30 =	sshll.u32 s29, $0x2;
	s13 =	sadd.s32 s23, s0;
	s0 =	sshra.s32 s26, $0x2  }
0x2b2: {  	s1 =	sor.u32 s30, s1;
	s26 =	spop (v2sf);
	s0 =	sadd.s32 s0, s22;
	[tilespmem:v0+s23+$0xFFFFFF80 ss:$0x1] =	vst.idx.msk $0xffff, v1  }
0x2b3: {  	s29 =	sand.u32 $0x7F, s26;
	s30 =	sshll.u32 s26, $0x2;
	s2 =	sadd.s32 s23, s0;
	v1 =	vld [tilespmem:s10+$0x380]  }
0x2b4: {  	s0 =	sshra.s32 s1, $0x2;
	s30 =	sand.u32 $0xFFFFFE00, s30;
	s1 =	sshll.u32 s29, $0x2  }
0x2b5: {  	s30 =	sor.u32 s1, s30;
	s1 =	sadd.s32 $0x10, s26  }
0x2b6: {  	s0 =	sadd.s32 s0, s22;
	s29 =	sand.u32 $0x7F, s1  }
0x2b7: {  	s1 =	sshll.u32 s1, $0x2;
	s10 =	sadd.s32 s23, s0;
	s0 =	sshra.s32 s30, $0x2  }
0x2b8: {  	s1 =	sand.u32 $0xFFFFFE00, s1;
	s29 =	sshll.u32 s29, $0x2;
	s0 =	sadd.s32 s0, s22;
	[tilespmem:v0+s23+$0xFFFFFF90 ss:$0x1] =	vst.idx.msk $0xffff, v1  }
0x2b9: {  	s29 =	sor.u32 s29, s1;
	s1 =	sadd.s32 $0x20, s26;
	s30 =	sadd.s32 s23, s0;
	v1 =	vld [tilespmem:s31+$0x380]  }
0x2ba: {  	s0 =	sshra.s32 s29, $0x2;
	s29 =	sand.u32 $0x7F, s1;
	s1 =	sshll.u32 s1, $0x2  }
0x2bb: {  	s1 =	sand.u32 $0xFFFFFE00, s1;
	s29 =	sshll.u32 s29, $0x2  }
0x2bc: {  	s0 =	sadd.s32 s0, s22;
	s1 =	sor.u32 s29, s1;
	s29 =	sadd.s32 $0x30, s26  }
0x2bd: {  	s26 =	sand.u32 $0x7F, s29;
	s31 =	sadd.s32 s23, s0  }
0x2be: {  	s0 =	sshra.s32 s1, $0x2;
	s1 =	sshll.u32 s29, $0x2;
	s29 =	rddreg [dreg:$0x4];
	[tilespmem:v0+s23+$0xFFFFFFA0 ss:$0x1] =	vst.idx.msk $0xffff, v1  }
0x2bf: {  	v1 =	vld [tilespmem:s29+$0x380];
	_ =	sdelay $0x4  }
0x2c0: {  	s29 =	rddreg [dreg:$0x5];
	[tilespmem:v0+s23+$0xFFFFFFB0 ss:$0x1] =	vst.idx.msk $0xffff, v1  }
0x2c1: {  	v1 =	vld [tilespmem:s29+$0x400];
	_ =	sdelay $0x4  }
0x2c2: {  	s29 =	rddreg [dreg:$0x6];
	[tilespmem:v0+s23+$0x0 ss:$0x1] =	vst.idx.msk $0xffff, v1  }
0x2c3: {  	v1 =	vld [tilespmem:s29+$0x400];
	_ =	sdelay $0x4  }
0x2c4: {  	s29 =	rddreg [dreg:$0x7];
	[tilespmem:v0+s23+$0x10 ss:$0x1] =	vst.idx.msk $0xffff, v1  }
0x2c5: {  	v1 =	vld [tilespmem:s29+$0x400];
	_ =	sdelay $0x4  }
0x2c6: {  	s29 =	rddreg [dreg:$0x8];
	[tilespmem:v0+s23+$0x20 ss:$0x1] =	vst.idx.msk $0xffff, v1  }
0x2c7: {  	v1 =	vld [tilespmem:s29+$0x400];
	_ =	sdelay $0x4  }
0x2c8: {  	s29 =	rddreg [dreg:$0x9];
	[tilespmem:v0+s23+$0x30 ss:$0x1] =	vst.idx.msk $0xffff, v1  }
0x2c9: {  	v1 =	vld [tilespmem:s29+$0x480];
	_ =	sdelay $0x4  }
0x2ca: {  	s29 =	rddreg [dreg:$0xa];
	[tilespmem:v0+s23+$0x80 ss:$0x1] =	vst.idx.msk $0xffff, v1  }
0x2cb: {  	v1 =	vld [tilespmem:s29+$0x480];
	_ =	sdelay $0x4  }
0x2cc: {  	[tilespmem:v0+s23+$0x90 ss:$0x1] =	vst.idx.msk $0xffff, v1  }
0x2cd: {  	v1 =	vld [tilespmem:s14+$0x480];
	_ =	sdelay $0x4  }
0x2ce: {  	[tilespmem:v0+s23+$0xA0 ss:$0x1] =	vst.idx.msk $0xffff, v1  }
0x2cf: {  	v1 =	vld [tilespmem:s15+$0x480];
	_ =	sdelay $0x4  }
0x2d0: {  	[tilespmem:v0+s23+$0xB0 ss:$0x1] =	vst.idx.msk $0xffff, v1  }
0x2d1: {  	v1 =	vld [tilespmem:s12+$0x500];
	_ =	sdelay $0x4  }
0x2d2: {  	s11 =	sadd.s32 s23, s11;
	[tilespmem:v0+s23+$0x100 ss:$0x1] =	vst.idx.msk $0xffff, v1  }
0x2d3: {  	v1 =	vld [tilespmem:s11+$0x500];
	_ =	sdelay $0x4  }
0x2d4: {  	[tilespmem:v0+s23+$0x110 ss:$0x1] =	vst.idx.msk $0xffff, v1  }
0x2d5: {  	v1 =	vld [tilespmem:s17+$0x500];
	_ =	sdelay $0x4  }
0x2d6: {  	[tilespmem:v0+s23+$0x120 ss:$0x1] =	vst.idx.msk $0xffff, v1  }
0x2d7: {  	v1 =	vld [tilespmem:s9+$0x500];
	_ =	sdelay $0x4  }
0x2d8: {  	[tilespmem:v0+s23+$0x130 ss:$0x1] =	vst.idx.msk $0xffff, v1  }
0x2d9: {  	v1 =	vld [tilespmem:s8+$0x580];
	_ =	sdelay $0x4  }
0x2da: {  	[tilespmem:v0+s23+$0x180 ss:$0x1] =	vst.idx.msk $0xffff, v1  }
0x2db: {  	v1 =	vld [tilespmem:s5+$0x580];
	_ =	sdelay $0x4  }
0x2dc: {  	[tilespmem:v0+s23+$0x190 ss:$0x1] =	vst.idx.msk $0xffff, v1  }
0x2dd: {  	v1 =	vld [tilespmem:s6+$0x580];
	_ =	sdelay $0x4  }
0x2de: {  	[tilespmem:v0+s23+$0x1A0 ss:$0x1] =	vst.idx.msk $0xffff, v1  }
0x2df: {  	v1 =	vld [tilespmem:s16+$0x580];
	_ =	sdelay $0x4  }
0x2e0: {  	[tilespmem:v0+s23+$0x1B0 ss:$0x1] =	vst.idx.msk $0xffff, v1  }
0x2e1: {  	v1 =	vld [tilespmem:s25+$0x600];
	_ =	sdelay $0x4  }
0x2e2: {  	[tilespmem:v0+s23+$0x200 ss:$0x1] =	vst.idx.msk $0xffff, v1  }
0x2e3: {  	v1 =	vld [tilespmem:s24+$0x600];
	_ =	sdelay $0x4  }
0x2e4: {  	[tilespmem:v0+s23+$0x210 ss:$0x1] =	vst.idx.msk $0xffff, v1  }
0x2e5: {  	v1 =	vld [tilespmem:s19+$0x600];
	_ =	sdelay $0x4  }
0x2e6: {  	[tilespmem:v0+s23+$0x220 ss:$0x1] =	vst.idx.msk $0xffff, v1  }
0x2e7: {  	v1 =	vld [tilespmem:s4+$0x600];
	_ =	sdelay $0x4  }
0x2e8: {  	[tilespmem:v0+s23+$0x230 ss:$0x1] =	vst.idx.msk $0xffff, v1  }
0x2e9: {  	v1 =	vld [tilespmem:s20+$0x680];
	_ =	sdelay $0x4  }
0x2ea: {  	[tilespmem:v0+s23+$0x280 ss:$0x1] =	vst.idx.msk $0xffff, v1  }
0x2eb: {  	v1 =	vld [tilespmem:s18+$0x680];
	_ =	sdelay $0x4  }
0x2ec: {  	[tilespmem:v0+s23+$0x290 ss:$0x1] =	vst.idx.msk $0xffff, v1  }
0x2ed: {  	v1 =	vld [tilespmem:s21+$0x680];
	_ =	sdelay $0x4  }
0x2ee: {  	[tilespmem:v0+s23+$0x2A0 ss:$0x1] =	vst.idx.msk $0xffff, v1  }
0x2ef: {  	v1 =	vld [tilespmem:s7+$0x680];
	_ =	sdelay $0x4  }
0x2f0: {  	[tilespmem:v0+s23+$0x2B0 ss:$0x1] =	vst.idx.msk $0xffff, v1  }
0x2f1: {  	v1 =	vld [tilespmem:s3+$0x700];
	_ =	sdelay $0x4  }
0x2f2: {  	[tilespmem:v0+s23+$0x300 ss:$0x1] =	vst.idx.msk $0xffff, v1  }
0x2f3: {  	v1 =	vld [tilespmem:s13+$0x700];
	_ =	sdelay $0x4  }
0x2f4: {  	[tilespmem:v0+s23+$0x310 ss:$0x1] =	vst.idx.msk $0xffff, v1  }
0x2f5: {  	v1 =	vld [tilespmem:s2+$0x700];
	_ =	sdelay $0x4  }
0x2f6: {  	[tilespmem:v0+s23+$0x320 ss:$0x1] =	vst.idx.msk $0xffff, v1  }
0x2f7: {  	v1 =	vld [tilespmem:s10+$0x700];
	_ =	sdelay $0x4  }
0x2f8: {  	[tilespmem:v0+s23+$0x330 ss:$0x1] =	vst.idx.msk $0xffff, v1  }
0x2f9: {  	v1 =	vld [tilespmem:s30+$0x780];
	_ =	sdelay $0x4  }
0x2fa: {  	[tilespmem:v0+s23+$0x380 ss:$0x1] =	vst.idx.msk $0xffff, v1  }
0x2fb: {  	v1 =	vld [tilespmem:s31+$0x780];
	_ =	sdelay $0x3  }
0x2fc: {  	s0 =	sadd.s32 s0, s22  }
0x2fd: {  	s0 =	sadd.s32 s23, s0;
	[tilespmem:v0+s23+$0x390 ss:$0x1] =	vst.idx.msk $0xffff, v1  }
0x2fe: {  	v1 =	vld [tilespmem:s0+$0x780]  }
0x2ff: {  	p1 =	sne.s32 s28, $0xE000;
	s26 =	sshll.u32 s26, $0x2;
	s1 =	sand.u32 $0xFFFFFE00, s1  }
.Ltmp4:
0x300: {  	s1 =	sor.u32 s26, s1;
	(pc) =	sbr.rel @p1 .LBB2_3-.Ltmp4, $4  }
0x301: {  	s1 =	sshra.s32 s1, $0x2  }
0x302: {  	s1 =	sadd.s32 s1, s22  }
0x303: {  	s26 =	sadd.s32 s23, s1;
	[tilespmem:v0+s23+$0x3A0 ss:$0x1] =	vst.idx.msk $0xffff, v1  }
0x304: {  	s28 =	sadd.s32 $0x2000, s28;
	s6 =	rddreg [dreg:$0x3];
	v1 =	vld [tilespmem:s26+$0x780]  }
0x305: {  	s5 =	rddreg [dreg:$0x12]  }
0x306: {  	s0 =	rddreg [dreg:$0xe];
	p1 =	sgt.u32 s5, $0x4C  }
.Ltmp5:
0x307: {  	s1 =	rddreg [dreg:$0x13];
	(pc) =	sbr.rel @p1 .LBB2_6-.Ltmp5, $4  }
0x308: {  	s0 =	sadd.s32 s0, s1  }
0x309: {  	s30 =	rddreg [dreg:$0xc];
	s0 =	sshrl.u32 s0, $0x3  }
0x30a: {  	s31 =	simm.s32 $0x0;
	s2 =	rddreg [dreg:$0x14];
	s0 =	sadd.s32 s30, s0;
	[tilespmem:v0+s23+$0x3B0 ss:$0x1] =	vst.idx.msk $0xffff, v1  }
0x30b: {  	[hbm4b:s0+s31] =	stream.linear.scatter [tilespmem:s2], [sflag:$0x2], $0x4000, $0x38;
	[tilespmem:$0x1AC00] =	vst v63  }
0x30c: {  	s0 =	sadd.s32 $0x3, s5  }
0x30d: {  	s1 =	sshll.u32 s0, $0x7  }
0x30e: {  	s2 =	sand.u32 $0x3FFFFF80, s1  }
0x30f: {  	v0 =	vld [tilespmem:s2+$0x0];
	_ =	sdelay $0x4  }
0x310: {  	s0 =	sand.u32 $0x3, s0;
	v1 =	vshrl.u32 v0, $0x1;
	v2 =	vand.u32 $0x1FFF, v0;
	v0 =	vshrl.u32 v0, $0x7  }
0x311: {  	s29 =	sshll.u32 s0, $0x7;
	v1 =	vand.u32 $0x7FFFE000, v1;
	v0 =	vand.u32 $0x40, v0  }
0x312: {  	v1 =	vor.u32 v2, v1;
	[tilespmem:s29+$0x2A00] =	vst v0  }
0x313: {  	[tilespmem:s29+$0x2800] =	vst v1  }
0x314: {  	v0 =	vld [tilespmem:s2+$0x10];
	_ =	sdelay $0x4  }
0x315: {  	v50 =	vshrl.u32 v0, $0x1;
	v51 =	vand.u32 $0x1FFF, v0;
	v0 =	vshrl.u32 v0, $0x7  }
0x316: {  	v1 =	vand.u32 $0x7FFFE000, v50;
	v0 =	vand.u32 $0x40, v0  }
0x317: {  	v1 =	vor.u32 v51, v1;
	[tilespmem:s29+$0x2A10] =	vst v0  }
0x318: {  	[tilespmem:s29+$0x2810] =	vst v1  }
0x319: {  	v0 =	vld [tilespmem:s2+$0x20];
	_ =	sdelay $0x4  }
0x31a: {  	v52 =	vshrl.u32 v0, $0x1;
	v53 =	vand.u32 $0x1FFF, v0;
	v0 =	vshrl.u32 v0, $0x7  }
0x31b: {  	v1 =	vand.u32 $0x7FFFE000, v52;
	v0 =	vand.u32 $0x40, v0  }
0x31c: {  	v1 =	vor.u32 v53, v1;
	[tilespmem:s29+$0x2A20] =	vst v0  }
0x31d: {  	[tilespmem:s29+$0x2820] =	vst v1  }
0x31e: {  	v0 =	vld [tilespmem:s2+$0x30];
	_ =	sdelay $0x4  }
0x31f: {  	v54 =	vshrl.u32 v0, $0x1;
	v55 =	vand.u32 $0x1FFF, v0;
	v0 =	vshrl.u32 v0, $0x7  }
0x320: {  	v1 =	vand.u32 $0x7FFFE000, v54;
	v0 =	vand.u32 $0x40, v0  }
0x321: {  	v1 =	vor.u32 v55, v1;
	[tilespmem:s29+$0x2A30] =	vst v0  }
0x322: {  	[tilespmem:s29+$0x2830] =	vst v1  }
0x323: {  	v0 =	vld [tilespmem:s2+$0x40];
	_ =	sdelay $0x4  }
0x324: {  	v56 =	vshrl.u32 v0, $0x1;
	v57 =	vand.u32 $0x1FFF, v0;
	v0 =	vshrl.u32 v0, $0x7  }
0x325: {  	v1 =	vand.u32 $0x7FFFE000, v56;
	v0 =	vand.u32 $0x40, v0  }
0x326: {  	v1 =	vor.u32 v57, v1;
	[tilespmem:s29+$0x2A40] =	vst v0  }
0x327: {  	[tilespmem:s29+$0x2840] =	vst v1  }
0x328: {  	v0 =	vld [tilespmem:s2+$0x50];
	_ =	sdelay $0x4  }
0x329: {  	v58 =	vshrl.u32 v0, $0x1;
	v59 =	vand.u32 $0x1FFF, v0;
	v0 =	vshrl.u32 v0, $0x7  }
0x32a: {  	v1 =	vand.u32 $0x7FFFE000, v58;
	v0 =	vand.u32 $0x40, v0  }
0x32b: {  	v1 =	vor.u32 v59, v1;
	[tilespmem:s29+$0x2A50] =	vst v0  }
0x32c: {  	[tilespmem:s29+$0x2850] =	vst v1  }
0x32d: {  	v0 =	vld [tilespmem:s2+$0x60];
	_ =	sdelay $0x4  }
0x32e: {  	v60 =	vshrl.u32 v0, $0x1;
	v61 =	vand.u32 $0x1FFF, v0;
	v0 =	vshrl.u32 v0, $0x7  }
0x32f: {  	v1 =	vand.u32 $0x7FFFE000, v60;
	v0 =	vand.u32 $0x40, v0  }
0x330: {  	v1 =	vor.u32 v61, v1;
	[tilespmem:s29+$0x2A60] =	vst v0  }
0x331: {  	[tilespmem:s29+$0x2860] =	vst v1  }
0x332: {  	v0 =	vld [tilespmem:s2+$0x70];
	_ =	sdelay $0x4  }
.Ltmp6:
0x333: {  	v62 =	vshrl.u32 v0, $0x1;
	v63 =	vand.u32 $0x1FFF, v0;
	v0 =	vshrl.u32 v0, $0x7;
	(pc) =	sbr.rel .LBB2_6-.Ltmp6, $4  }
0x334: {  	v1 =	vand.u32 $0x7FFFE000, v62;
	v0 =	vand.u32 $0x40, v0  }
0x335: {  	s31 =	rddreg [dreg:$0xb];
	s0 =	sshll.u32 s0, $0xE;
	v1 =	vor.u32 v63, v1;
	[tilespmem:s29+$0x2A70] =	vst v0  }
0x336: {  	s3 =	simm.s32 $0x80;
	s30 =	sor.u32 $0x2800, s29;
	s0 =	sor.u32 $0x2C00, s0;
	[tilespmem:s29+$0x2870] =	vst v1  }
0x337: {  	[tilespmem:s0], [sflag:$0x1] =	stream.indirect.gather [hbm4b:s31+s3], $0x80, s30, s3, $0xb8;
	[tilespmem:$0x1AC00] =	vst v63  }
.LBB2_8:
0x338: {  	_ =	sfence.sel $0x180000  }
0x339: {  	[bflag:$0x0] =	sbarrier.arrive $0xFFFF  }
0x33a: {  	_ =	strace $0x90000047  }
0x33b: {  	s0 =	stileid.u32;
	[bflag:$0x2] =	sbarrier.arrive $0xFFFF  }
0x33c: {  	p0 =	sne.s32 s0, $0x0;
	s0 =	rddreg [dreg:$0x2]  }
0x33d: {  	s0 =	sadd.s32 @!p0 $0x100000, s0  }
0x33e: {  	[sflag:s0] =	ssyncadd.tile.s32 @!p0 $0x1;
	_ =	shalt  }
.Lfunc_end2:
_tile_overlayer_lowered:
.L_overlay_start_2:
0x33f: {  	(tag) =	ssettag $0x2  }
0x340: {  	s0 =	rddreg [dreg:$0x0];
	s2 =	stileid.u32  }
0x341: {  	s1 =	rddreg [dreg:$0x1];
	p0 =	sne.s32 s2, $0x0  }
0x342: {  	s3 =	rddreg [dreg:$0x2];
	[bflag:$0x3] =	sbarrier.arrive $0xFFFF;
	s2 =	simm.s32 @!p0 $0x1C03  }
0x343: {  	[timem:s3], [sflag:s2] =	dma.local @!p0 [hbm:s0], s1  }
0x344: {  	s0 =	simm.s32 @!p0 $0x3  }
0x345: {  	_ =	swait.ge @!p0 [sflag:s0], s1  }
0x346: {  	s1 =	ssub.s32 @!p0 $0x0, s1;
	[sflag:s0] =	ssyncset.done @!p0 $0x0  }
0x347: {  	[sflag:s0] =	ssyncadd.s32 @!p0 s1  }
0x348: {  	[bflag:$0x3] =	sbarrier.arrive $0xFFFF  }
0x349: {  	_ =	shalt  }

// kernel: sparse-core-data-format-call.cloned.1.call-start
scs
called_computation_lowered:
.L_overlay_start_0:
0x0: {  	s2 =	sld [smem:$0x3FD9]  }
0x1: {  	s3 =	sld [smem:$0x3FFE];
	_ =	sdelay $0x1  }
0x2: {  	s1 =	srdreg.scid  }
0x3: {  	s0 =	sand.u32 $0x1, s1  }
0x4: {  	s18 =	sshll.u32 s0, $0xA;
	s2 =	sadd.s32 s3, s2  }
0x5: {  	s2 =	sadd.s32 s2, s18  }
0x6: {  	[smem:$0x3FC6] =	sst s2  }
0x7: {  	_ = 	snop  }
0x8: {  	s2 =	sld [smem:$0x3FD0];
	(tm) =	ssettm $0x1  }
0x9: {  	s19 =	sld [smem:$0x3FFB];
	_ =	sdelay $0x3  }
0xa: {  	_ =	strace s19  }
0xb: {  	s3 =	sld [smem:$0x3FFC];
	_ =	sdelay $0x3  }
0xc: {  	_ =	strace s3  }
0xd: {  	s3 =	sld [smem:$0x3FFD];
	_ =	sdelay $0x3  }
0xe: {  	_ =	strace s3  }
0xf: {  	_ =	strace $0x8FFFFFFF  }
0x10: {  	s20 =	sld [smem:$0x3FDB];
	_ =	sdelay $0x1  }
0x11: {  	s4 =	simm.s32 $_scs_section_size  }
0x12: {  	s5 =	simm.s32 $_size__tile_overlayer_lowered;
	s6 =	simm.s32 $_tile_overlayer_lowered  }
0x13: {  	s23 =	simm.s32 $0x1BFF;
	s22 =	sshll.u32 s6, $0x1;
	s3 =	sadd.s32 s4, s20  }
0x14: {  	s7 =	simm.s32 $0x0;
	s21 =	sshll.u32 s5, $0x1;
	s5 =	sadd.s32 s22, s3  }
0x15: {  	[timem:s7], [sflag:s23] =	dma.local [hbm:s5], s21  }
0x16: {  	_ =	swait.ge [sflag:s23], s21  }
0x17: {  	s4 =	ssub.s32 $0x0, s21;
	[sflag:s23] =	ssyncset.done $0x0  }
0x18: {  	[sflag:s23] =	ssyncadd.s32 s4;
	_ =	sdelay $0x1  }
0x19: {  	s24 =	simm.s32 $0x1B8B  }
0x1a: {  	_ =	swait.ge [sflag:s24], $0x1  }
0x1b: {  	[sflag:s24] =	ssyncset.done $0x0  }
0x1c: {  	s26 =	simm.s32 $0x1B8E;
	s25 =	sld [smem:$0x3FFE];
	[sflag:s24] =	ssyncadd.s32 $0xFFFFFFFF  }
0x1d: {  	s27 =	simm.s32 $execute0_lowered;
	[smem:$0x3FD2] =	sst s26  }
0x1e: {  	s5 =	sshll.u32 s27, $0x1;
	_ =	strace $0x80000049;
	[dreg:$0x1] =	wrdreg $0xFFFFFFFF  }
0x1f: {  	s28 =	simm.s32 $_size_execute0_lowered;
	s3 =	sadd.s32 s3, s5;
	[dreg:$0x0] =	wrdreg $0x0  }
0x20: {  	s5 =	sshll.u32 s28, $0x1;
	[dreg:$0x2] =	wrdreg s3  }
0x21: {  	[dreg:$0x3] =	wrdreg s5  }
0x22: {  	[dreg:$0x4] =	wrdreg $0xC0  }
0x23: {  	_ =	task [dreg:s7], $0x5FFFF  }
0x24: {  	[dreg:$0x1] =	wrdreg $0xFFFFFFFF  }
0x25: {  	[dreg:$0x0] =	wrdreg $0x60  }
0x26: {  	[dreg:$0x2] =	wrdreg s25  }
0x27: {  	[dreg:$0x3] =	wrdreg s2  }
0x28: {  	[dreg:$0x4] =	wrdreg $0x9  }
0x29: {  	_ =	task.clear_ibuf [dreg:s7], $0x5FFFF;
	_ =	strace $0x90000049  }
0x2a: {  	s29 =	simm.s32 $0x9;
	_ =	strace $0x8000004B  }
0x2b: {  	_ =	swait.ge [sflag:s29], $0x1  }
0x2c: {  	[sflag:s29] =	ssyncadd.s32 $0xFFFFFFFF  }
0x2d: {  	_ =	strace $0x9000004B  }
0x2e: {  	_ =	sfence  }
0x2f: {  	s30 =	sld [smem:$0x0];
	_ =	sdelay $0x2  }
0x30: {  	s31 =	sshll.u32 s1, $0xD;
	s1 =	sshrl.u32 s1, $0x2  }
0x31: {  	s3 =	sand.u32 $0x4000, s31;
	s1 =	sadd.s32 s1, s30  }
0x32: {  	s0 =	sor.u32 s3, s0;
	s1 =	sshll.u32 s1, $0x11  }
0x33: {  	s0 =	sor.u32 s1, s0  }
0x34: {  	s0 =	sadd.s32 $0x8F2B, s0  }
0x35: {  	[sflag:s0] =	ssyncadd.remote.s32 $0x1  }
0x36: {  	_ =	sfence.sel $0xFFFF  }
0x37: {  	[dreg:$0x0] =	wrdreg $0xFFFFFFFF;
	(pc) =	sbr.abs _section_cstart, $3  }
0x38: {  	[dreg:$0x1] =	wrdreg $0xFFFFFFFF  }
0x39: {  	_ =	task.clear_ibuf [dreg:s7], $0x2FFFF;
	_ =	strace $0x9FFFFFFF  }
0x3a: {  	(tm) =	ssettm $0x7FFFFFFF  }
0x3b: {  	_ =	shalt  }
tec
execute0_lowered:
.L_overlay_start_1:
0x0: {  	(tag) =	ssettag $0x1  }
0x1: {  	s0 =	srdreg.scid  }
0x2: {  	s1 =	sshll.u32 s0, $0x4  }
0x3: {  	s0 =	stileid.u32;
	s1 =	sand.u32 $0x10, s1  }
0x4: {  	s7 =	rddreg [dreg:$0x0];
	s1 =	sor.u32 s0, s1  }
0x5: {  	s4 =	simm.s32 $0x1;
	s8 =	simm.s32 $0x2;
	s2 =	sshll.u32 s1, $0x7  }
0x6: {  	s13 =	simm.s32 $0x0;
	s9 =	simm.s32 $0x20000;
	s1 =	ssub.s32 $0x4000, s2  }
0x7: {  	s14 =	simm.s32 $0x0;
	s11 =	simm.s32 $0x0;
	s3 =	sand.u32 $0xF80, s1  }
0x8: {  	s12 =	simm.s32 $0x0;
	s5 =	sshrl.u32 s1, $0xC;
	p0 =	sne.s32 s3, $0x0  }
.Ltmp0:
0x9: {  	s1 =	rddreg [dreg:$0x2];
	s4 =	simm.s32 @!p0 $0x0;
	(pc) =	sbr.rel .LBB1_1-.Ltmp0, $4  }
0xa: {  	s6 =	sadd.s32 $0x7C0800, s7;
	s3 =	rddreg [dreg:$0x1];
	s5 =	sadd.s32 s4, s5  }
0xb: {  	_ =	strace $0x8000004A;
	s4 =	simm.s32 $0x1;
	s5 =	smul.u32 $0xA, s5  }
0xc: {  	s7 =	sadd.s32 $0x800800, s7;
	s10 =	smov.u32 s2;
	[sflag:s4] =	ssyncpa.u1 $0x0  }
0xd: {  	p0 =	por $0x0, $0x0;
	[sflag:s8] =	ssyncpa.u1 $0x0;
	s8 =	sor.u32 $0x1, s5  }
.LBB1_7:
0xe: {  	s15 =	sadd.s32 $0x1000, s10  }
0xf: {  	s13 =	sadd.s32 $0x2, s11;
	s17 =	smov.u32 s11;
	p2 =	sgt.s32 s15, $0x3FFF  }
0x10: {  	s17 =	smov.u32 @p2 s13  }
0x11: {  	s15 =	smov.u32 @p2 s2;
	p2 =	sgt.s32 s17, $0x13  }
0x12: {  	s17 =	simm.s32 @p2 $0x0;
	p2 =	sne.s32 s12, s8  }
.Ltmp1:
0x13: {  	p1 =	slt.u32 s12, $0x2;
	(pc) =	sbr.rel @!p2 .LBB1_8-.Ltmp1, $4  }
0x14: {  	s16 =	simm.s32 @!p1 $0x2  }
0x15: {  	s14 =	smov.u32 s11;
	p0 =	por !p0, !p0;
	_ =	swait.ge @!p1 [sflag:s16], $0x4000  }
0x16: {  	s13 =	smov.u32 s10;
	[sflag:s16] =	ssyncset.done @!p1 $0x0;
	s10 =	smov.u32 s15  }
0x17: {  	s12 =	sadd.s32 $0x1, s12;
	[sflag:s16] =	ssyncadd.s32 @!p1 $0xFFFFC000;
	s11 =	smov.u32 s17  }
.LBB1_1:
0x18: {  	p1 =	sge.u32 s12, s5  }
0x19: {  	s15 =	sxor.u32 @!p1 $0xFFFFFFFF, s12;
	s16 =	sshll.u32 @!p1 s11, $0x12  }
0x1a: {  	s17 =	sshll.u32 @!p1 s10, $0x4;
	s19 =	simm.s32 @!p1 $0x40;
	s20 =	simm.s32 @!p1 $0x80  }
0x1b: {  	s15 =	sshll.u32 @!p1 s15, $0xE;
	s17 =	sand.u32 @!p1 $0x3FFF0, s17;
	s18 =	sadd.s32 @!p1 s6, s16  }
0x1c: {  	s16 =	sadd.s32 @!p1 s16, s7;
	s15 =	sand.u32 @!p1 $0x4000, s15;
	s18 =	sadd.s32 @!p1 s17, s18  }
0x1d: {  	[tilespmem:s15], [sflag:$0x1] =	stream.strided.gather @!p1 [hbm4b:s18+s19], $0x2000, s20, s19, $0x38;
	[tilespmem:$0x10100] =	vst v63  }
0x1e: {  	s31 =	sadd.s32 $0xFFFFFFFF, s12;
	s16 =	sadd.s32 @!p1 s17, s16;
	s15 =	sor.u32 @!p1 $0x2000, s15  }
0x1f: {  	[tilespmem:s15], [sflag:$0x1] =	stream.strided.gather @!p1 [hbm4b:s16+s19], $0x2000, s20, s19, $0x38;
	[tilespmem:$0x10100] =	vst v63  }
0x20: {  	p1 =	sge.u32 s31, s5  }
.Ltmp2:
0x21: {  	_ = 	snop;
	(pc) =	sbr.rel @p1 .LBB1_7-.Ltmp2, $1  }
0x22: {  	_ =	sdelay $0x3  }
0x23: {  	s15 =	simm.s32 $0x1;
	s17 =	sand.u32 $0x1, s12  }
0x24: {  	_ =	swait.ge [sflag:s4], $0x4000;
	s15 =	simm.s32 @!p0 $0x0;
	s17 =	smul.u32 $0x10200, s17  }
0x25: {  	p2 =	por $0x1, $0x1;
	[sflag:s4] =	ssyncset.done $0x0;
	s16 =	smul.u32 $0x10200, s15  }
0x26: {  	s18 =	sshll.u32 s15, $0x10;
	[sflag:s4] =	ssyncadd.s32 $0xFFFFC000;
	s30 =	sshrl.u32 s17, $0x2  }
0x27: {  	s31 =	sshrl.u32 s18, $0x2;
	s18 =	simm.s32 $0x0;
	s16 =	sshrl.u32 s16, $0x2  }
0x28: {  	s15 =	sor.u32 $0x8000, s30;
	s17 =	sadd.s32 $0x20, s31;
	s16 =	sor.u32 $0x8000, s16  }
.LBB1_3:
0x29: {  	s19 =	sshll.u32 s18, $0xD  }
0x2a: {  	s19 =	sand.u32 $0x3FFFE000, s19  }
0x2b: {  	s21 =	sadd.s32 s19, s17  }
0x2c: {  	s31 =	smul.u32 $0x8100, s18;
	v3 =	vld [tilespmem:s21+$0x10]  }
0x2d: {  	v1 =	vld [tilespmem:s21+$0xFFFFFFF0]  }
0x2e: {  	s18 =	sshra.s32 s31, $0x2;
	v0 =	vld [tilespmem:s21+$0x0]  }
0x2f: {  	s18 =	sadd.s32 s18, s16;
	v2 =	vld [tilespmem:s21+$0xFFFFFFE0]  }
0x30: {  	s19 =	sadd.s32 $0x0, s18  }
0x31: {  	p1 =	por p2, p2;
	s20 =	simm.s32 $0x4;
	s21 =	sadd.s32 $0x40, s21;
	[tilespmem:s19+$0x1830 ss:$0x81] =	vst.msk $0xffff, v3  }
.LBB1_4:
0x32: {  	v3 =	vld [tilespmem:s21+$0x10];
	p2 =	sne.s32 s20, $0x1FC;
	[tilespmem:s19+$0x810 ss:$0x81] =	vst.msk $0xffff, v1;
	s22 =	smov.u32 s20;
	s20 =	sadd.s32 $0x4, s20  }
.Ltmp3:
0x33: {  	v1 =	vld [tilespmem:s21+$0xFFFFFFF0];
	[tilespmem:s19+$0x1020 ss:$0x81] =	vst.msk $0xffff, v0;
	(pc) =	sbr.rel @p2 .LBB1_4-.Ltmp3, $4  }
0x34: {  	v0 =	vld [tilespmem:s21+$0x0];
	[tilespmem:s19+$0x0 ss:$0x81] =	vst.msk $0xffff, v2  }
0x35: {  	s19 =	sshra.s32 s22, $0x2;
	v2 =	vld [tilespmem:s21+$0xFFFFFFE0]  }
0x36: {  	s19 =	sadd.s32 s19, s18  }
0x37: {  	s21 =	sadd.s32 $0x40, s21;
	[tilespmem:s19+$0x1830 ss:$0x81] =	vst.msk $0xffff, v3  }
.Ltmp4:
0x38: {  	(pc) =	sbr.rel @p1 .LBB1_3-.Ltmp4, $4  }
0x39: {  	_ = 	snop  }
0x3a: {  	[tilespmem:s19+$0x810 ss:$0x81] =	vst.msk $0xffff, v1  }
0x3b: {  	[tilespmem:s19+$0x1020 ss:$0x81] =	vst.msk $0xffff, v0  }
0x3c: {  	s18 =	simm.s32 $0x1;
	p2 =	por $0x0, $0x0;
	[tilespmem:s19+$0x0 ss:$0x81] =	vst.msk $0xffff, v2  }
0x3d: {  	s16 =	sshll.u32 s13, $0x3;
	s17 =	sand.u32 $0x78, s13;
	s14 =	sshll.u32 s14, $0x11  }
.Ltmp5:
0x3e: {  	s30 =	sand.u32 $0x1F800, s13;
	s16 =	sand.u32 $0x3C00, s16;
	(pc) =	sbr.rel .LBB1_7-.Ltmp5, $4  }
0x3f: {  	s31 =	sand.u32 $0x7, s13;
	s14 =	sadd.s32 s3, s14;
	s16 =	sor.u32 s17, s16  }
0x40: {  	s13 =	sshll.u32 s31, $0x12;
	s14 =	sadd.s32 s30, s14;
	s16 =	sshrl.u32 s16, $0x3  }
0x41: {  	s13 =	sor.u32 $0x400, s13;
	s14 =	sadd.s32 s16, s14  }
0x42: {  	[hbm4b:s14+s13] =	stream.strided.scatter [tilespmem:s15], [sflag:$0x2], $0x4000, s9, s13, $0x20;
	[tilespmem:$0x10100] =	vst v63  }
.LBB1_8:
0x43: {  	_ =	sfence.sel $0x180000  }
0x44: {  	s2 =	simm.s32 $0x1;
	[bflag:$0x0] =	sbarrier.arrive $0xFFFF  }
0x45: {  	s31 =	simm.s32 $0x2;
	[sflag:s2] =	ssyncpa.u1 $0x1  }
0x46: {  	[sflag:s31] =	ssyncpa.u1 $0x1  }
0x47: {  	p0 =	sne.s32 s0, $0x0;
	_ =	strace $0x9000004A  }
0x48: {  	s0 =	sadd.s32 @!p0 $0x100000, s1;
	[bflag:$0x2] =	sbarrier.arrive $0xFFFF  }
0x49: {  	[sflag:s0] =	ssyncadd.tile.s32 @!p0 $0x1;
	_ =	shalt  }
.Lfunc_end1:
_tile_overlayer_lowered:
.L_overlay_start_2:
0x4a: {  	(tag) =	ssettag $0x2  }
0x4b: {  	s0 =	rddreg [dreg:$0x0];
	s2 =	stileid.u32  }
0x4c: {  	s1 =	rddreg [dreg:$0x1];
	p0 =	sne.s32 s2, $0x0  }
0x4d: {  	s3 =	rddreg [dreg:$0x2];
	[bflag:$0x3] =	sbarrier.arrive $0xFFFF;
	s2 =	simm.s32 @!p0 $0x1C01  }
0x4e: {  	[timem:s3], [sflag:s2] =	dma.local @!p0 [hbm:s0], s1  }
0x4f: {  	s0 =	simm.s32 @!p0 $0x1  }
0x50: {  	_ =	swait.ge @!p0 [sflag:s0], s1  }
0x51: {  	s1 =	ssub.s32 @!p0 $0x0, s1;
	[sflag:s0] =	ssyncset.done @!p0 $0x0  }
0x52: {  	[sflag:s0] =	ssyncadd.s32 @!p0 s1  }
0x53: {  	[bflag:$0x3] =	sbarrier.arrive $0xFFFF  }
0x54: {  	_ =	shalt  }

</sc_bundles>
